<compile_context>
chip_gen: v7x
topology: tpu7x:2x2x1
jax: 0.10.2.dev20260603
libtpu: 0.0.44.dev20260713+nightly
codegen_flags: <defaults>
</compile_context>

<pallas_src>
import functools

import jax
import jax.numpy as jnp
from jax import lax
from jax.experimental import pallas as pl
from jax.experimental.pallas import tpu as pltpu
from jax.experimental.pallas import tpu_sc as plsc

N = 10000
E = 320000
D_NODE = 128
D_EDGE = 16
D_OUT = 128
W_ED = 128

NC = 2
NS = 16
NW = NC * NS
C = 80

NCHUNKS = E // C
FULL_ITERS = NCHUNKS // NW
TAIL = NCHUNKS - FULL_ITERS * NW

ROWS_PER_TILE = 624
ROW_REM = N - NS * ROWS_PER_TILE


def _sc_gather_body(x_hbm, src_hbm, dst_hbm, accx_out,
                    src0, src1, src2, dst0, dst1, dst2,
                    rows0, rows1, rows2, accx_sh,
                    si0, si1, si2, sg0, sg1, sg2, ss0, ss1, ss2):
    cid = lax.axis_index("c")
    sid = lax.axis_index("s")
    wid = sid * NC + cid
    src_v = (src0, src1, src2)
    dst_v = (dst0, dst1, dst2)
    rows_v = (rows0, rows1, rows2)
    sem_i = (si0, si1, si2)
    sem_g = (sg0, sg1, sg2)
    sem_s = (ss0, ss1, ss2)

    def _zero_rows(i, _):
        for j in range(D_NODE // 16):
            rows0[i, pl.ds(j * 16, 16)] = jnp.zeros((16,), jnp.float32)
        return 0
    lax.fori_loop(0, C, _zero_rows, 0)

    r0 = sid * ROWS_PER_TILE
    for k in range(ROWS_PER_TILE // C):
        pltpu.sync_copy(rows0, accx_sh.at[pl.ds(r0 + k * C, C)])
    rem = ROWS_PER_TILE - (ROWS_PER_TILE // C) * C
    pltpu.sync_copy(rows0.at[pl.ds(0, rem)],
                    accx_sh.at[pl.ds(r0 + ROWS_PER_TILE - rem, rem)])

    @pl.when(sid == 0)
    def _():
        pltpu.sync_copy(rows0.at[pl.ds(0, ROW_REM)],
                        accx_sh.at[pl.ds(NS * ROWS_PER_TILE, ROW_REM)])

    plsc.subcore_barrier()

    def _off(j):
        return (wid + j * NW) * C

    iters = FULL_ITERS + jnp.where(wid < TAIL, 1, 0)

    pltpu.sync_copy(src_hbm.at[pl.ds(_off(0), C)], src0)
    pltpu.sync_copy(dst_hbm.at[pl.ds(_off(0), C)], dst0)
    pltpu.async_copy(x_hbm.at[src0], rows0, sg0)
    pltpu.async_copy(src_hbm.at[pl.ds(_off(1), C)], src1, si1)
    pltpu.async_copy(dst_hbm.at[pl.ds(_off(1), C)], dst1, si1)

    def _iter(j, _):
        p = j % 3
        for par in (0, 1, 2):
            @pl.when(p == par)
            def _():
                q1 = (par + 1) % 3
                q2 = (par + 2) % 3

                @pl.when(j >= 1)
                def _():
                    pltpu.make_async_copy(
                        rows_v[q2], accx_sh.at[dst_v[q2]], sem_s[q2]).wait()

                @pl.when(j + 1 < iters)
                def _():
                    pltpu.make_async_copy(
                        src_hbm.at[pl.ds(_off(j + 1), C)], src_v[q1],
                        sem_i[q1]).wait()
                    pltpu.make_async_copy(
                        dst_hbm.at[pl.ds(_off(j + 1), C)], dst_v[q1],
                        sem_i[q1]).wait()
                    pltpu.async_copy(x_hbm.at[src_v[q1]], rows_v[q1], sem_g[q1])

                @pl.when(j + 2 < iters)
                def _():
                    pltpu.async_copy(
                        src_hbm.at[pl.ds(_off(j + 2), C)], src_v[q2], sem_i[q2])
                    pltpu.async_copy(
                        dst_hbm.at[pl.ds(_off(j + 2), C)], dst_v[q2], sem_i[q2])

                pltpu.make_async_copy(
                    x_hbm.at[src_v[par]], rows_v[par], sem_g[par]).wait()
                pltpu.async_copy(rows_v[par], accx_sh.at[dst_v[par]],
                                 sem_s[par], add=True)
        return 0

    lax.fori_loop(0, iters, _iter, 0)

    for par in (0, 1, 2):
        @pl.when((iters - 1) % 3 == par)
        def _():
            pltpu.make_async_copy(rows_v[par], accx_sh.at[dst_v[par]],
                                  sem_s[par]).wait()

    plsc.subcore_barrier()

    pltpu.sync_copy(accx_sh.at[pl.ds(r0, ROWS_PER_TILE)],
                    accx_out.at[pl.ds(cid * N + r0, ROWS_PER_TILE)])

    @pl.when(sid == 0)
    def _():
        b = NS * ROWS_PER_TILE
        pltpu.sync_copy(accx_sh.at[pl.ds(b, ROW_REM)],
                        accx_out.at[pl.ds(cid * N + b, ROW_REM)])


_sc_gather_x = functools.partial(
    pl.kernel,
    out_type=jax.ShapeDtypeStruct((NC * N, D_NODE), jnp.float32),
    mesh=plsc.VectorSubcoreMesh(core_axis_name="c", subcore_axis_name="s",
                                num_cores=NC, num_subcores=NS),
    scratch_types=[
        pltpu.VMEM((C,), jnp.int32),
        pltpu.VMEM((C,), jnp.int32),
        pltpu.VMEM((C,), jnp.int32),
        pltpu.VMEM((C,), jnp.int32),
        pltpu.VMEM((C,), jnp.int32),
        pltpu.VMEM((C,), jnp.int32),
        pltpu.VMEM((C, D_NODE), jnp.float32),
        pltpu.VMEM((C, D_NODE), jnp.float32),
        pltpu.VMEM((C, D_NODE), jnp.float32),
        pltpu.VMEM_SHARED((N, D_NODE), jnp.float32),
    ] + [pltpu.SemaphoreType.DMA] * 9,
)(_sc_gather_body)


def _sc_edge_body(dst_hbm, ea_hbm, ed_out,
                  dst0, dst1, ea0, ea1, msg0, msg1, ed_sh,
                  sl0, sl1, ss0, ss1):
    cid = lax.axis_index("c")
    sid = lax.axis_index("s")
    wid = sid * NC + cid
    dst_v = (dst0, dst1)
    ea_v = (ea0, ea1)
    msg_v = (msg0, msg1)
    sem_l = (sl0, sl1)
    sem_s = (ss0, ss1)

    count_col = jnp.where(lax.iota(jnp.int32, 16) == 0, 1.0, 0.0)

    def _init_rows(i, _):
        for j in range(W_ED // 16):
            msg0[i, pl.ds(j * 16, 16)] = jnp.zeros((16,), jnp.float32)
            msg1[i, pl.ds(j * 16, 16)] = jnp.zeros((16,), jnp.float32)
        return 0
    lax.fori_loop(0, C, _init_rows, 0)

    r0 = sid * ROWS_PER_TILE
    for k in range(ROWS_PER_TILE // C):
        pltpu.sync_copy(msg0, ed_sh.at[pl.ds(r0 + k * C, C)])
    rem = ROWS_PER_TILE - (ROWS_PER_TILE // C) * C
    pltpu.sync_copy(msg0.at[pl.ds(0, rem)],
                    ed_sh.at[pl.ds(r0 + ROWS_PER_TILE - rem, rem)])

    @pl.when(sid == 0)
    def _():
        pltpu.sync_copy(msg0.at[pl.ds(0, ROW_REM)],
                        ed_sh.at[pl.ds(NS * ROWS_PER_TILE, ROW_REM)])

    plsc.subcore_barrier()

    def _set_count(i, _):
        msg0[i, pl.ds(16, 16)] = count_col
        msg1[i, pl.ds(16, 16)] = count_col
        return 0
    lax.fori_loop(0, C, _set_count, 0)

    def _off(j):
        return (wid + j * NW) * C

    pltpu.sync_copy(dst_hbm.at[pl.ds(_off(0), C)], dst0)
    pltpu.sync_copy(ea_hbm.at[pl.ds(_off(0), C)], ea0)

    iters = FULL_ITERS + jnp.where(wid < TAIL, 1, 0)

    def _iter(j, _):
        p = j % 2
        for par in (0, 1):
            @pl.when(p == par)
            def _():
                d_v, e_v, m_v = dst_v[par], ea_v[par], msg_v[par]
                d_vq, e_vq = dst_v[1 - par], ea_v[1 - par]

                @pl.when(j >= 1)
                def _():
                    pltpu.make_async_copy(
                        dst_hbm.at[pl.ds(_off(j), C)], d_v, sem_l[par]).wait()
                    pltpu.make_async_copy(
                        ea_hbm.at[pl.ds(_off(j), C)], e_v, sem_l[par]).wait()

                def _merge(i, _):
                    m_v[i, pl.ds(0, 16)] = e_v[i, :]
                    return 0
                lax.fori_loop(0, C, _merge, 0)

                pltpu.async_copy(m_v, ed_sh.at[d_v], sem_s[par], add=True)

                @pl.when(j >= 1)
                def _():
                    pltpu.make_async_copy(
                        msg_v[1 - par], ed_sh.at[d_vq], sem_s[1 - par]).wait()

                @pl.when(j + 1 < iters)
                def _():
                    pltpu.async_copy(
                        dst_hbm.at[pl.ds(_off(j + 1), C)], d_vq, sem_l[1 - par])
                    pltpu.async_copy(
                        ea_hbm.at[pl.ds(_off(j + 1), C)], e_vq, sem_l[1 - par])
        return 0

    lax.fori_loop(0, iters, _iter, 0)

    for par in (0, 1):
        @pl.when((iters - 1) % 2 == par)
        def _():
            pltpu.make_async_copy(msg_v[par], ed_sh.at[dst_v[par]],
                                  sem_s[par]).wait()

    plsc.subcore_barrier()

    pltpu.sync_copy(ed_sh.at[pl.ds(r0, ROWS_PER_TILE)],
                    ed_out.at[pl.ds(cid * N + r0, ROWS_PER_TILE)])

    @pl.when(sid == 0)
    def _():
        b = NS * ROWS_PER_TILE
        pltpu.sync_copy(ed_sh.at[pl.ds(b, ROW_REM)],
                        ed_out.at[pl.ds(cid * N + b, ROW_REM)])


_sc_edge = functools.partial(
    pl.kernel,
    out_type=jax.ShapeDtypeStruct((NC * N, W_ED), jnp.float32),
    mesh=plsc.VectorSubcoreMesh(core_axis_name="c", subcore_axis_name="s",
                                num_cores=NC, num_subcores=NS),
    scratch_types=[
        pltpu.VMEM((C,), jnp.int32),
        pltpu.VMEM((C,), jnp.int32),
        pltpu.VMEM((C, D_EDGE), jnp.float32),
        pltpu.VMEM((C, D_EDGE), jnp.float32),
        pltpu.VMEM((C, W_ED), jnp.float32),
        pltpu.VMEM((C, W_ED), jnp.float32),
        pltpu.VMEM_SHARED((N, W_ED), jnp.float32),
        pltpu.SemaphoreType.DMA,
        pltpu.SemaphoreType.DMA,
        pltpu.SemaphoreType.DMA,
        pltpu.SemaphoreType.DMA,
    ],
)(_sc_edge_body)


def _tc_body(accx_ref, ed_ref, w_ref, b_ref, out_ref):
    sx = accx_ref[pl.ds(0, N), :] + accx_ref[pl.ds(N, N), :]
    ed = ed_ref[pl.ds(0, N), :] + ed_ref[pl.ds(N, N), :]
    se = ed[:, 0:D_EDGE]
    d = ed[:, D_EDGE:D_EDGE + 1]
    inv = 1.0 / jnp.maximum(d, 1.0)
    feat = jnp.dot(se, w_ref[pl.ds(0, D_EDGE), :],
                   preferred_element_type=jnp.float32)
    feat += jnp.dot(sx, w_ref[pl.ds(D_EDGE, D_NODE), :],
                    preferred_element_type=jnp.float32)
    out_ref[...] = jnp.maximum(feat * inv + b_ref[...], 0.0)


def kernel(x, edge_index, edge_attr, weight, bias):
    src = edge_index[0]
    dst = edge_index[1]
    accx = _sc_gather_x(x, src, dst)
    ed = _sc_edge(dst, edge_attr)
    out = pl.pallas_call(
        _tc_body,
        out_shape=jax.ShapeDtypeStruct((N, D_OUT), jnp.float32),
    )(accx, ed, weight, bias.reshape(1, D_OUT))
    return out

# --- scband reference (transcript-rebuilt; emitter-appended) ---
"""Pipeline reference for scband-mol-conv-51049981280383 (READ-ONLY COPY).

The authoritative reference and input builder live on the scoring server;
editing this copy changes nothing except your own understanding.
"""

import jax, jax.numpy as jnp
import numpy as np

N = 10000
E = 320000
D_NODE = 128
D_EDGE = 16
D_OUT = 128


def setup_inputs(seed: int = 0) -> dict:
    key = jax.random.key(seed)
    k1, k2, k3, k4 = jax.random.split(key, 4)
    x = jax.random.normal(k1, (N, D_NODE), dtype=jnp.float32)
    edge_index = jax.random.randint(k2, (2, E), 0, N, dtype=jnp.int32)
    edge_attr = jax.random.normal(k3, (E, D_EDGE), dtype=jnp.float32)
    # xavier_uniform for weight [in_feats, out_feats], in_feats = node + edge feats
    in_feats = D_NODE + D_EDGE
    limit = float(np.sqrt(6.0 / (in_feats + D_OUT)))
    weight = jax.random.uniform(k4, (in_feats, D_OUT), minval=-limit, maxval=limit, dtype=jnp.float32)
    bias = jnp.zeros((D_OUT,), dtype=jnp.float32)
    return {"x": x, "edge_index": edge_index, "edge_attr": edge_attr, "weight": weight, "bias": bias}


def reference(x, edge_index, edge_attr, weight, bias):
    src = edge_index[0]
    dst = edge_index[1]
    n = x.shape[0]
    # in-degree of each node (edges point src -> dst)
    deg = jnp.zeros((n,), dtype=x.dtype).at[dst].add(1.0)
    norm = jnp.power(jnp.maximum(deg, 1.0), -0.5)[:, None]
    # message: cat([edge_feats, src_h], -1), then sum over incoming edges at dst
    msgs = jnp.concatenate([edge_attr, jnp.take(x, src, axis=0)], axis=-1)
    sum_f = jax.ops.segment_sum(msgs, dst, num_segments=n)
    feat = sum_f * norm
    feat = jnp.matmul(feat, weight)
    feat = feat * norm
    feat = feat + bias
    return jax.nn.relu(feat)

if __name__ == "__main__":
    import jax
    _d = setup_inputs()
    print(jax.jit(kernel)(*tuple(_d.values())))

</pallas_src>

<mosaic_0001>
#map = affine_map<(d0, d1) -> (0, 0)>
#map1 = affine_map<(d0, d1) -> (0)>
module attributes {stable_mosaic.version = 14 : i64} {
  func.func @_sc_gather_body(%arg0: i32, %arg1: i32, %arg2: memref<10000x128xf32, #tpu.memory_space<hbm>>, %arg3: memref<320000xi32, #tpu.memory_space<hbm>>, %arg4: memref<320000xi32, #tpu.memory_space<hbm>>, %arg5: memref<20000x128xf32, #tpu.memory_space<hbm>>, %arg6: memref<80xi32, #tpu.memory_space<vmem>>, %arg7: memref<80xi32, #tpu.memory_space<vmem>>, %arg8: memref<80xi32, #tpu.memory_space<vmem>>, %arg9: memref<80xi32, #tpu.memory_space<vmem>>, %arg10: memref<80xi32, #tpu.memory_space<vmem>>, %arg11: memref<80xi32, #tpu.memory_space<vmem>>, %arg12: memref<80x128xf32, #tpu.memory_space<vmem>>, %arg13: memref<80x128xf32, #tpu.memory_space<vmem>>, %arg14: memref<80x128xf32, #tpu.memory_space<vmem>>, %arg15: memref<10000x128xf32, #tpu.memory_space<vmem_shared>>, %arg16: memref<!tpu.dma_semaphore, #tpu.memory_space<semaphore_mem>>, %arg17: memref<!tpu.dma_semaphore, #tpu.memory_space<semaphore_mem>>, %arg18: memref<!tpu.dma_semaphore, #tpu.memory_space<semaphore_mem>>, %arg19: memref<!tpu.dma_semaphore, #tpu.memory_space<semaphore_mem>>, %arg20: memref<!tpu.dma_semaphore, #tpu.memory_space<semaphore_mem>>, %arg21: memref<!tpu.dma_semaphore, #tpu.memory_space<semaphore_mem>>, %arg22: memref<!tpu.dma_semaphore, #tpu.memory_space<semaphore_mem>>, %arg23: memref<!tpu.dma_semaphore, #tpu.memory_space<semaphore_mem>>, %arg24: memref<!tpu.dma_semaphore, #tpu.memory_space<semaphore_mem>>) attributes {dimension_semantics = [#tpu.dimension_semantics<core_parallel>, #tpu.dimension_semantics<subcore_parallel>], iteration_bounds = array<i64: 2, 16>, scalar_prefetch = 0 : i64, scratch_operands = 19 : i64, tpu.core_type = #tpu.core_type<sc_vector_subcore>, window_params = [{transform_indices = #map}, {transform_indices = #map1}, {transform_indices = #map1}, {transform_indices = #map}]} {
    %mul3A = arith.constant 2 : i32
    %mul3A_0 = arith.muli %arg1, %mul3A : i32
    %add3A = arith.addi %mul3A_0, %arg0 : i32
    %scan3A = arith.constant 0 : i32
    %scan3A_1 = arith.constant 0 : i32
    %scan3A_2 = arith.constant 80 : i32
    %scan3A_3 = arith.addi %scan3A_1, %scan3A_2 : i32
    %scan3A_4 = arith.constant 1 : i32
    %scan3A_5 = scf.for %scan3A_140 = %scan3A_1 to %scan3A_3 step %scan3A_4 iter_args(%scan3A_141 = %scan3A) -> (i32)  : i32 {
      %broadcast_in_dim3A = arith.constant 0.000000e+00 : f32
      %broadcast_in_dim3A_142 = vector.broadcast %broadcast_in_dim3A : f32 to vector<16xf32>
      %swap3A = arith.index_cast %scan3A_140 : i32 to index
      %swap3A_143 = arith.constant 0 : index
      %swap3A_144 = tpu.vector_load %arg12[%swap3A, %swap3A_143] {strides = array<i32>} : memref<80x128xf32, #tpu.memory_space<vmem>>, vector<1x16xf32>,
      %swap3A_145 = vector.shape_cast %swap3A_144 : vector<1x16xf32> to vector<16xf32>
      %swap3A_146 = vector.shape_cast %broadcast_in_dim3A_142 : vector<16xf32> to vector<1x16xf32>
      tpu.vector_store %arg12[%swap3A, %swap3A_143], %swap3A_146 {strides = array<i32>} : memref<80x128xf32, #tpu.memory_space<vmem>>, vector<1x16xf32>,
      %broadcast_in_dim3A_147 = arith.constant 0.000000e+00 : f32
      %broadcast_in_dim3A_148 = vector.broadcast %broadcast_in_dim3A_147 : f32 to vector<16xf32>
      %swap3A_149 = arith.index_cast %scan3A_140 : i32 to index
      %swap3A_150 = arith.constant 16 : index
      %swap3A_151 = tpu.vector_load %arg12[%swap3A_149, %swap3A_150] {strides = array<i32>} : memref<80x128xf32, #tpu.memory_space<vmem>>, vector<1x16xf32>,
      %swap3A_152 = vector.shape_cast %swap3A_151 : vector<1x16xf32> to vector<16xf32>
      %swap3A_153 = vector.shape_cast %broadcast_in_dim3A_148 : vector<16xf32> to vector<1x16xf32>
      tpu.vector_store %arg12[%swap3A_149, %swap3A_150], %swap3A_153 {strides = array<i32>} : memref<80x128xf32, #tpu.memory_space<vmem>>, vector<1x16xf32>,
      %broadcast_in_dim3A_154 = arith.constant 0.000000e+00 : f32
      %broadcast_in_dim3A_155 = vector.broadcast %broadcast_in_dim3A_154 : f32 to vector<16xf32>
      %swap3A_156 = arith.index_cast %scan3A_140 : i32 to index
      %swap3A_157 = arith.constant 32 : index
      %swap3A_158 = tpu.vector_load %arg12[%swap3A_156, %swap3A_157] {strides = array<i32>} : memref<80x128xf32, #tpu.memory_space<vmem>>, vector<1x16xf32>,
      %swap3A_159 = vector.shape_cast %swap3A_158 : vector<1x16xf32> to vector<16xf32>
      %swap3A_160 = vector.shape_cast %broadcast_in_dim3A_155 : vector<16xf32> to vector<1x16xf32>
      tpu.vector_store %arg12[%swap3A_156, %swap3A_157], %swap3A_160 {strides = array<i32>} : memref<80x128xf32, #tpu.memory_space<vmem>>, vector<1x16xf32>,
      %broadcast_in_dim3A_161 = arith.constant 0.000000e+00 : f32
      %broadcast_in_dim3A_162 = vector.broadcast %broadcast_in_dim3A_161 : f32 to vector<16xf32>
      %swap3A_163 = arith.index_cast %scan3A_140 : i32 to index
      %swap3A_164 = arith.constant 48 : index
      %swap3A_165 = tpu.vector_load %arg12[%swap3A_163, %swap3A_164] {strides = array<i32>} : memref<80x128xf32, #tpu.memory_space<vmem>>, vector<1x16xf32>,
      %swap3A_166 = vector.shape_cast %swap3A_165 : vector<1x16xf32> to vector<16xf32>
      %swap3A_167 = vector.shape_cast %broadcast_in_dim3A_162 : vector<16xf32> to vector<1x16xf32>
      tpu.vector_store %arg12[%swap3A_163, %swap3A_164], %swap3A_167 {strides = array<i32>} : memref<80x128xf32, #tpu.memory_space<vmem>>, vector<1x16xf32>,
      %broadcast_in_dim3A_168 = arith.constant 0.000000e+00 : f32
      %broadcast_in_dim3A_169 = vector.broadcast %broadcast_in_dim3A_168 : f32 to vector<16xf32>
      %swap3A_170 = arith.index_cast %scan3A_140 : i32 to index
      %swap3A_171 = arith.constant 64 : index
      %swap3A_172 = tpu.vector_load %arg12[%swap3A_170, %swap3A_171] {strides = array<i32>} : memref<80x128xf32, #tpu.memory_space<vmem>>, vector<1x16xf32>,
      %swap3A_173 = vector.shape_cast %swap3A_172 : vector<1x16xf32> to vector<16xf32>
      %swap3A_174 = vector.shape_cast %broadcast_in_dim3A_169 : vector<16xf32> to vector<1x16xf32>
      tpu.vector_store %arg12[%swap3A_170, %swap3A_171], %swap3A_174 {strides = array<i32>} : memref<80x128xf32, #tpu.memory_space<vmem>>, vector<1x16xf32>,
      %broadcast_in_dim3A_175 = arith.constant 0.000000e+00 : f32
      %broadcast_in_dim3A_176 = vector.broadcast %broadcast_in_dim3A_175 : f32 to vector<16xf32>
      %swap3A_177 = arith.index_cast %scan3A_140 : i32 to index
      %swap3A_178 = arith.constant 80 : index
      %swap3A_179 = tpu.vector_load %arg12[%swap3A_177, %swap3A_178] {strides = array<i32>} : memref<80x128xf32, #tpu.memory_space<vmem>>, vector<1x16xf32>,
      %swap3A_180 = vector.shape_cast %swap3A_179 : vector<1x16xf32> to vector<16xf32>
      %swap3A_181 = vector.shape_cast %broadcast_in_dim3A_176 : vector<16xf32> to vector<1x16xf32>
      tpu.vector_store %arg12[%swap3A_177, %swap3A_178], %swap3A_181 {strides = array<i32>} : memref<80x128xf32, #tpu.memory_space<vmem>>, vector<1x16xf32>,
      %broadcast_in_dim3A_182 = arith.constant 0.000000e+00 : f32
      %broadcast_in_dim3A_183 = vector.broadcast %broadcast_in_dim3A_182 : f32 to vector<16xf32>
      %swap3A_184 = arith.index_cast %scan3A_140 : i32 to index
      %swap3A_185 = arith.constant 96 : index
      %swap3A_186 = tpu.vector_load %arg12[%swap3A_184, %swap3A_185] {strides = array<i32>} : memref<80x128xf32, #tpu.memory_space<vmem>>, vector<1x16xf32>,
      %swap3A_187 = vector.shape_cast %swap3A_186 : vector<1x16xf32> to vector<16xf32>
      %swap3A_188 = vector.shape_cast %broadcast_in_dim3A_183 : vector<16xf32> to vector<1x16xf32>
      tpu.vector_store %arg12[%swap3A_184, %swap3A_185], %swap3A_188 {strides = array<i32>} : memref<80x128xf32, #tpu.memory_space<vmem>>, vector<1x16xf32>,
      %broadcast_in_dim3A_189 = arith.constant 0.000000e+00 : f32
      %broadcast_in_dim3A_190 = vector.broadcast %broadcast_in_dim3A_189 : f32 to vector<16xf32>
      %swap3A_191 = arith.index_cast %scan3A_140 : i32 to index
      %swap3A_192 = arith.constant 112 : index
      %swap3A_193 = tpu.vector_load %arg12[%swap3A_191, %swap3A_192] {strides = array<i32>} : memref<80x128xf32, #tpu.memory_space<vmem>>, vector<1x16xf32>,
      %swap3A_194 = vector.shape_cast %swap3A_193 : vector<1x16xf32> to vector<16xf32>
      %swap3A_195 = vector.shape_cast %broadcast_in_dim3A_190 : vector<16xf32> to vector<1x16xf32>
      tpu.vector_store %arg12[%swap3A_191, %swap3A_192], %swap3A_195 {strides = array<i32>} : memref<80x128xf32, #tpu.memory_space<vmem>>, vector<1x16xf32>,
      %scan3A_196 = arith.constant 0 : i32
      scf.yield %scan3A_196 : i32
    }
    %scan3A_6 = arith.constant 80 : i32
    %mul3A_7 = arith.constant 624 : i32
    %mul3A_8 = arith.muli %arg1, %mul3A_7 : i32
    %add3A_9 = arith.constant 0 : i32
    %add3A_10 = arith.addi %mul3A_8, %add3A_9 : i32
    "tpu.region"() ({
      %run_scoped3A = tpu.sem_alloc : memref<!tpu.dma_semaphore, #tpu.memory_space<semaphore_mem>>
      %dma_start3A_140 = arith.constant 0 : i32
      %dma_start3A_141 = tpu.memref_slice %arg15[%add3A_10, %dma_start3A_140] : memref<10000x128xf32, #tpu.memory_space<vmem_shared>> -> memref<80x128xf32, #tpu.memory_space<vmem_shared>>
      %dma_start3A_142 = arith.constant 0 : i32
      %dma_start3A_143 = tpu.memref_slice %arg15[%add3A_10, %dma_start3A_142] : memref<10000x128xf32, #tpu.memory_space<vmem_shared>> -> memref<80x128xf32, #tpu.memory_space<vmem_shared>>
      tpu.enqueue_dma source(%arg12 : memref<80x128xf32, #tpu.memory_space<vmem>>) target(%dma_start3A_143 : memref<80x128xf32, #tpu.memory_space<vmem_shared>>) target_semaphore(%run_scoped3A : memref<!tpu.dma_semaphore, #tpu.memory_space<semaphore_mem>>)
      %dma_wait3A = arith.constant 0 : i32
      %dma_wait3A_144 = tpu.memref_slice %arg15[%add3A_10, %dma_wait3A] : memref<10000x128xf32, #tpu.memory_space<vmem_shared>> -> memref<80x128xf32, #tpu.memory_space<vmem_shared>>
      %dma_wait3A_145 = arith.constant 0 : i32
      %dma_wait3A_146 = tpu.memref_slice %arg15[%add3A_10, %dma_wait3A_145] : memref<10000x128xf32, #tpu.memory_space<vmem_shared>> -> memref<80x128xf32, #tpu.memory_space<vmem_shared>>
      tpu.wait_dma2 semaphore(%run_scoped3A : memref<!tpu.dma_semaphore, #tpu.memory_space<semaphore_mem>>) src(%arg12 : memref<80x128xf32, #tpu.memory_space<vmem>>) dst(%dma_wait3A_146 : memref<80x128xf32, #tpu.memory_space<vmem_shared>>)
      tpu.yield
    }) : () -> ()
    %add3A_11 = arith.constant 80 : i32
    %add3A_12 = arith.addi %mul3A_8, %add3A_11 : i32
    "tpu.region"() ({
      %run_scoped3A = tpu.sem_alloc : memref<!tpu.dma_semaphore, #tpu.memory_space<semaphore_mem>>
      %dma_start3A_140 = arith.constant 0 : i32
      %dma_start3A_141 = tpu.memref_slice %arg15[%add3A_12, %dma_start3A_140] : memref<10000x128xf32, #tpu.memory_space<vmem_shared>> -> memref<80x128xf32, #tpu.memory_space<vmem_shared>>
      %dma_start3A_142 = arith.constant 0 : i32
      %dma_start3A_143 = tpu.memref_slice %arg15[%add3A_12, %dma_start3A_142] : memref<10000x128xf32, #tpu.memory_space<vmem_shared>> -> memref<80x128xf32, #tpu.memory_space<vmem_shared>>
      tpu.enqueue_dma source(%arg12 : memref<80x128xf32, #tpu.memory_space<vmem>>) target(%dma_start3A_143 : memref<80x128xf32, #tpu.memory_space<vmem_shared>>) target_semaphore(%run_scoped3A : memref<!tpu.dma_semaphore, #tpu.memory_space<semaphore_mem>>)
      %dma_wait3A = arith.constant 0 : i32
      %dma_wait3A_144 = tpu.memref_slice %arg15[%add3A_12, %dma_wait3A] : memref<10000x128xf32, #tpu.memory_space<vmem_shared>> -> memref<80x128xf32, #tpu.memory_space<vmem_shared>>
      %dma_wait3A_145 = arith.constant 0 : i32
      %dma_wait3A_146 = tpu.memref_slice %arg15[%add3A_12, %dma_wait3A_145] : memref<10000x128xf32, #tpu.memory_space<vmem_shared>> -> memref<80x128xf32, #tpu.memory_space<vmem_shared>>
      tpu.wait_dma2 semaphore(%run_scoped3A : memref<!tpu.dma_semaphore, #tpu.memory_space<semaphore_mem>>) src(%arg12 : memref<80x128xf32, #tpu.memory_space<vmem>>) dst(%dma_wait3A_146 : memref<80x128xf32, #tpu.memory_space<vmem_shared>>)
      tpu.yield
    }) : () -> ()
    %add3A_13 = arith.constant 160 : i32
    %add3A_14 = arith.addi %mul3A_8, %add3A_13 : i32
    "tpu.region"() ({
      %run_scoped3A = tpu.sem_alloc : memref<!tpu.dma_semaphore, #tpu.memory_space<semaphore_mem>>
      %dma_start3A_140 = arith.constant 0 : i32
      %dma_start3A_141 = tpu.memref_slice %arg15[%add3A_14, %dma_start3A_140] : memref<10000x128xf32, #tpu.memory_space<vmem_shared>> -> memref<80x128xf32, #tpu.memory_space<vmem_shared>>
      %dma_start3A_142 = arith.constant 0 : i32
      %dma_start3A_143 = tpu.memref_slice %arg15[%add3A_14, %dma_start3A_142] : memref<10000x128xf32, #tpu.memory_space<vmem_shared>> -> memref<80x128xf32, #tpu.memory_space<vmem_shared>>
      tpu.enqueue_dma source(%arg12 : memref<80x128xf32, #tpu.memory_space<vmem>>) target(%dma_start3A_143 : memref<80x128xf32, #tpu.memory_space<vmem_shared>>) target_semaphore(%run_scoped3A : memref<!tpu.dma_semaphore, #tpu.memory_space<semaphore_mem>>)
      %dma_wait3A = arith.constant 0 : i32
      %dma_wait3A_144 = tpu.memref_slice %arg15[%add3A_14, %dma_wait3A] : memref<10000x128xf32, #tpu.memory_space<vmem_shared>> -> memref<80x128xf32, #tpu.memory_space<vmem_shared>>
      %dma_wait3A_145 = arith.constant 0 : i32
      %dma_wait3A_146 = tpu.memref_slice %arg15[%add3A_14, %dma_wait3A_145] : memref<10000x128xf32, #tpu.memory_space<vmem_shared>> -> memref<80x128xf32, #tpu.memory_space<vmem_shared>>
      tpu.wait_dma2 semaphore(%run_scoped3A : memref<!tpu.dma_semaphore, #tpu.memory_space<semaphore_mem>>) src(%arg12 : memref<80x128xf32, #tpu.memory_space<vmem>>) dst(%dma_wait3A_146 : memref<80x128xf32, #tpu.memory_space<vmem_shared>>)
      tpu.yield
    }) : () -> ()
    %add3A_15 = arith.constant 240 : i32
    %add3A_16 = arith.addi %mul3A_8, %add3A_15 : i32
    "tpu.region"() ({
      %run_scoped3A = tpu.sem_alloc : memref<!tpu.dma_semaphore, #tpu.memory_space<semaphore_mem>>
      %dma_start3A_140 = arith.constant 0 : i32
      %dma_start3A_141 = tpu.memref_slice %arg15[%add3A_16, %dma_start3A_140] : memref<10000x128xf32, #tpu.memory_space<vmem_shared>> -> memref<80x128xf32, #tpu.memory_space<vmem_shared>>
      %dma_start3A_142 = arith.constant 0 : i32
      %dma_start3A_143 = tpu.memref_slice %arg15[%add3A_16, %dma_start3A_142] : memref<10000x128xf32, #tpu.memory_space<vmem_shared>> -> memref<80x128xf32, #tpu.memory_space<vmem_shared>>
      tpu.enqueue_dma source(%arg12 : memref<80x128xf32, #tpu.memory_space<vmem>>) target(%dma_start3A_143 : memref<80x128xf32, #tpu.memory_space<vmem_shared>>) target_semaphore(%run_scoped3A : memref<!tpu.dma_semaphore, #tpu.memory_space<semaphore_mem>>)
      %dma_wait3A = arith.constant 0 : i32
      %dma_wait3A_144 = tpu.memref_slice %arg15[%add3A_16, %dma_wait3A] : memref<10000x128xf32, #tpu.memory_space<vmem_shared>> -> memref<80x128xf32, #tpu.memory_space<vmem_shared>>
      %dma_wait3A_145 = arith.constant 0 : i32
      %dma_wait3A_146 = tpu.memref_slice %arg15[%add3A_16, %dma_wait3A_145] : memref<10000x128xf32, #tpu.memory_space<vmem_shared>> -> memref<80x128xf32, #tpu.memory_space<vmem_shared>>
      tpu.wait_dma2 semaphore(%run_scoped3A : memref<!tpu.dma_semaphore, #tpu.memory_space<semaphore_mem>>) src(%arg12 : memref<80x128xf32, #tpu.memory_space<vmem>>) dst(%dma_wait3A_146 : memref<80x128xf32, #tpu.memory_space<vmem_shared>>)
      tpu.yield
    }) : () -> ()
    %add3A_17 = arith.constant 320 : i32
    %add3A_18 = arith.addi %mul3A_8, %add3A_17 : i32
    "tpu.region"() ({
      %run_scoped3A = tpu.sem_alloc : memref<!tpu.dma_semaphore, #tpu.memory_space<semaphore_mem>>
      %dma_start3A_140 = arith.constant 0 : i32
      %dma_start3A_141 = tpu.memref_slice %arg15[%add3A_18, %dma_start3A_140] : memref<10000x128xf32, #tpu.memory_space<vmem_shared>> -> memref<80x128xf32, #tpu.memory_space<vmem_shared>>
      %dma_start3A_142 = arith.constant 0 : i32
      %dma_start3A_143 = tpu.memref_slice %arg15[%add3A_18, %dma_start3A_142] : memref<10000x128xf32, #tpu.memory_space<vmem_shared>> -> memref<80x128xf32, #tpu.memory_space<vmem_shared>>
      tpu.enqueue_dma source(%arg12 : memref<80x128xf32, #tpu.memory_space<vmem>>) target(%dma_start3A_143 : memref<80x128xf32, #tpu.memory_space<vmem_shared>>) target_semaphore(%run_scoped3A : memref<!tpu.dma_semaphore, #tpu.memory_space<semaphore_mem>>)
      %dma_wait3A = arith.constant 0 : i32
      %dma_wait3A_144 = tpu.memref_slice %arg15[%add3A_18, %dma_wait3A] : memref<10000x128xf32, #tpu.memory_space<vmem_shared>> -> memref<80x128xf32, #tpu.memory_space<vmem_shared>>
      %dma_wait3A_145 = arith.constant 0 : i32
      %dma_wait3A_146 = tpu.memref_slice %arg15[%add3A_18, %dma_wait3A_145] : memref<10000x128xf32, #tpu.memory_space<vmem_shared>> -> memref<80x128xf32, #tpu.memory_space<vmem_shared>>
      tpu.wait_dma2 semaphore(%run_scoped3A : memref<!tpu.dma_semaphore, #tpu.memory_space<semaphore_mem>>) src(%arg12 : memref<80x128xf32, #tpu.memory_space<vmem>>) dst(%dma_wait3A_146 : memref<80x128xf32, #tpu.memory_space<vmem_shared>>)
      tpu.yield
    }) : () -> ()
    %add3A_19 = arith.constant 400 : i32
    %add3A_20 = arith.addi %mul3A_8, %add3A_19 : i32
    "tpu.region"() ({
      %run_scoped3A = tpu.sem_alloc : memref<!tpu.dma_semaphore, #tpu.memory_space<semaphore_mem>>
      %dma_start3A_140 = arith.constant 0 : i32
      %dma_start3A_141 = tpu.memref_slice %arg15[%add3A_20, %dma_start3A_140] : memref<10000x128xf32, #tpu.memory_space<vmem_shared>> -> memref<80x128xf32, #tpu.memory_space<vmem_shared>>
      %dma_start3A_142 = arith.constant 0 : i32
      %dma_start3A_143 = tpu.memref_slice %arg15[%add3A_20, %dma_start3A_142] : memref<10000x128xf32, #tpu.memory_space<vmem_shared>> -> memref<80x128xf32, #tpu.memory_space<vmem_shared>>
      tpu.enqueue_dma source(%arg12 : memref<80x128xf32, #tpu.memory_space<vmem>>) target(%dma_start3A_143 : memref<80x128xf32, #tpu.memory_space<vmem_shared>>) target_semaphore(%run_scoped3A : memref<!tpu.dma_semaphore, #tpu.memory_space<semaphore_mem>>)
      %dma_wait3A = arith.constant 0 : i32
      %dma_wait3A_144 = tpu.memref_slice %arg15[%add3A_20, %dma_wait3A] : memref<10000x128xf32, #tpu.memory_space<vmem_shared>> -> memref<80x128xf32, #tpu.memory_space<vmem_shared>>
      %dma_wait3A_145 = arith.constant 0 : i32
      %dma_wait3A_146 = tpu.memref_slice %arg15[%add3A_20, %dma_wait3A_145] : memref<10000x128xf32, #tpu.memory_space<vmem_shared>> -> memref<80x128xf32, #tpu.memory_space<vmem_shared>>
      tpu.wait_dma2 semaphore(%run_scoped3A : memref<!tpu.dma_semaphore, #tpu.memory_space<semaphore_mem>>) src(%arg12 : memref<80x128xf32, #tpu.memory_space<vmem>>) dst(%dma_wait3A_146 : memref<80x128xf32, #tpu.memory_space<vmem_shared>>)
      tpu.yield
    }) : () -> ()
    %add3A_21 = arith.constant 480 : i32
    %add3A_22 = arith.addi %mul3A_8, %add3A_21 : i32
    "tpu.region"() ({
      %run_scoped3A = tpu.sem_alloc : memref<!tpu.dma_semaphore, #tpu.memory_space<semaphore_mem>>
      %dma_start3A_140 = arith.constant 0 : i32
      %dma_start3A_141 = tpu.memref_slice %arg15[%add3A_22, %dma_start3A_140] : memref<10000x128xf32, #tpu.memory_space<vmem_shared>> -> memref<80x128xf32, #tpu.memory_space<vmem_shared>>
      %dma_start3A_142 = arith.constant 0 : i32
      %dma_start3A_143 = tpu.memref_slice %arg15[%add3A_22, %dma_start3A_142] : memref<10000x128xf32, #tpu.memory_space<vmem_shared>> -> memref<80x128xf32, #tpu.memory_space<vmem_shared>>
      tpu.enqueue_dma source(%arg12 : memref<80x128xf32, #tpu.memory_space<vmem>>) target(%dma_start3A_143 : memref<80x128xf32, #tpu.memory_space<vmem_shared>>) target_semaphore(%run_scoped3A : memref<!tpu.dma_semaphore, #tpu.memory_space<semaphore_mem>>)
      %dma_wait3A = arith.constant 0 : i32
      %dma_wait3A_144 = tpu.memref_slice %arg15[%add3A_22, %dma_wait3A] : memref<10000x128xf32, #tpu.memory_space<vmem_shared>> -> memref<80x128xf32, #tpu.memory_space<vmem_shared>>
      %dma_wait3A_145 = arith.constant 0 : i32
      %dma_wait3A_146 = tpu.memref_slice %arg15[%add3A_22, %dma_wait3A_145] : memref<10000x128xf32, #tpu.memory_space<vmem_shared>> -> memref<80x128xf32, #tpu.memory_space<vmem_shared>>
      tpu.wait_dma2 semaphore(%run_scoped3A : memref<!tpu.dma_semaphore, #tpu.memory_space<semaphore_mem>>) src(%arg12 : memref<80x128xf32, #tpu.memory_space<vmem>>) dst(%dma_wait3A_146 : memref<80x128xf32, #tpu.memory_space<vmem_shared>>)
      tpu.yield
    }) : () -> ()
    %add3A_23 = arith.constant 624 : i32
    %add3A_24 = arith.addi %mul3A_8, %add3A_23 : i32
    %sub3A = arith.constant 64 : i32
    %sub3A_25 = arith.subi %add3A_24, %sub3A : i32
    "tpu.region"() ({
      %run_scoped3A = tpu.sem_alloc : memref<!tpu.dma_semaphore, #tpu.memory_space<semaphore_mem>>
      %dma_start3A_140 = arith.constant 0 : i32
      %dma_start3A_141 = arith.constant 0 : i32
      %dma_start3A_142 = tpu.memref_slice %arg12[%dma_start3A_140, %dma_start3A_141] : memref<80x128xf32, #tpu.memory_space<vmem>> -> memref<64x128xf32, #tpu.memory_space<vmem>>
      %dma_start3A_143 = arith.constant 0 : i32
      %dma_start3A_144 = tpu.memref_slice %arg15[%sub3A_25, %dma_start3A_143] : memref<10000x128xf32, #tpu.memory_space<vmem_shared>> -> memref<64x128xf32, #tpu.memory_space<vmem_shared>>
      %dma_start3A_145 = arith.constant 0 : i32
      %dma_start3A_146 = tpu.memref_slice %arg15[%sub3A_25, %dma_start3A_145] : memref<10000x128xf32, #tpu.memory_space<vmem_shared>> -> memref<64x128xf32, #tpu.memory_space<vmem_shared>>
      %dma_start3A_147 = arith.constant 0 : i32
      %dma_start3A_148 = arith.constant 0 : i32
      %dma_start3A_149 = tpu.memref_slice %arg12[%dma_start3A_147, %dma_start3A_148] : memref<80x128xf32, #tpu.memory_space<vmem>> -> memref<64x128xf32, #tpu.memory_space<vmem>>
      tpu.enqueue_dma source(%dma_start3A_149 : memref<64x128xf32, #tpu.memory_space<vmem>>) target(%dma_start3A_146 : memref<64x128xf32, #tpu.memory_space<vmem_shared>>) target_semaphore(%run_scoped3A : memref<!tpu.dma_semaphore, #tpu.memory_space<semaphore_mem>>)
      %dma_wait3A = arith.constant 0 : i32
      %dma_wait3A_150 = arith.constant 0 : i32
      %dma_wait3A_151 = tpu.memref_slice %arg12[%dma_wait3A, %dma_wait3A_150] : memref<80x128xf32, #tpu.memory_space<vmem>> -> memref<64x128xf32, #tpu.memory_space<vmem>>
      %dma_wait3A_152 = arith.constant 0 : i32
      %dma_wait3A_153 = tpu.memref_slice %arg15[%sub3A_25, %dma_wait3A_152] : memref<10000x128xf32, #tpu.memory_space<vmem_shared>> -> memref<64x128xf32, #tpu.memory_space<vmem_shared>>
      %dma_wait3A_154 = arith.constant 0 : i32
      %dma_wait3A_155 = tpu.memref_slice %arg15[%sub3A_25, %dma_wait3A_154] : memref<10000x128xf32, #tpu.memory_space<vmem_shared>> -> memref<64x128xf32, #tpu.memory_space<vmem_shared>>
      %dma_wait3A_156 = arith.constant 0 : i32
      %dma_wait3A_157 = arith.constant 0 : i32
      %dma_wait3A_158 = tpu.memref_slice %arg12[%dma_wait3A_156, %dma_wait3A_157] : memref<80x128xf32, #tpu.memory_space<vmem>> -> memref<64x128xf32, #tpu.memory_space<vmem>>
      tpu.wait_dma2 semaphore(%run_scoped3A : memref<!tpu.dma_semaphore, #tpu.memory_space<semaphore_mem>>) src(%dma_wait3A_158 : memref<64x128xf32, #tpu.memory_space<vmem>>) dst(%dma_wait3A_155 : memref<64x128xf32, #tpu.memory_space<vmem_shared>>)
      tpu.yield
    }) : () -> ()
    %eq3A = arith.constant 0 : i32
    %eq3A_26 = arith.cmpi eq, %arg1, %eq3A : i32
    %convert_element_type3A = arith.extui %eq3A_26 : i1 to i32
    %cond3A = arith.constant 0 : i32
    %cond3A_27 = arith.cmpi ne, %convert_element_type3A, %cond3A : i32
    scf.if %cond3A_27 {
      "tpu.region"() ({
        %run_scoped3A = tpu.sem_alloc : memref<!tpu.dma_semaphore, #tpu.memory_space<semaphore_mem>>
        %dma_start3A_140 = arith.constant 0 : i32
        %dma_start3A_141 = arith.constant 0 : i32
        %dma_start3A_142 = tpu.memref_slice %arg12[%dma_start3A_140, %dma_start3A_141] : memref<80x128xf32, #tpu.memory_space<vmem>> -> memref<16x128xf32, #tpu.memory_space<vmem>>
        %dma_start3A_143 = arith.constant 9984 : i32
        %dma_start3A_144 = arith.constant 0 : i32
        %dma_start3A_145 = tpu.memref_slice %arg15[%dma_start3A_143, %dma_start3A_144] : memref<10000x128xf32, #tpu.memory_space<vmem_shared>> -> memref<16x128xf32, #tpu.memory_space<vmem_shared>>
        %dma_start3A_146 = arith.constant 9984 : i32
        %dma_start3A_147 = arith.constant 0 : i32
        %dma_start3A_148 = tpu.memref_slice %arg15[%dma_start3A_146, %dma_start3A_147] : memref<10000x128xf32, #tpu.memory_space<vmem_shared>> -> memref<16x128xf32, #tpu.memory_space<vmem_shared>>
        %dma_start3A_149 = arith.constant 0 : i32
        %dma_start3A_150 = arith.constant 0 : i32
        %dma_start3A_151 = tpu.memref_slice %arg12[%dma_start3A_149, %dma_start3A_150] : memref<80x128xf32, #tpu.memory_space<vmem>> -> memref<16x128xf32, #tpu.memory_space<vmem>>
        tpu.enqueue_dma source(%dma_start3A_151 : memref<16x128xf32, #tpu.memory_space<vmem>>) target(%dma_start3A_148 : memref<16x128xf32, #tpu.memory_space<vmem_shared>>) target_semaphore(%run_scoped3A : memref<!tpu.dma_semaphore, #tpu.memory_space<semaphore_mem>>)
        %dma_wait3A = arith.constant 0 : i32
        %dma_wait3A_152 = arith.constant 0 : i32
        %dma_wait3A_153 = tpu.memref_slice %arg12[%dma_wait3A, %dma_wait3A_152] : memref<80x128xf32, #tpu.memory_space<vmem>> -> memref<16x128xf32, #tpu.memory_space<vmem>>
        %dma_wait3A_154 = arith.constant 9984 : i32
        %dma_wait3A_155 = arith.constant 0 : i32
        %dma_wait3A_156 = tpu.memref_slice %arg15[%dma_wait3A_154, %dma_wait3A_155] : memref<10000x128xf32, #tpu.memory_space<vmem_shared>> -> memref<16x128xf32, #tpu.memory_space<vmem_shared>>
        %dma_wait3A_157 = arith.constant 9984 : i32
        %dma_wait3A_158 = arith.constant 0 : i32
        %dma_wait3A_159 = tpu.memref_slice %arg15[%dma_wait3A_157, %dma_wait3A_158] : memref<10000x128xf32, #tpu.memory_space<vmem_shared>> -> memref<16x128xf32, #tpu.memory_space<vmem_shared>>
        %dma_wait3A_160 = arith.constant 0 : i32
        %dma_wait3A_161 = arith.constant 0 : i32
        %dma_wait3A_162 = tpu.memref_slice %arg12[%dma_wait3A_160, %dma_wait3A_161] : memref<80x128xf32, #tpu.memory_space<vmem>> -> memref<16x128xf32, #tpu.memory_space<vmem>>
        tpu.wait_dma2 semaphore(%run_scoped3A : memref<!tpu.dma_semaphore, #tpu.memory_space<semaphore_mem>>) src(%dma_wait3A_162 : memref<16x128xf32, #tpu.memory_space<vmem>>) dst(%dma_wait3A_159 : memref<16x128xf32, #tpu.memory_space<vmem_shared>>)
        tpu.yield
      }) : () -> ()
    } else {
    }
    %barrier3A = arith.constant 0 : index
    tpu.barrier barrier_id(%barrier3A)
    %lt3A = arith.constant 0 : i32
    %lt3A_28 = arith.cmpi slt, %add3A, %lt3A : i32
    %jit3A = arith.constant 1 : i32
    %jit3A_29 = arith.constant 0 : i32
    %select_n3A = arith.select %lt3A_28, %jit3A, %jit3A_29 : i32
    %add3A_30 = arith.constant 125 : i32
    %add3A_31 = arith.addi %add3A_30, %select_n3A : i32
    %add3A_32 = arith.constant 0 : i32
    %add3A_33 = arith.addi %add3A, %add3A_32 : i32
    %mul3A_34 = arith.constant 80 : i32
    %mul3A_35 = arith.muli %add3A_33, %mul3A_34 : i32
    "tpu.region"() ({
      %run_scoped3A = tpu.sem_alloc : memref<!tpu.dma_semaphore, #tpu.memory_space<semaphore_mem>>
      %dma_start3A_140 = tpu.memref_slice %arg3[%mul3A_35] : memref<320000xi32, #tpu.memory_space<hbm>> -> memref<80xi32, #tpu.memory_space<hbm>>
      %dma_start3A_141 = tpu.memref_slice %arg3[%mul3A_35] : memref<320000xi32, #tpu.memory_space<hbm>> -> memref<80xi32, #tpu.memory_space<hbm>>
      tpu.enqueue_dma source(%dma_start3A_141 : memref<80xi32, #tpu.memory_space<hbm>>) target(%arg6 : memref<80xi32, #tpu.memory_space<vmem>>) target_semaphore(%run_scoped3A : memref<!tpu.dma_semaphore, #tpu.memory_space<semaphore_mem>>)
      %dma_wait3A = tpu.memref_slice %arg3[%mul3A_35] : memref<320000xi32, #tpu.memory_space<hbm>> -> memref<80xi32, #tpu.memory_space<hbm>>
      %dma_wait3A_142 = tpu.memref_slice %arg3[%mul3A_35] : memref<320000xi32, #tpu.memory_space<hbm>> -> memref<80xi32, #tpu.memory_space<hbm>>
      tpu.wait_dma2 semaphore(%run_scoped3A : memref<!tpu.dma_semaphore, #tpu.memory_space<semaphore_mem>>) src(%dma_wait3A_142 : memref<80xi32, #tpu.memory_space<hbm>>) dst(%arg6 : memref<80xi32, #tpu.memory_space<vmem>>)
      tpu.yield
    }) : () -> ()
    %add3A_36 = arith.constant 0 : i32
    %add3A_37 = arith.addi %add3A, %add3A_36 : i32
    %mul3A_38 = arith.constant 80 : i32
    %mul3A_39 = arith.muli %add3A_37, %mul3A_38 : i32
    "tpu.region"() ({
      %run_scoped3A = tpu.sem_alloc : memref<!tpu.dma_semaphore, #tpu.memory_space<semaphore_mem>>
      %dma_start3A_140 = tpu.memref_slice %arg4[%mul3A_39] : memref<320000xi32, #tpu.memory_space<hbm>> -> memref<80xi32, #tpu.memory_space<hbm>>
      %dma_start3A_141 = tpu.memref_slice %arg4[%mul3A_39] : memref<320000xi32, #tpu.memory_space<hbm>> -> memref<80xi32, #tpu.memory_space<hbm>>
      tpu.enqueue_dma source(%dma_start3A_141 : memref<80xi32, #tpu.memory_space<hbm>>) target(%arg9 : memref<80xi32, #tpu.memory_space<vmem>>) target_semaphore(%run_scoped3A : memref<!tpu.dma_semaphore, #tpu.memory_space<semaphore_mem>>)
      %dma_wait3A = tpu.memref_slice %arg4[%mul3A_39] : memref<320000xi32, #tpu.memory_space<hbm>> -> memref<80xi32, #tpu.memory_space<hbm>>
      %dma_wait3A_142 = tpu.memref_slice %arg4[%mul3A_39] : memref<320000xi32, #tpu.memory_space<hbm>> -> memref<80xi32, #tpu.memory_space<hbm>>
      tpu.wait_dma2 semaphore(%run_scoped3A : memref<!tpu.dma_semaphore, #tpu.memory_space<semaphore_mem>>) src(%dma_wait3A_142 : memref<80xi32, #tpu.memory_space<hbm>>) dst(%arg9 : memref<80xi32, #tpu.memory_space<vmem>>)
      tpu.yield
    }) : () -> ()
    %dma_start3A = arith.constant 0 : i32
    %dma_start3A_40 = arith.constant 0 : i32
    %dma_start3A_41 = tpu.memref_slice %arg2[%dma_start3A, %dma_start3A_40] : memref<10000x128xf32, #tpu.memory_space<hbm>> -> memref<10000x128xf32, #tpu.memory_space<hbm>>
    tpu.enqueue_indirect_dma source(%dma_start3A_41 : memref<10000x128xf32, #tpu.memory_space<hbm>>) target(%arg12 : memref<80x128xf32, #tpu.memory_space<vmem>>) offsets(%arg6 : memref<80xi32, #tpu.memory_space<vmem>>) semaphore(%arg19 : memref<!tpu.dma_semaphore, #tpu.memory_space<semaphore_mem>>)
    %add3A_42 = arith.constant 32 : i32
    %add3A_43 = arith.addi %add3A, %add3A_42 : i32
    %mul3A_44 = arith.constant 80 : i32
    %mul3A_45 = arith.muli %add3A_43, %mul3A_44 : i32
    %dma_start3A_46 = tpu.memref_slice %arg3[%mul3A_45] : memref<320000xi32, #tpu.memory_space<hbm>> -> memref<80xi32, #tpu.memory_space<hbm>>
    %dma_start3A_47 = tpu.memref_slice %arg3[%mul3A_45] : memref<320000xi32, #tpu.memory_space<hbm>> -> memref<80xi32, #tpu.memory_space<hbm>>
    tpu.enqueue_dma source(%dma_start3A_47 : memref<80xi32, #tpu.memory_space<hbm>>) target(%arg7 : memref<80xi32, #tpu.memory_space<vmem>>) target_semaphore(%arg17 : memref<!tpu.dma_semaphore, #tpu.memory_space<semaphore_mem>>)
    %add3A_48 = arith.constant 32 : i32
    %add3A_49 = arith.addi %add3A, %add3A_48 : i32
    %mul3A_50 = arith.constant 80 : i32
    %mul3A_51 = arith.muli %add3A_49, %mul3A_50 : i32
    %dma_start3A_52 = tpu.memref_slice %arg4[%mul3A_51] : memref<320000xi32, #tpu.memory_space<hbm>> -> memref<80xi32, #tpu.memory_space<hbm>>
    %dma_start3A_53 = tpu.memref_slice %arg4[%mul3A_51] : memref<320000xi32, #tpu.memory_space<hbm>> -> memref<80xi32, #tpu.memory_space<hbm>>
    tpu.enqueue_dma source(%dma_start3A_53 : memref<80xi32, #tpu.memory_space<hbm>>) target(%arg10 : memref<80xi32, #tpu.memory_space<vmem>>) target_semaphore(%arg17 : memref<!tpu.dma_semaphore, #tpu.memory_space<semaphore_mem>>)
    %while3A = arith.constant 0 : i32
    %while3A_54 = arith.constant 0 : i32
    %while3A_55 = arith.subi %add3A_31, %while3A : i32
    %while3A_56 = arith.addi %while3A, %while3A_55 : i32
    %while3A_57 = arith.constant 1 : i32
    %while3A_58 = arith.divsi %while3A_55, %while3A_57 : i32
    %while3A_59 = arith.muli %while3A_58, %while3A_57 : i32
    %while3A_60 = arith.addi %while3A, %while3A_59 : i32
    %while3A_61 = arith.constant 1 : i32
    %while3A_62 = scf.for %while3A_140 = %while3A to %while3A_60 step %while3A_61 iter_args(%while3A_141 = %while3A_54) -> (i32)  : i32 {
      %jit3A_142 = arith.constant 3 : i32
      %eq3A_143 = arith.constant 0 : i32
      %eq3A_144 = arith.cmpi eq, %jit3A_142, %eq3A_143 : i32
      %jit3A_145 = arith.constant 1 : i32
      %select_n3A_146 = arith.select %eq3A_144, %jit3A_145, %jit3A_142 : i32
      %rem3A_147 = arith.remsi %while3A_140, %select_n3A_146 : i32
      %ne3A_148 = arith.constant 0 : i32
      %ne3A_149 = arith.cmpi ne, %rem3A_147, %ne3A_148 : i32
      %lt3A_150 = arith.constant 0 : i32
      %lt3A_151 = arith.cmpi slt, %rem3A_147, %lt3A_150 : i32
      %lt3A_152 = arith.constant 0 : i32
      %lt3A_153 = arith.cmpi slt, %select_n3A_146, %lt3A_152 : i32
      %ne3A_154 = arith.xori %lt3A_151, %lt3A_153 : i1
      %and3A_155 = arith.andi %ne3A_154, %ne3A_149 : i1
      %add3A_156 = arith.addi %rem3A_147, %select_n3A_146 : i32
      %select_n3A_157 = arith.select %and3A_155, %add3A_156, %rem3A_147 : i32
      %eq3A_158 = arith.constant 0 : i32
      %eq3A_159 = arith.cmpi eq, %select_n3A_157, %eq3A_158 : i32
      %convert_element_type3A_160 = arith.extui %eq3A_159 : i1 to i32
      %cond3A_161 = arith.constant 0 : i32
      %cond3A_162 = arith.cmpi ne, %convert_element_type3A_160, %cond3A_161 : i32
      scf.if %cond3A_162 {
        %ge3A = arith.constant 1 : i32
        %ge3A_174 = arith.cmpi sge, %while3A_140, %ge3A : i32
        %convert_element_type3A_175 = arith.extui %ge3A_174 : i1 to i32
        %cond3A_176 = arith.constant 0 : i32
        %cond3A_177 = arith.cmpi ne, %convert_element_type3A_175, %cond3A_176 : i32
        scf.if %cond3A_177 {
          %dma_wait3A_195 = arith.constant 0 : i32
          %dma_wait3A_196 = arith.constant 0 : i32
          %dma_wait3A_197 = tpu.memref_slice %arg15[%dma_wait3A_195, %dma_wait3A_196] : memref<10000x128xf32, #tpu.memory_space<vmem_shared>> -> memref<10000x128xf32, #tpu.memory_space<vmem_shared>>
          tpu.wait_indirect_dma semaphore(%arg24 : memref<!tpu.dma_semaphore, #tpu.memory_space<semaphore_mem>>) src(%arg14 : memref<80x128xf32, #tpu.memory_space<vmem>>) dst(%dma_wait3A_197 : memref<10000x128xf32, #tpu.memory_space<vmem_shared>>)
        } else {
        }
        %add3A_178 = arith.constant 1 : i32
        %add3A_179 = arith.addi %while3A_140, %add3A_178 : i32
        %lt3A_180 = arith.cmpi slt, %add3A_179, %add3A_31 : i32
        %convert_element_type3A_181 = arith.extui %lt3A_180 : i1 to i32
        %cond3A_182 = arith.constant 0 : i32
        %cond3A_183 = arith.cmpi ne, %convert_element_type3A_181, %cond3A_182 : i32
        scf.if %cond3A_183 {
          %add3A_195 = arith.constant 1 : i32
          %add3A_196 = arith.addi %while3A_140, %add3A_195 : i32
          %mul3A_197 = arith.constant 32 : i32
          %mul3A_198 = arith.muli %add3A_196, %mul3A_197 : i32
          %add3A_199 = arith.addi %add3A, %mul3A_198 : i32
          %mul3A_200 = arith.constant 80 : i32
          %mul3A_201 = arith.muli %add3A_199, %mul3A_200 : i32
          %dma_wait3A_202 = tpu.memref_slice %arg3[%mul3A_201] : memref<320000xi32, #tpu.memory_space<hbm>> -> memref<80xi32, #tpu.memory_space<hbm>>
          %dma_wait3A_203 = tpu.memref_slice %arg3[%mul3A_201] : memref<320000xi32, #tpu.memory_space<hbm>> -> memref<80xi32, #tpu.memory_space<hbm>>
          tpu.wait_dma2 semaphore(%arg17 : memref<!tpu.dma_semaphore, #tpu.memory_space<semaphore_mem>>) src(%dma_wait3A_203 : memref<80xi32, #tpu.memory_space<hbm>>) dst(%arg7 : memref<80xi32, #tpu.memory_space<vmem>>)
          %add3A_204 = arith.constant 1 : i32
          %add3A_205 = arith.addi %while3A_140, %add3A_204 : i32
          %mul3A_206 = arith.constant 32 : i32
          %mul3A_207 = arith.muli %add3A_205, %mul3A_206 : i32
          %add3A_208 = arith.addi %add3A, %mul3A_207 : i32
          %mul3A_209 = arith.constant 80 : i32
          %mul3A_210 = arith.muli %add3A_208, %mul3A_209 : i32
          %dma_wait3A_211 = tpu.memref_slice %arg4[%mul3A_210] : memref<320000xi32, #tpu.memory_space<hbm>> -> memref<80xi32, #tpu.memory_space<hbm>>
          %dma_wait3A_212 = tpu.memref_slice %arg4[%mul3A_210] : memref<320000xi32, #tpu.memory_space<hbm>> -> memref<80xi32, #tpu.memory_space<hbm>>
          tpu.wait_dma2 semaphore(%arg17 : memref<!tpu.dma_semaphore, #tpu.memory_space<semaphore_mem>>) src(%dma_wait3A_212 : memref<80xi32, #tpu.memory_space<hbm>>) dst(%arg10 : memref<80xi32, #tpu.memory_space<vmem>>)
          %dma_start3A_213 = arith.constant 0 : i32
          %dma_start3A_214 = arith.constant 0 : i32
          %dma_start3A_215 = tpu.memref_slice %arg2[%dma_start3A_213, %dma_start3A_214] : memref<10000x128xf32, #tpu.memory_space<hbm>> -> memref<10000x128xf32, #tpu.memory_space<hbm>>
          tpu.enqueue_indirect_dma source(%dma_start3A_215 : memref<10000x128xf32, #tpu.memory_space<hbm>>) target(%arg13 : memref<80x128xf32, #tpu.memory_space<vmem>>) offsets(%arg7 : memref<80xi32, #tpu.memory_space<vmem>>) semaphore(%arg20 : memref<!tpu.dma_semaphore, #tpu.memory_space<semaphore_mem>>)
        } else {
        }
        %add3A_184 = arith.constant 2 : i32
        %add3A_185 = arith.addi %while3A_140, %add3A_184 : i32
        %lt3A_186 = arith.cmpi slt, %add3A_185, %add3A_31 : i32
        %convert_element_type3A_187 = arith.extui %lt3A_186 : i1 to i32
        %cond3A_188 = arith.constant 0 : i32
        %cond3A_189 = arith.cmpi ne, %convert_element_type3A_187, %cond3A_188 : i32
        scf.if %cond3A_189 {
          %add3A_195 = arith.constant 2 : i32
          %add3A_196 = arith.addi %while3A_140, %add3A_195 : i32
          %mul3A_197 = arith.constant 32 : i32
          %mul3A_198 = arith.muli %add3A_196, %mul3A_197 : i32
          %add3A_199 = arith.addi %add3A, %mul3A_198 : i32
          %mul3A_200 = arith.constant 80 : i32
          %mul3A_201 = arith.muli %add3A_199, %mul3A_200 : i32
          %dma_start3A_202 = tpu.memref_slice %arg3[%mul3A_201] : memref<320000xi32, #tpu.memory_space<hbm>> -> memref<80xi32, #tpu.memory_space<hbm>>
          %dma_start3A_203 = tpu.memref_slice %arg3[%mul3A_201] : memref<320000xi32, #tpu.memory_space<hbm>> -> memref<80xi32, #tpu.memory_space<hbm>>
          tpu.enqueue_dma source(%dma_start3A_203 : memref<80xi32, #tpu.memory_space<hbm>>) target(%arg8 : memref<80xi32, #tpu.memory_space<vmem>>) target_semaphore(%arg18 : memref<!tpu.dma_semaphore, #tpu.memory_space<semaphore_mem>>)
          %add3A_204 = arith.constant 2 : i32
          %add3A_205 = arith.addi %while3A_140, %add3A_204 : i32
          %mul3A_206 = arith.constant 32 : i32
          %mul3A_207 = arith.muli %add3A_205, %mul3A_206 : i32
          %add3A_208 = arith.addi %add3A, %mul3A_207 : i32
          %mul3A_209 = arith.constant 80 : i32
          %mul3A_210 = arith.muli %add3A_208, %mul3A_209 : i32
          %dma_start3A_211 = tpu.memref_slice %arg4[%mul3A_210] : memref<320000xi32, #tpu.memory_space<hbm>> -> memref<80xi32, #tpu.memory_space<hbm>>
          %dma_start3A_212 = tpu.memref_slice %arg4[%mul3A_210] : memref<320000xi32, #tpu.memory_space<hbm>> -> memref<80xi32, #tpu.memory_space<hbm>>
          tpu.enqueue_dma source(%dma_start3A_212 : memref<80xi32, #tpu.memory_space<hbm>>) target(%arg11 : memref<80xi32, #tpu.memory_space<vmem>>) target_semaphore(%arg18 : memref<!tpu.dma_semaphore, #tpu.memory_space<semaphore_mem>>)
        } else {
        }
        %dma_wait3A = arith.constant 0 : i32
        %dma_wait3A_190 = arith.constant 0 : i32
        %dma_wait3A_191 = tpu.memref_slice %arg2[%dma_wait3A, %dma_wait3A_190] : memref<10000x128xf32, #tpu.memory_space<hbm>> -> memref<10000x128xf32, #tpu.memory_space<hbm>>
        tpu.wait_indirect_dma semaphore(%arg19 : memref<!tpu.dma_semaphore, #tpu.memory_space<semaphore_mem>>) src(%dma_wait3A_191 : memref<10000x128xf32, #tpu.memory_space<hbm>>) dst(%arg12 : memref<80x128xf32, #tpu.memory_space<vmem>>)
        %dma_start3A_192 = arith.constant 0 : i32
        %dma_start3A_193 = arith.constant 0 : i32
        %dma_start3A_194 = tpu.memref_slice %arg15[%dma_start3A_192, %dma_start3A_193] : memref<10000x128xf32, #tpu.memory_space<vmem_shared>> -> memref<10000x128xf32, #tpu.memory_space<vmem_shared>>
        tpu.enqueue_indirect_dma source(%arg12 : memref<80x128xf32, #tpu.memory_space<vmem>>) target(%dma_start3A_194 : memref<10000x128xf32, #tpu.memory_space<vmem_shared>>) offsets(%arg9 : memref<80xi32, #tpu.memory_space<vmem>>) semaphore(%arg22 : memref<!tpu.dma_semaphore, #tpu.memory_space<semaphore_mem>>) {add = true}
      } else {
      }
      %eq3A_163 = arith.constant 1 : i32
      %eq3A_164 = arith.cmpi eq, %select_n3A_157, %eq3A_163 : i32
      %convert_element_type3A_165 = arith.extui %eq3A_164 : i1 to i32
      %cond3A_166 = arith.constant 0 : i32
      %cond3A_167 = arith.cmpi ne, %convert_element_type3A_165, %cond3A_166 : i32
      scf.if %cond3A_167 {
        %ge3A = arith.constant 1 : i32
        %ge3A_174 = arith.cmpi sge, %while3A_140, %ge3A : i32
        %convert_element_type3A_175 = arith.extui %ge3A_174 : i1 to i32
        %cond3A_176 = arith.constant 0 : i32
        %cond3A_177 = arith.cmpi ne, %convert_element_type3A_175, %cond3A_176 : i32
        scf.if %cond3A_177 {
          %dma_wait3A_195 = arith.constant 0 : i32
          %dma_wait3A_196 = arith.constant 0 : i32
          %dma_wait3A_197 = tpu.memref_slice %arg15[%dma_wait3A_195, %dma_wait3A_196] : memref<10000x128xf32, #tpu.memory_space<vmem_shared>> -> memref<10000x128xf32, #tpu.memory_space<vmem_shared>>
          tpu.wait_indirect_dma semaphore(%arg22 : memref<!tpu.dma_semaphore, #tpu.memory_space<semaphore_mem>>) src(%arg12 : memref<80x128xf32, #tpu.memory_space<vmem>>) dst(%dma_wait3A_197 : memref<10000x128xf32, #tpu.memory_space<vmem_shared>>)
        } else {
        }
        %add3A_178 = arith.constant 1 : i32
        %add3A_179 = arith.addi %while3A_140, %add3A_178 : i32
        %lt3A_180 = arith.cmpi slt, %add3A_179, %add3A_31 : i32
        %convert_element_type3A_181 = arith.extui %lt3A_180 : i1 to i32
        %cond3A_182 = arith.constant 0 : i32
        %cond3A_183 = arith.cmpi ne, %convert_element_type3A_181, %cond3A_182 : i32
        scf.if %cond3A_183 {
          %add3A_195 = arith.constant 1 : i32
          %add3A_196 = arith.addi %while3A_140, %add3A_195 : i32
          %mul3A_197 = arith.constant 32 : i32
          %mul3A_198 = arith.muli %add3A_196, %mul3A_197 : i32
          %add3A_199 = arith.addi %add3A, %mul3A_198 : i32
          %mul3A_200 = arith.constant 80 : i32
          %mul3A_201 = arith.muli %add3A_199, %mul3A_200 : i32
          %dma_wait3A_202 = tpu.memref_slice %arg3[%mul3A_201] : memref<320000xi32, #tpu.memory_space<hbm>> -> memref<80xi32, #tpu.memory_space<hbm>>
          %dma_wait3A_203 = tpu.memref_slice %arg3[%mul3A_201] : memref<320000xi32, #tpu.memory_space<hbm>> -> memref<80xi32, #tpu.memory_space<hbm>>
          tpu.wait_dma2 semaphore(%arg18 : memref<!tpu.dma_semaphore, #tpu.memory_space<semaphore_mem>>) src(%dma_wait3A_203 : memref<80xi32, #tpu.memory_space<hbm>>) dst(%arg8 : memref<80xi32, #tpu.memory_space<vmem>>)
          %add3A_204 = arith.constant 1 : i32
          %add3A_205 = arith.addi %while3A_140, %add3A_204 : i32
          %mul3A_206 = arith.constant 32 : i32
          %mul3A_207 = arith.muli %add3A_205, %mul3A_206 : i32
          %add3A_208 = arith.addi %add3A, %mul3A_207 : i32
          %mul3A_209 = arith.constant 80 : i32
          %mul3A_210 = arith.muli %add3A_208, %mul3A_209 : i32
          %dma_wait3A_211 = tpu.memref_slice %arg4[%mul3A_210] : memref<320000xi32, #tpu.memory_space<hbm>> -> memref<80xi32, #tpu.memory_space<hbm>>
          %dma_wait3A_212 = tpu.memref_slice %arg4[%mul3A_210] : memref<320000xi32, #tpu.memory_space<hbm>> -> memref<80xi32, #tpu.memory_space<hbm>>
          tpu.wait_dma2 semaphore(%arg18 : memref<!tpu.dma_semaphore, #tpu.memory_space<semaphore_mem>>) src(%dma_wait3A_212 : memref<80xi32, #tpu.memory_space<hbm>>) dst(%arg11 : memref<80xi32, #tpu.memory_space<vmem>>)
          %dma_start3A_213 = arith.constant 0 : i32
          %dma_start3A_214 = arith.constant 0 : i32
          %dma_start3A_215 = tpu.memref_slice %arg2[%dma_start3A_213, %dma_start3A_214] : memref<10000x128xf32, #tpu.memory_space<hbm>> -> memref<10000x128xf32, #tpu.memory_space<hbm>>
          tpu.enqueue_indirect_dma source(%dma_start3A_215 : memref<10000x128xf32, #tpu.memory_space<hbm>>) target(%arg14 : memref<80x128xf32, #tpu.memory_space<vmem>>) offsets(%arg8 : memref<80xi32, #tpu.memory_space<vmem>>) semaphore(%arg21 : memref<!tpu.dma_semaphore, #tpu.memory_space<semaphore_mem>>)
        } else {
        }
        %add3A_184 = arith.constant 2 : i32
        %add3A_185 = arith.addi %while3A_140, %add3A_184 : i32
        %lt3A_186 = arith.cmpi slt, %add3A_185, %add3A_31 : i32
        %convert_element_type3A_187 = arith.extui %lt3A_186 : i1 to i32
        %cond3A_188 = arith.constant 0 : i32
        %cond3A_189 = arith.cmpi ne, %convert_element_type3A_187, %cond3A_188 : i32
        scf.if %cond3A_189 {
          %add3A_195 = arith.constant 2 : i32
          %add3A_196 = arith.addi %while3A_140, %add3A_195 : i32
          %mul3A_197 = arith.constant 32 : i32
          %mul3A_198 = arith.muli %add3A_196, %mul3A_197 : i32
          %add3A_199 = arith.addi %add3A, %mul3A_198 : i32
          %mul3A_200 = arith.constant 80 : i32
          %mul3A_201 = arith.muli %add3A_199, %mul3A_200 : i32
          %dma_start3A_202 = tpu.memref_slice %arg3[%mul3A_201] : memref<320000xi32, #tpu.memory_space<hbm>> -> memref<80xi32, #tpu.memory_space<hbm>>
          %dma_start3A_203 = tpu.memref_slice %arg3[%mul3A_201] : memref<320000xi32, #tpu.memory_space<hbm>> -> memref<80xi32, #tpu.memory_space<hbm>>
          tpu.enqueue_dma source(%dma_start3A_203 : memref<80xi32, #tpu.memory_space<hbm>>) target(%arg6 : memref<80xi32, #tpu.memory_space<vmem>>) target_semaphore(%arg16 : memref<!tpu.dma_semaphore, #tpu.memory_space<semaphore_mem>>)
          %add3A_204 = arith.constant 2 : i32
          %add3A_205 = arith.addi %while3A_140, %add3A_204 : i32
          %mul3A_206 = arith.constant 32 : i32
          %mul3A_207 = arith.muli %add3A_205, %mul3A_206 : i32
          %add3A_208 = arith.addi %add3A, %mul3A_207 : i32
          %mul3A_209 = arith.constant 80 : i32
          %mul3A_210 = arith.muli %add3A_208, %mul3A_209 : i32
          %dma_start3A_211 = tpu.memref_slice %arg4[%mul3A_210] : memref<320000xi32, #tpu.memory_space<hbm>> -> memref<80xi32, #tpu.memory_space<hbm>>
          %dma_start3A_212 = tpu.memref_slice %arg4[%mul3A_210] : memref<320000xi32, #tpu.memory_space<hbm>> -> memref<80xi32, #tpu.memory_space<hbm>>
          tpu.enqueue_dma source(%dma_start3A_212 : memref<80xi32, #tpu.memory_space<hbm>>) target(%arg9 : memref<80xi32, #tpu.memory_space<vmem>>) target_semaphore(%arg16 : memref<!tpu.dma_semaphore, #tpu.memory_space<semaphore_mem>>)
        } else {
        }
        %dma_wait3A = arith.constant 0 : i32
        %dma_wait3A_190 = arith.constant 0 : i32
        %dma_wait3A_191 = tpu.memref_slice %arg2[%dma_wait3A, %dma_wait3A_190] : memref<10000x128xf32, #tpu.memory_space<hbm>> -> memref<10000x128xf32, #tpu.memory_space<hbm>>
        tpu.wait_indirect_dma semaphore(%arg20 : memref<!tpu.dma_semaphore, #tpu.memory_space<semaphore_mem>>) src(%dma_wait3A_191 : memref<10000x128xf32, #tpu.memory_space<hbm>>) dst(%arg13 : memref<80x128xf32, #tpu.memory_space<vmem>>)
        %dma_start3A_192 = arith.constant 0 : i32
        %dma_start3A_193 = arith.constant 0 : i32
        %dma_start3A_194 = tpu.memref_slice %arg15[%dma_start3A_192, %dma_start3A_193] : memref<10000x128xf32, #tpu.memory_space<vmem_shared>> -> memref<10000x128xf32, #tpu.memory_space<vmem_shared>>
        tpu.enqueue_indirect_dma source(%arg13 : memref<80x128xf32, #tpu.memory_space<vmem>>) target(%dma_start3A_194 : memref<10000x128xf32, #tpu.memory_space<vmem_shared>>) offsets(%arg10 : memref<80xi32, #tpu.memory_space<vmem>>) semaphore(%arg23 : memref<!tpu.dma_semaphore, #tpu.memory_space<semaphore_mem>>) {add = true}
      } else {
      }
      %eq3A_168 = arith.constant 2 : i32
      %eq3A_169 = arith.cmpi eq, %select_n3A_157, %eq3A_168 : i32
      %convert_element_type3A_170 = arith.extui %eq3A_169 : i1 to i32
      %cond3A_171 = arith.constant 0 : i32
      %cond3A_172 = arith.cmpi ne, %convert_element_type3A_170, %cond3A_171 : i32
      scf.if %cond3A_172 {
        %ge3A = arith.constant 1 : i32
        %ge3A_174 = arith.cmpi sge, %while3A_140, %ge3A : i32
        %convert_element_type3A_175 = arith.extui %ge3A_174 : i1 to i32
        %cond3A_176 = arith.constant 0 : i32
        %cond3A_177 = arith.cmpi ne, %convert_element_type3A_175, %cond3A_176 : i32
        scf.if %cond3A_177 {
          %dma_wait3A_195 = arith.constant 0 : i32
          %dma_wait3A_196 = arith.constant 0 : i32
          %dma_wait3A_197 = tpu.memref_slice %arg15[%dma_wait3A_195, %dma_wait3A_196] : memref<10000x128xf32, #tpu.memory_space<vmem_shared>> -> memref<10000x128xf32, #tpu.memory_space<vmem_shared>>
          tpu.wait_indirect_dma semaphore(%arg23 : memref<!tpu.dma_semaphore, #tpu.memory_space<semaphore_mem>>) src(%arg13 : memref<80x128xf32, #tpu.memory_space<vmem>>) dst(%dma_wait3A_197 : memref<10000x128xf32, #tpu.memory_space<vmem_shared>>)
        } else {
        }
        %add3A_178 = arith.constant 1 : i32
        %add3A_179 = arith.addi %while3A_140, %add3A_178 : i32
        %lt3A_180 = arith.cmpi slt, %add3A_179, %add3A_31 : i32
        %convert_element_type3A_181 = arith.extui %lt3A_180 : i1 to i32
        %cond3A_182 = arith.constant 0 : i32
        %cond3A_183 = arith.cmpi ne, %convert_element_type3A_181, %cond3A_182 : i32
        scf.if %cond3A_183 {
          %add3A_195 = arith.constant 1 : i32
          %add3A_196 = arith.addi %while3A_140, %add3A_195 : i32
          %mul3A_197 = arith.constant 32 : i32
          %mul3A_198 = arith.muli %add3A_196, %mul3A_197 : i32
          %add3A_199 = arith.addi %add3A, %mul3A_198 : i32
          %mul3A_200 = arith.constant 80 : i32
          %mul3A_201 = arith.muli %add3A_199, %mul3A_200 : i32
          %dma_wait3A_202 = tpu.memref_slice %arg3[%mul3A_201] : memref<320000xi32, #tpu.memory_space<hbm>> -> memref<80xi32, #tpu.memory_space<hbm>>
          %dma_wait3A_203 = tpu.memref_slice %arg3[%mul3A_201] : memref<320000xi32, #tpu.memory_space<hbm>> -> memref<80xi32, #tpu.memory_space<hbm>>
          tpu.wait_dma2 semaphore(%arg16 : memref<!tpu.dma_semaphore, #tpu.memory_space<semaphore_mem>>) src(%dma_wait3A_203 : memref<80xi32, #tpu.memory_space<hbm>>) dst(%arg6 : memref<80xi32, #tpu.memory_space<vmem>>)
          %add3A_204 = arith.constant 1 : i32
          %add3A_205 = arith.addi %while3A_140, %add3A_204 : i32
          %mul3A_206 = arith.constant 32 : i32
          %mul3A_207 = arith.muli %add3A_205, %mul3A_206 : i32
          %add3A_208 = arith.addi %add3A, %mul3A_207 : i32
          %mul3A_209 = arith.constant 80 : i32
          %mul3A_210 = arith.muli %add3A_208, %mul3A_209 : i32
          %dma_wait3A_211 = tpu.memref_slice %arg4[%mul3A_210] : memref<320000xi32, #tpu.memory_space<hbm>> -> memref<80xi32, #tpu.memory_space<hbm>>
          %dma_wait3A_212 = tpu.memref_slice %arg4[%mul3A_210] : memref<320000xi32, #tpu.memory_space<hbm>> -> memref<80xi32, #tpu.memory_space<hbm>>
          tpu.wait_dma2 semaphore(%arg16 : memref<!tpu.dma_semaphore, #tpu.memory_space<semaphore_mem>>) src(%dma_wait3A_212 : memref<80xi32, #tpu.memory_space<hbm>>) dst(%arg9 : memref<80xi32, #tpu.memory_space<vmem>>)
          %dma_start3A_213 = arith.constant 0 : i32
          %dma_start3A_214 = arith.constant 0 : i32
          %dma_start3A_215 = tpu.memref_slice %arg2[%dma_start3A_213, %dma_start3A_214] : memref<10000x128xf32, #tpu.memory_space<hbm>> -> memref<10000x128xf32, #tpu.memory_space<hbm>>
          tpu.enqueue_indirect_dma source(%dma_start3A_215 : memref<10000x128xf32, #tpu.memory_space<hbm>>) target(%arg12 : memref<80x128xf32, #tpu.memory_space<vmem>>) offsets(%arg6 : memref<80xi32, #tpu.memory_space<vmem>>) semaphore(%arg19 : memref<!tpu.dma_semaphore, #tpu.memory_space<semaphore_mem>>)
        } else {
        }
        %add3A_184 = arith.constant 2 : i32
        %add3A_185 = arith.addi %while3A_140, %add3A_184 : i32
        %lt3A_186 = arith.cmpi slt, %add3A_185, %add3A_31 : i32
        %convert_element_type3A_187 = arith.extui %lt3A_186 : i1 to i32
        %cond3A_188 = arith.constant 0 : i32
        %cond3A_189 = arith.cmpi ne, %convert_element_type3A_187, %cond3A_188 : i32
        scf.if %cond3A_189 {
          %add3A_195 = arith.constant 2 : i32
          %add3A_196 = arith.addi %while3A_140, %add3A_195 : i32
          %mul3A_197 = arith.constant 32 : i32
          %mul3A_198 = arith.muli %add3A_196, %mul3A_197 : i32
          %add3A_199 = arith.addi %add3A, %mul3A_198 : i32
          %mul3A_200 = arith.constant 80 : i32
          %mul3A_201 = arith.muli %add3A_199, %mul3A_200 : i32
          %dma_start3A_202 = tpu.memref_slice %arg3[%mul3A_201] : memref<320000xi32, #tpu.memory_space<hbm>> -> memref<80xi32, #tpu.memory_space<hbm>>
          %dma_start3A_203 = tpu.memref_slice %arg3[%mul3A_201] : memref<320000xi32, #tpu.memory_space<hbm>> -> memref<80xi32, #tpu.memory_space<hbm>>
          tpu.enqueue_dma source(%dma_start3A_203 : memref<80xi32, #tpu.memory_space<hbm>>) target(%arg7 : memref<80xi32, #tpu.memory_space<vmem>>) target_semaphore(%arg17 : memref<!tpu.dma_semaphore, #tpu.memory_space<semaphore_mem>>)
          %add3A_204 = arith.constant 2 : i32
          %add3A_205 = arith.addi %while3A_140, %add3A_204 : i32
          %mul3A_206 = arith.constant 32 : i32
          %mul3A_207 = arith.muli %add3A_205, %mul3A_206 : i32
          %add3A_208 = arith.addi %add3A, %mul3A_207 : i32
          %mul3A_209 = arith.constant 80 : i32
          %mul3A_210 = arith.muli %add3A_208, %mul3A_209 : i32
          %dma_start3A_211 = tpu.memref_slice %arg4[%mul3A_210] : memref<320000xi32, #tpu.memory_space<hbm>> -> memref<80xi32, #tpu.memory_space<hbm>>
          %dma_start3A_212 = tpu.memref_slice %arg4[%mul3A_210] : memref<320000xi32, #tpu.memory_space<hbm>> -> memref<80xi32, #tpu.memory_space<hbm>>
          tpu.enqueue_dma source(%dma_start3A_212 : memref<80xi32, #tpu.memory_space<hbm>>) target(%arg10 : memref<80xi32, #tpu.memory_space<vmem>>) target_semaphore(%arg17 : memref<!tpu.dma_semaphore, #tpu.memory_space<semaphore_mem>>)
        } else {
        }
        %dma_wait3A = arith.constant 0 : i32
        %dma_wait3A_190 = arith.constant 0 : i32
        %dma_wait3A_191 = tpu.memref_slice %arg2[%dma_wait3A, %dma_wait3A_190] : memref<10000x128xf32, #tpu.memory_space<hbm>> -> memref<10000x128xf32, #tpu.memory_space<hbm>>
        tpu.wait_indirect_dma semaphore(%arg21 : memref<!tpu.dma_semaphore, #tpu.memory_space<semaphore_mem>>) src(%dma_wait3A_191 : memref<10000x128xf32, #tpu.memory_space<hbm>>) dst(%arg14 : memref<80x128xf32, #tpu.memory_space<vmem>>)
        %dma_start3A_192 = arith.constant 0 : i32
        %dma_start3A_193 = arith.constant 0 : i32
        %dma_start3A_194 = tpu.memref_slice %arg15[%dma_start3A_192, %dma_start3A_193] : memref<10000x128xf32, #tpu.memory_space<vmem_shared>> -> memref<10000x128xf32, #tpu.memory_space<vmem_shared>>
        tpu.enqueue_indirect_dma source(%arg14 : memref<80x128xf32, #tpu.memory_space<vmem>>) target(%dma_start3A_194 : memref<10000x128xf32, #tpu.memory_space<vmem_shared>>) offsets(%arg11 : memref<80xi32, #tpu.memory_space<vmem>>) semaphore(%arg24 : memref<!tpu.dma_semaphore, #tpu.memory_space<semaphore_mem>>) {add = true}
      } else {
      }
      %while3A_173 = arith.constant 0 : i32
      scf.yield %while3A_173 : i32
    }
    %while3A_63 = arith.constant 1 : i32
    %while3A_64 = scf.for %while3A_140 = %while3A_60 to %while3A_56 step %while3A_63 iter_args(%while3A_141 = %while3A_62) -> (i32)  : i32 {
      %jit3A_142 = arith.constant 3 : i32
      %eq3A_143 = arith.constant 0 : i32
      %eq3A_144 = arith.cmpi eq, %jit3A_142, %eq3A_143 : i32
      %jit3A_145 = arith.constant 1 : i32
      %select_n3A_146 = arith.select %eq3A_144, %jit3A_145, %jit3A_142 : i32
      %rem3A_147 = arith.remsi %while3A_140, %select_n3A_146 : i32
      %ne3A_148 = arith.constant 0 : i32
      %ne3A_149 = arith.cmpi ne, %rem3A_147, %ne3A_148 : i32
      %lt3A_150 = arith.constant 0 : i32
      %lt3A_151 = arith.cmpi slt, %rem3A_147, %lt3A_150 : i32
      %lt3A_152 = arith.constant 0 : i32
      %lt3A_153 = arith.cmpi slt, %select_n3A_146, %lt3A_152 : i32
      %ne3A_154 = arith.xori %lt3A_151, %lt3A_153 : i1
      %and3A_155 = arith.andi %ne3A_154, %ne3A_149 : i1
      %add3A_156 = arith.addi %rem3A_147, %select_n3A_146 : i32
      %select_n3A_157 = arith.select %and3A_155, %add3A_156, %rem3A_147 : i32
      %eq3A_158 = arith.constant 0 : i32
      %eq3A_159 = arith.cmpi eq, %select_n3A_157, %eq3A_158 : i32
      %convert_element_type3A_160 = arith.extui %eq3A_159 : i1 to i32
      %cond3A_161 = arith.constant 0 : i32
      %cond3A_162 = arith.cmpi ne, %convert_element_type3A_160, %cond3A_161 : i32
      scf.if %cond3A_162 {
        %ge3A = arith.constant 1 : i32
        %ge3A_174 = arith.cmpi sge, %while3A_140, %ge3A : i32
        %convert_element_type3A_175 = arith.extui %ge3A_174 : i1 to i32
        %cond3A_176 = arith.constant 0 : i32
        %cond3A_177 = arith.cmpi ne, %convert_element_type3A_175, %cond3A_176 : i32
        scf.if %cond3A_177 {
          %dma_wait3A_195 = arith.constant 0 : i32
          %dma_wait3A_196 = arith.constant 0 : i32
          %dma_wait3A_197 = tpu.memref_slice %arg15[%dma_wait3A_195, %dma_wait3A_196] : memref<10000x128xf32, #tpu.memory_space<vmem_shared>> -> memref<10000x128xf32, #tpu.memory_space<vmem_shared>>
          tpu.wait_indirect_dma semaphore(%arg24 : memref<!tpu.dma_semaphore, #tpu.memory_space<semaphore_mem>>) src(%arg14 : memref<80x128xf32, #tpu.memory_space<vmem>>) dst(%dma_wait3A_197 : memref<10000x128xf32, #tpu.memory_space<vmem_shared>>)
        } else {
        }
        %add3A_178 = arith.constant 1 : i32
        %add3A_179 = arith.addi %while3A_140, %add3A_178 : i32
        %lt3A_180 = arith.cmpi slt, %add3A_179, %add3A_31 : i32
        %convert_element_type3A_181 = arith.extui %lt3A_180 : i1 to i32
        %cond3A_182 = arith.constant 0 : i32
        %cond3A_183 = arith.cmpi ne, %convert_element_type3A_181, %cond3A_182 : i32
        scf.if %cond3A_183 {
          %add3A_195 = arith.constant 1 : i32
          %add3A_196 = arith.addi %while3A_140, %add3A_195 : i32
          %mul3A_197 = arith.constant 32 : i32
          %mul3A_198 = arith.muli %add3A_196, %mul3A_197 : i32
          %add3A_199 = arith.addi %add3A, %mul3A_198 : i32
          %mul3A_200 = arith.constant 80 : i32
          %mul3A_201 = arith.muli %add3A_199, %mul3A_200 : i32
          %dma_wait3A_202 = tpu.memref_slice %arg3[%mul3A_201] : memref<320000xi32, #tpu.memory_space<hbm>> -> memref<80xi32, #tpu.memory_space<hbm>>
          %dma_wait3A_203 = tpu.memref_slice %arg3[%mul3A_201] : memref<320000xi32, #tpu.memory_space<hbm>> -> memref<80xi32, #tpu.memory_space<hbm>>
          tpu.wait_dma2 semaphore(%arg17 : memref<!tpu.dma_semaphore, #tpu.memory_space<semaphore_mem>>) src(%dma_wait3A_203 : memref<80xi32, #tpu.memory_space<hbm>>) dst(%arg7 : memref<80xi32, #tpu.memory_space<vmem>>)
          %add3A_204 = arith.constant 1 : i32
          %add3A_205 = arith.addi %while3A_140, %add3A_204 : i32
          %mul3A_206 = arith.constant 32 : i32
          %mul3A_207 = arith.muli %add3A_205, %mul3A_206 : i32
          %add3A_208 = arith.addi %add3A, %mul3A_207 : i32
          %mul3A_209 = arith.constant 80 : i32
          %mul3A_210 = arith.muli %add3A_208, %mul3A_209 : i32
          %dma_wait3A_211 = tpu.memref_slice %arg4[%mul3A_210] : memref<320000xi32, #tpu.memory_space<hbm>> -> memref<80xi32, #tpu.memory_space<hbm>>
          %dma_wait3A_212 = tpu.memref_slice %arg4[%mul3A_210] : memref<320000xi32, #tpu.memory_space<hbm>> -> memref<80xi32, #tpu.memory_space<hbm>>
          tpu.wait_dma2 semaphore(%arg17 : memref<!tpu.dma_semaphore, #tpu.memory_space<semaphore_mem>>) src(%dma_wait3A_212 : memref<80xi32, #tpu.memory_space<hbm>>) dst(%arg10 : memref<80xi32, #tpu.memory_space<vmem>>)
          %dma_start3A_213 = arith.constant 0 : i32
          %dma_start3A_214 = arith.constant 0 : i32
          %dma_start3A_215 = tpu.memref_slice %arg2[%dma_start3A_213, %dma_start3A_214] : memref<10000x128xf32, #tpu.memory_space<hbm>> -> memref<10000x128xf32, #tpu.memory_space<hbm>>
          tpu.enqueue_indirect_dma source(%dma_start3A_215 : memref<10000x128xf32, #tpu.memory_space<hbm>>) target(%arg13 : memref<80x128xf32, #tpu.memory_space<vmem>>) offsets(%arg7 : memref<80xi32, #tpu.memory_space<vmem>>) semaphore(%arg20 : memref<!tpu.dma_semaphore, #tpu.memory_space<semaphore_mem>>)
        } else {
        }
        %add3A_184 = arith.constant 2 : i32
        %add3A_185 = arith.addi %while3A_140, %add3A_184 : i32
        %lt3A_186 = arith.cmpi slt, %add3A_185, %add3A_31 : i32
        %convert_element_type3A_187 = arith.extui %lt3A_186 : i1 to i32
        %cond3A_188 = arith.constant 0 : i32
        %cond3A_189 = arith.cmpi ne, %convert_element_type3A_187, %cond3A_188 : i32
        scf.if %cond3A_189 {
          %add3A_195 = arith.constant 2 : i32
          %add3A_196 = arith.addi %while3A_140, %add3A_195 : i32
          %mul3A_197 = arith.constant 32 : i32
          %mul3A_198 = arith.muli %add3A_196, %mul3A_197 : i32
          %add3A_199 = arith.addi %add3A, %mul3A_198 : i32
          %mul3A_200 = arith.constant 80 : i32
          %mul3A_201 = arith.muli %add3A_199, %mul3A_200 : i32
          %dma_start3A_202 = tpu.memref_slice %arg3[%mul3A_201] : memref<320000xi32, #tpu.memory_space<hbm>> -> memref<80xi32, #tpu.memory_space<hbm>>
          %dma_start3A_203 = tpu.memref_slice %arg3[%mul3A_201] : memref<320000xi32, #tpu.memory_space<hbm>> -> memref<80xi32, #tpu.memory_space<hbm>>
          tpu.enqueue_dma source(%dma_start3A_203 : memref<80xi32, #tpu.memory_space<hbm>>) target(%arg8 : memref<80xi32, #tpu.memory_space<vmem>>) target_semaphore(%arg18 : memref<!tpu.dma_semaphore, #tpu.memory_space<semaphore_mem>>)
          %add3A_204 = arith.constant 2 : i32
          %add3A_205 = arith.addi %while3A_140, %add3A_204 : i32
          %mul3A_206 = arith.constant 32 : i32
          %mul3A_207 = arith.muli %add3A_205, %mul3A_206 : i32
          %add3A_208 = arith.addi %add3A, %mul3A_207 : i32
          %mul3A_209 = arith.constant 80 : i32
          %mul3A_210 = arith.muli %add3A_208, %mul3A_209 : i32
          %dma_start3A_211 = tpu.memref_slice %arg4[%mul3A_210] : memref<320000xi32, #tpu.memory_space<hbm>> -> memref<80xi32, #tpu.memory_space<hbm>>
          %dma_start3A_212 = tpu.memref_slice %arg4[%mul3A_210] : memref<320000xi32, #tpu.memory_space<hbm>> -> memref<80xi32, #tpu.memory_space<hbm>>
          tpu.enqueue_dma source(%dma_start3A_212 : memref<80xi32, #tpu.memory_space<hbm>>) target(%arg11 : memref<80xi32, #tpu.memory_space<vmem>>) target_semaphore(%arg18 : memref<!tpu.dma_semaphore, #tpu.memory_space<semaphore_mem>>)
        } else {
        }
        %dma_wait3A = arith.constant 0 : i32
        %dma_wait3A_190 = arith.constant 0 : i32
        %dma_wait3A_191 = tpu.memref_slice %arg2[%dma_wait3A, %dma_wait3A_190] : memref<10000x128xf32, #tpu.memory_space<hbm>> -> memref<10000x128xf32, #tpu.memory_space<hbm>>
        tpu.wait_indirect_dma semaphore(%arg19 : memref<!tpu.dma_semaphore, #tpu.memory_space<semaphore_mem>>) src(%dma_wait3A_191 : memref<10000x128xf32, #tpu.memory_space<hbm>>) dst(%arg12 : memref<80x128xf32, #tpu.memory_space<vmem>>)
        %dma_start3A_192 = arith.constant 0 : i32
        %dma_start3A_193 = arith.constant 0 : i32
        %dma_start3A_194 = tpu.memref_slice %arg15[%dma_start3A_192, %dma_start3A_193] : memref<10000x128xf32, #tpu.memory_space<vmem_shared>> -> memref<10000x128xf32, #tpu.memory_space<vmem_shared>>
        tpu.enqueue_indirect_dma source(%arg12 : memref<80x128xf32, #tpu.memory_space<vmem>>) target(%dma_start3A_194 : memref<10000x128xf32, #tpu.memory_space<vmem_shared>>) offsets(%arg9 : memref<80xi32, #tpu.memory_space<vmem>>) semaphore(%arg22 : memref<!tpu.dma_semaphore, #tpu.memory_space<semaphore_mem>>) {add = true}
      } else {
      }
      %eq3A_163 = arith.constant 1 : i32
      %eq3A_164 = arith.cmpi eq, %select_n3A_157, %eq3A_163 : i32
      %convert_element_type3A_165 = arith.extui %eq3A_164 : i1 to i32
      %cond3A_166 = arith.constant 0 : i32
      %cond3A_167 = arith.cmpi ne, %convert_element_type3A_165, %cond3A_166 : i32
      scf.if %cond3A_167 {
        %ge3A = arith.constant 1 : i32
        %ge3A_174 = arith.cmpi sge, %while3A_140, %ge3A : i32
        %convert_element_type3A_175 = arith.extui %ge3A_174 : i1 to i32
        %cond3A_176 = arith.constant 0 : i32
        %cond3A_177 = arith.cmpi ne, %convert_element_type3A_175, %cond3A_176 : i32
        scf.if %cond3A_177 {
          %dma_wait3A_195 = arith.constant 0 : i32
          %dma_wait3A_196 = arith.constant 0 : i32
          %dma_wait3A_197 = tpu.memref_slice %arg15[%dma_wait3A_195, %dma_wait3A_196] : memref<10000x128xf32, #tpu.memory_space<vmem_shared>> -> memref<10000x128xf32, #tpu.memory_space<vmem_shared>>
          tpu.wait_indirect_dma semaphore(%arg22 : memref<!tpu.dma_semaphore, #tpu.memory_space<semaphore_mem>>) src(%arg12 : memref<80x128xf32, #tpu.memory_space<vmem>>) dst(%dma_wait3A_197 : memref<10000x128xf32, #tpu.memory_space<vmem_shared>>)
        } else {
        }
        %add3A_178 = arith.constant 1 : i32
        %add3A_179 = arith.addi %while3A_140, %add3A_178 : i32
        %lt3A_180 = arith.cmpi slt, %add3A_179, %add3A_31 : i32
        %convert_element_type3A_181 = arith.extui %lt3A_180 : i1 to i32
        %cond3A_182 = arith.constant 0 : i32
        %cond3A_183 = arith.cmpi ne, %convert_element_type3A_181, %cond3A_182 : i32
        scf.if %cond3A_183 {
          %add3A_195 = arith.constant 1 : i32
          %add3A_196 = arith.addi %while3A_140, %add3A_195 : i32
          %mul3A_197 = arith.constant 32 : i32
          %mul3A_198 = arith.muli %add3A_196, %mul3A_197 : i32
          %add3A_199 = arith.addi %add3A, %mul3A_198 : i32
          %mul3A_200 = arith.constant 80 : i32
          %mul3A_201 = arith.muli %add3A_199, %mul3A_200 : i32
          %dma_wait3A_202 = tpu.memref_slice %arg3[%mul3A_201] : memref<320000xi32, #tpu.memory_space<hbm>> -> memref<80xi32, #tpu.memory_space<hbm>>
          %dma_wait3A_203 = tpu.memref_slice %arg3[%mul3A_201] : memref<320000xi32, #tpu.memory_space<hbm>> -> memref<80xi32, #tpu.memory_space<hbm>>
          tpu.wait_dma2 semaphore(%arg18 : memref<!tpu.dma_semaphore, #tpu.memory_space<semaphore_mem>>) src(%dma_wait3A_203 : memref<80xi32, #tpu.memory_space<hbm>>) dst(%arg8 : memref<80xi32, #tpu.memory_space<vmem>>)
          %add3A_204 = arith.constant 1 : i32
          %add3A_205 = arith.addi %while3A_140, %add3A_204 : i32
          %mul3A_206 = arith.constant 32 : i32
          %mul3A_207 = arith.muli %add3A_205, %mul3A_206 : i32
          %add3A_208 = arith.addi %add3A, %mul3A_207 : i32
          %mul3A_209 = arith.constant 80 : i32
          %mul3A_210 = arith.muli %add3A_208, %mul3A_209 : i32
          %dma_wait3A_211 = tpu.memref_slice %arg4[%mul3A_210] : memref<320000xi32, #tpu.memory_space<hbm>> -> memref<80xi32, #tpu.memory_space<hbm>>
          %dma_wait3A_212 = tpu.memref_slice %arg4[%mul3A_210] : memref<320000xi32, #tpu.memory_space<hbm>> -> memref<80xi32, #tpu.memory_space<hbm>>
          tpu.wait_dma2 semaphore(%arg18 : memref<!tpu.dma_semaphore, #tpu.memory_space<semaphore_mem>>) src(%dma_wait3A_212 : memref<80xi32, #tpu.memory_space<hbm>>) dst(%arg11 : memref<80xi32, #tpu.memory_space<vmem>>)
          %dma_start3A_213 = arith.constant 0 : i32
          %dma_start3A_214 = arith.constant 0 : i32
          %dma_start3A_215 = tpu.memref_slice %arg2[%dma_start3A_213, %dma_start3A_214] : memref<10000x128xf32, #tpu.memory_space<hbm>> -> memref<10000x128xf32, #tpu.memory_space<hbm>>
          tpu.enqueue_indirect_dma source(%dma_start3A_215 : memref<10000x128xf32, #tpu.memory_space<hbm>>) target(%arg14 : memref<80x128xf32, #tpu.memory_space<vmem>>) offsets(%arg8 : memref<80xi32, #tpu.memory_space<vmem>>) semaphore(%arg21 : memref<!tpu.dma_semaphore, #tpu.memory_space<semaphore_mem>>)
        } else {
        }
        %add3A_184 = arith.constant 2 : i32
        %add3A_185 = arith.addi %while3A_140, %add3A_184 : i32
        %lt3A_186 = arith.cmpi slt, %add3A_185, %add3A_31 : i32
        %convert_element_type3A_187 = arith.extui %lt3A_186 : i1 to i32
        %cond3A_188 = arith.constant 0 : i32
        %cond3A_189 = arith.cmpi ne, %convert_element_type3A_187, %cond3A_188 : i32
        scf.if %cond3A_189 {
          %add3A_195 = arith.constant 2 : i32
          %add3A_196 = arith.addi %while3A_140, %add3A_195 : i32
          %mul3A_197 = arith.constant 32 : i32
          %mul3A_198 = arith.muli %add3A_196, %mul3A_197 : i32
          %add3A_199 = arith.addi %add3A, %mul3A_198 : i32
          %mul3A_200 = arith.constant 80 : i32
          %mul3A_201 = arith.muli %add3A_199, %mul3A_200 : i32
          %dma_start3A_202 = tpu.memref_slice %arg3[%mul3A_201] : memref<320000xi32, #tpu.memory_space<hbm>> -> memref<80xi32, #tpu.memory_space<hbm>>
          %dma_start3A_203 = tpu.memref_slice %arg3[%mul3A_201] : memref<320000xi32, #tpu.memory_space<hbm>> -> memref<80xi32, #tpu.memory_space<hbm>>
          tpu.enqueue_dma source(%dma_start3A_203 : memref<80xi32, #tpu.memory_space<hbm>>) target(%arg6 : memref<80xi32, #tpu.memory_space<vmem>>) target_semaphore(%arg16 : memref<!tpu.dma_semaphore, #tpu.memory_space<semaphore_mem>>)
          %add3A_204 = arith.constant 2 : i32
          %add3A_205 = arith.addi %while3A_140, %add3A_204 : i32
          %mul3A_206 = arith.constant 32 : i32
          %mul3A_207 = arith.muli %add3A_205, %mul3A_206 : i32
          %add3A_208 = arith.addi %add3A, %mul3A_207 : i32
          %mul3A_209 = arith.constant 80 : i32
          %mul3A_210 = arith.muli %add3A_208, %mul3A_209 : i32
          %dma_start3A_211 = tpu.memref_slice %arg4[%mul3A_210] : memref<320000xi32, #tpu.memory_space<hbm>> -> memref<80xi32, #tpu.memory_space<hbm>>
          %dma_start3A_212 = tpu.memref_slice %arg4[%mul3A_210] : memref<320000xi32, #tpu.memory_space<hbm>> -> memref<80xi32, #tpu.memory_space<hbm>>
          tpu.enqueue_dma source(%dma_start3A_212 : memref<80xi32, #tpu.memory_space<hbm>>) target(%arg9 : memref<80xi32, #tpu.memory_space<vmem>>) target_semaphore(%arg16 : memref<!tpu.dma_semaphore, #tpu.memory_space<semaphore_mem>>)
        } else {
        }
        %dma_wait3A = arith.constant 0 : i32
        %dma_wait3A_190 = arith.constant 0 : i32
        %dma_wait3A_191 = tpu.memref_slice %arg2[%dma_wait3A, %dma_wait3A_190] : memref<10000x128xf32, #tpu.memory_space<hbm>> -> memref<10000x128xf32, #tpu.memory_space<hbm>>
        tpu.wait_indirect_dma semaphore(%arg20 : memref<!tpu.dma_semaphore, #tpu.memory_space<semaphore_mem>>) src(%dma_wait3A_191 : memref<10000x128xf32, #tpu.memory_space<hbm>>) dst(%arg13 : memref<80x128xf32, #tpu.memory_space<vmem>>)
        %dma_start3A_192 = arith.constant 0 : i32
        %dma_start3A_193 = arith.constant 0 : i32
        %dma_start3A_194 = tpu.memref_slice %arg15[%dma_start3A_192, %dma_start3A_193] : memref<10000x128xf32, #tpu.memory_space<vmem_shared>> -> memref<10000x128xf32, #tpu.memory_space<vmem_shared>>
        tpu.enqueue_indirect_dma source(%arg13 : memref<80x128xf32, #tpu.memory_space<vmem>>) target(%dma_start3A_194 : memref<10000x128xf32, #tpu.memory_space<vmem_shared>>) offsets(%arg10 : memref<80xi32, #tpu.memory_space<vmem>>) semaphore(%arg23 : memref<!tpu.dma_semaphore, #tpu.memory_space<semaphore_mem>>) {add = true}
      } else {
      }
      %eq3A_168 = arith.constant 2 : i32
      %eq3A_169 = arith.cmpi eq, %select_n3A_157, %eq3A_168 : i32
      %convert_element_type3A_170 = arith.extui %eq3A_169 : i1 to i32
      %cond3A_171 = arith.constant 0 : i32
      %cond3A_172 = arith.cmpi ne, %convert_element_type3A_170, %cond3A_171 : i32
      scf.if %cond3A_172 {
        %ge3A = arith.constant 1 : i32
        %ge3A_174 = arith.cmpi sge, %while3A_140, %ge3A : i32
        %convert_element_type3A_175 = arith.extui %ge3A_174 : i1 to i32
        %cond3A_176 = arith.constant 0 : i32
        %cond3A_177 = arith.cmpi ne, %convert_element_type3A_175, %cond3A_176 : i32
        scf.if %cond3A_177 {
          %dma_wait3A_195 = arith.constant 0 : i32
          %dma_wait3A_196 = arith.constant 0 : i32
          %dma_wait3A_197 = tpu.memref_slice %arg15[%dma_wait3A_195, %dma_wait3A_196] : memref<10000x128xf32, #tpu.memory_space<vmem_shared>> -> memref<10000x128xf32, #tpu.memory_space<vmem_shared>>
          tpu.wait_indirect_dma semaphore(%arg23 : memref<!tpu.dma_semaphore, #tpu.memory_space<semaphore_mem>>) src(%arg13 : memref<80x128xf32, #tpu.memory_space<vmem>>) dst(%dma_wait3A_197 : memref<10000x128xf32, #tpu.memory_space<vmem_shared>>)
        } else {
        }
        %add3A_178 = arith.constant 1 : i32
        %add3A_179 = arith.addi %while3A_140, %add3A_178 : i32
        %lt3A_180 = arith.cmpi slt, %add3A_179, %add3A_31 : i32
        %convert_element_type3A_181 = arith.extui %lt3A_180 : i1 to i32
        %cond3A_182 = arith.constant 0 : i32
        %cond3A_183 = arith.cmpi ne, %convert_element_type3A_181, %cond3A_182 : i32
        scf.if %cond3A_183 {
          %add3A_195 = arith.constant 1 : i32
          %add3A_196 = arith.addi %while3A_140, %add3A_195 : i32
          %mul3A_197 = arith.constant 32 : i32
          %mul3A_198 = arith.muli %add3A_196, %mul3A_197 : i32
          %add3A_199 = arith.addi %add3A, %mul3A_198 : i32
          %mul3A_200 = arith.constant 80 : i32
          %mul3A_201 = arith.muli %add3A_199, %mul3A_200 : i32
          %dma_wait3A_202 = tpu.memref_slice %arg3[%mul3A_201] : memref<320000xi32, #tpu.memory_space<hbm>> -> memref<80xi32, #tpu.memory_space<hbm>>
          %dma_wait3A_203 = tpu.memref_slice %arg3[%mul3A_201] : memref<320000xi32, #tpu.memory_space<hbm>> -> memref<80xi32, #tpu.memory_space<hbm>>
          tpu.wait_dma2 semaphore(%arg16 : memref<!tpu.dma_semaphore, #tpu.memory_space<semaphore_mem>>) src(%dma_wait3A_203 : memref<80xi32, #tpu.memory_space<hbm>>) dst(%arg6 : memref<80xi32, #tpu.memory_space<vmem>>)
          %add3A_204 = arith.constant 1 : i32
          %add3A_205 = arith.addi %while3A_140, %add3A_204 : i32
          %mul3A_206 = arith.constant 32 : i32
          %mul3A_207 = arith.muli %add3A_205, %mul3A_206 : i32
          %add3A_208 = arith.addi %add3A, %mul3A_207 : i32
          %mul3A_209 = arith.constant 80 : i32
          %mul3A_210 = arith.muli %add3A_208, %mul3A_209 : i32
          %dma_wait3A_211 = tpu.memref_slice %arg4[%mul3A_210] : memref<320000xi32, #tpu.memory_space<hbm>> -> memref<80xi32, #tpu.memory_space<hbm>>
          %dma_wait3A_212 = tpu.memref_slice %arg4[%mul3A_210] : memref<320000xi32, #tpu.memory_space<hbm>> -> memref<80xi32, #tpu.memory_space<hbm>>
          tpu.wait_dma2 semaphore(%arg16 : memref<!tpu.dma_semaphore, #tpu.memory_space<semaphore_mem>>) src(%dma_wait3A_212 : memref<80xi32, #tpu.memory_space<hbm>>) dst(%arg9 : memref<80xi32, #tpu.memory_space<vmem>>)
          %dma_start3A_213 = arith.constant 0 : i32
          %dma_start3A_214 = arith.constant 0 : i32
          %dma_start3A_215 = tpu.memref_slice %arg2[%dma_start3A_213, %dma_start3A_214] : memref<10000x128xf32, #tpu.memory_space<hbm>> -> memref<10000x128xf32, #tpu.memory_space<hbm>>
          tpu.enqueue_indirect_dma source(%dma_start3A_215 : memref<10000x128xf32, #tpu.memory_space<hbm>>) target(%arg12 : memref<80x128xf32, #tpu.memory_space<vmem>>) offsets(%arg6 : memref<80xi32, #tpu.memory_space<vmem>>) semaphore(%arg19 : memref<!tpu.dma_semaphore, #tpu.memory_space<semaphore_mem>>)
        } else {
        }
        %add3A_184 = arith.constant 2 : i32
        %add3A_185 = arith.addi %while3A_140, %add3A_184 : i32
        %lt3A_186 = arith.cmpi slt, %add3A_185, %add3A_31 : i32
        %convert_element_type3A_187 = arith.extui %lt3A_186 : i1 to i32
        %cond3A_188 = arith.constant 0 : i32
        %cond3A_189 = arith.cmpi ne, %convert_element_type3A_187, %cond3A_188 : i32
        scf.if %cond3A_189 {
          %add3A_195 = arith.constant 2 : i32
          %add3A_196 = arith.addi %while3A_140, %add3A_195 : i32
          %mul3A_197 = arith.constant 32 : i32
          %mul3A_198 = arith.muli %add3A_196, %mul3A_197 : i32
          %add3A_199 = arith.addi %add3A, %mul3A_198 : i32
          %mul3A_200 = arith.constant 80 : i32
          %mul3A_201 = arith.muli %add3A_199, %mul3A_200 : i32
          %dma_start3A_202 = tpu.memref_slice %arg3[%mul3A_201] : memref<320000xi32, #tpu.memory_space<hbm>> -> memref<80xi32, #tpu.memory_space<hbm>>
          %dma_start3A_203 = tpu.memref_slice %arg3[%mul3A_201] : memref<320000xi32, #tpu.memory_space<hbm>> -> memref<80xi32, #tpu.memory_space<hbm>>
          tpu.enqueue_dma source(%dma_start3A_203 : memref<80xi32, #tpu.memory_space<hbm>>) target(%arg7 : memref<80xi32, #tpu.memory_space<vmem>>) target_semaphore(%arg17 : memref<!tpu.dma_semaphore, #tpu.memory_space<semaphore_mem>>)
          %add3A_204 = arith.constant 2 : i32
          %add3A_205 = arith.addi %while3A_140, %add3A_204 : i32
          %mul3A_206 = arith.constant 32 : i32
          %mul3A_207 = arith.muli %add3A_205, %mul3A_206 : i32
          %add3A_208 = arith.addi %add3A, %mul3A_207 : i32
          %mul3A_209 = arith.constant 80 : i32
          %mul3A_210 = arith.muli %add3A_208, %mul3A_209 : i32
          %dma_start3A_211 = tpu.memref_slice %arg4[%mul3A_210] : memref<320000xi32, #tpu.memory_space<hbm>> -> memref<80xi32, #tpu.memory_space<hbm>>
          %dma_start3A_212 = tpu.memref_slice %arg4[%mul3A_210] : memref<320000xi32, #tpu.memory_space<hbm>> -> memref<80xi32, #tpu.memory_space<hbm>>
          tpu.enqueue_dma source(%dma_start3A_212 : memref<80xi32, #tpu.memory_space<hbm>>) target(%arg10 : memref<80xi32, #tpu.memory_space<vmem>>) target_semaphore(%arg17 : memref<!tpu.dma_semaphore, #tpu.memory_space<semaphore_mem>>)
        } else {
        }
        %dma_wait3A = arith.constant 0 : i32
        %dma_wait3A_190 = arith.constant 0 : i32
        %dma_wait3A_191 = tpu.memref_slice %arg2[%dma_wait3A, %dma_wait3A_190] : memref<10000x128xf32, #tpu.memory_space<hbm>> -> memref<10000x128xf32, #tpu.memory_space<hbm>>
        tpu.wait_indirect_dma semaphore(%arg21 : memref<!tpu.dma_semaphore, #tpu.memory_space<semaphore_mem>>) src(%dma_wait3A_191 : memref<10000x128xf32, #tpu.memory_space<hbm>>) dst(%arg14 : memref<80x128xf32, #tpu.memory_space<vmem>>)
        %dma_start3A_192 = arith.constant 0 : i32
        %dma_start3A_193 = arith.constant 0 : i32
        %dma_start3A_194 = tpu.memref_slice %arg15[%dma_start3A_192, %dma_start3A_193] : memref<10000x128xf32, #tpu.memory_space<vmem_shared>> -> memref<10000x128xf32, #tpu.memory_space<vmem_shared>>
        tpu.enqueue_indirect_dma source(%arg14 : memref<80x128xf32, #tpu.memory_space<vmem>>) target(%dma_start3A_194 : memref<10000x128xf32, #tpu.memory_space<vmem_shared>>) offsets(%arg11 : memref<80xi32, #tpu.memory_space<vmem>>) semaphore(%arg24 : memref<!tpu.dma_semaphore, #tpu.memory_space<semaphore_mem>>) {add = true}
      } else {
      }
      %while3A_173 = arith.constant 0 : i32
      scf.yield %while3A_173 : i32
    }
    %sub3A_65 = arith.constant 1 : i32
    %sub3A_66 = arith.subi %add3A_31, %sub3A_65 : i32
    %jit3A_67 = arith.constant 3 : i32
    %eq3A_68 = arith.constant 0 : i32
    %eq3A_69 = arith.cmpi eq, %jit3A_67, %eq3A_68 : i32
    %jit3A_70 = arith.constant 1 : i32
    %select_n3A_71 = arith.select %eq3A_69, %jit3A_70, %jit3A_67 : i32
    %rem3A = arith.remsi %sub3A_66, %select_n3A_71 : i32
    %ne3A = arith.constant 0 : i32
    %ne3A_72 = arith.cmpi ne, %rem3A, %ne3A : i32
    %lt3A_73 = arith.constant 0 : i32
    %lt3A_74 = arith.cmpi slt, %rem3A, %lt3A_73 : i32
    %lt3A_75 = arith.constant 0 : i32
    %lt3A_76 = arith.cmpi slt, %select_n3A_71, %lt3A_75 : i32
    %ne3A_77 = arith.xori %lt3A_74, %lt3A_76 : i1
    %and3A = arith.andi %ne3A_77, %ne3A_72 : i1
    %add3A_78 = arith.addi %rem3A, %select_n3A_71 : i32
    %select_n3A_79 = arith.select %and3A, %add3A_78, %rem3A : i32
    %eq3A_80 = arith.constant 0 : i32
    %eq3A_81 = arith.cmpi eq, %select_n3A_79, %eq3A_80 : i32
    %convert_element_type3A_82 = arith.extui %eq3A_81 : i1 to i32
    %cond3A_83 = arith.constant 0 : i32
    %cond3A_84 = arith.cmpi ne, %convert_element_type3A_82, %cond3A_83 : i32
    scf.if %cond3A_84 {
      %dma_wait3A = arith.constant 0 : i32
      %dma_wait3A_140 = arith.constant 0 : i32
      %dma_wait3A_141 = tpu.memref_slice %arg15[%dma_wait3A, %dma_wait3A_140] : memref<10000x128xf32, #tpu.memory_space<vmem_shared>> -> memref<10000x128xf32, #tpu.memory_space<vmem_shared>>
      tpu.wait_indirect_dma semaphore(%arg22 : memref<!tpu.dma_semaphore, #tpu.memory_space<semaphore_mem>>) src(%arg12 : memref<80x128xf32, #tpu.memory_space<vmem>>) dst(%dma_wait3A_141 : memref<10000x128xf32, #tpu.memory_space<vmem_shared>>)
    } else {
    }
    %sub3A_85 = arith.constant 1 : i32
    %sub3A_86 = arith.subi %add3A_31, %sub3A_85 : i32
    %jit3A_87 = arith.constant 3 : i32
    %eq3A_88 = arith.constant 0 : i32
    %eq3A_89 = arith.cmpi eq, %jit3A_87, %eq3A_88 : i32
    %jit3A_90 = arith.constant 1 : i32
    %select_n3A_91 = arith.select %eq3A_89, %jit3A_90, %jit3A_87 : i32
    %rem3A_92 = arith.remsi %sub3A_86, %select_n3A_91 : i32
    %ne3A_93 = arith.constant 0 : i32
    %ne3A_94 = arith.cmpi ne, %rem3A_92, %ne3A_93 : i32
    %lt3A_95 = arith.constant 0 : i32
    %lt3A_96 = arith.cmpi slt, %rem3A_92, %lt3A_95 : i32
    %lt3A_97 = arith.constant 0 : i32
    %lt3A_98 = arith.cmpi slt, %select_n3A_91, %lt3A_97 : i32
    %ne3A_99 = arith.xori %lt3A_96, %lt3A_98 : i1
    %and3A_100 = arith.andi %ne3A_99, %ne3A_94 : i1
    %add3A_101 = arith.addi %rem3A_92, %select_n3A_91 : i32
    %select_n3A_102 = arith.select %and3A_100, %add3A_101, %rem3A_92 : i32
    %eq3A_103 = arith.constant 1 : i32
    %eq3A_104 = arith.cmpi eq, %select_n3A_102, %eq3A_103 : i32
    %convert_element_type3A_105 = arith.extui %eq3A_104 : i1 to i32
    %cond3A_106 = arith.constant 0 : i32
    %cond3A_107 = arith.cmpi ne, %convert_element_type3A_105, %cond3A_106 : i32
    scf.if %cond3A_107 {
      %dma_wait3A = arith.constant 0 : i32
      %dma_wait3A_140 = arith.constant 0 : i32
      %dma_wait3A_141 = tpu.memref_slice %arg15[%dma_wait3A, %dma_wait3A_140] : memref<10000x128xf32, #tpu.memory_space<vmem_shared>> -> memref<10000x128xf32, #tpu.memory_space<vmem_shared>>
      tpu.wait_indirect_dma semaphore(%arg23 : memref<!tpu.dma_semaphore, #tpu.memory_space<semaphore_mem>>) src(%arg13 : memref<80x128xf32, #tpu.memory_space<vmem>>) dst(%dma_wait3A_141 : memref<10000x128xf32, #tpu.memory_space<vmem_shared>>)
    } else {
    }
    %sub3A_108 = arith.constant 1 : i32
    %sub3A_109 = arith.subi %add3A_31, %sub3A_108 : i32
    %jit3A_110 = arith.constant 3 : i32
    %eq3A_111 = arith.constant 0 : i32
    %eq3A_112 = arith.cmpi eq, %jit3A_110, %eq3A_111 : i32
    %jit3A_113 = arith.constant 1 : i32
    %select_n3A_114 = arith.select %eq3A_112, %jit3A_113, %jit3A_110 : i32
    %rem3A_115 = arith.remsi %sub3A_109, %select_n3A_114 : i32
    %ne3A_116 = arith.constant 0 : i32
    %ne3A_117 = arith.cmpi ne, %rem3A_115, %ne3A_116 : i32
    %lt3A_118 = arith.constant 0 : i32
    %lt3A_119 = arith.cmpi slt, %rem3A_115, %lt3A_118 : i32
    %lt3A_120 = arith.constant 0 : i32
    %lt3A_121 = arith.cmpi slt, %select_n3A_114, %lt3A_120 : i32
    %ne3A_122 = arith.xori %lt3A_119, %lt3A_121 : i1
    %and3A_123 = arith.andi %ne3A_122, %ne3A_117 : i1
    %add3A_124 = arith.addi %rem3A_115, %select_n3A_114 : i32
    %select_n3A_125 = arith.select %and3A_123, %add3A_124, %rem3A_115 : i32
    %eq3A_126 = arith.constant 2 : i32
    %eq3A_127 = arith.cmpi eq, %select_n3A_125, %eq3A_126 : i32
    %convert_element_type3A_128 = arith.extui %eq3A_127 : i1 to i32
    %cond3A_129 = arith.constant 0 : i32
    %cond3A_130 = arith.cmpi ne, %convert_element_type3A_128, %cond3A_129 : i32
    scf.if %cond3A_130 {
      %dma_wait3A = arith.constant 0 : i32
      %dma_wait3A_140 = arith.constant 0 : i32
      %dma_wait3A_141 = tpu.memref_slice %arg15[%dma_wait3A, %dma_wait3A_140] : memref<10000x128xf32, #tpu.memory_space<vmem_shared>> -> memref<10000x128xf32, #tpu.memory_space<vmem_shared>>
      tpu.wait_indirect_dma semaphore(%arg24 : memref<!tpu.dma_semaphore, #tpu.memory_space<semaphore_mem>>) src(%arg14 : memref<80x128xf32, #tpu.memory_space<vmem>>) dst(%dma_wait3A_141 : memref<10000x128xf32, #tpu.memory_space<vmem_shared>>)
    } else {
    }
    %barrier3A_131 = arith.constant 0 : index
    tpu.barrier barrier_id(%barrier3A_131)
    %mul3A_132 = arith.constant 10000 : i32
    %mul3A_133 = arith.muli %arg0, %mul3A_132 : i32
    %add3A_134 = arith.addi %mul3A_133, %mul3A_8 : i32
    "tpu.region"() ({
      %run_scoped3A = tpu.sem_alloc : memref<!tpu.dma_semaphore, #tpu.memory_space<semaphore_mem>>
      %dma_start3A_140 = arith.constant 0 : i32
      %dma_start3A_141 = tpu.memref_slice %arg5[%add3A_134, %dma_start3A_140] : memref<20000x128xf32, #tpu.memory_space<hbm>> -> memref<624x128xf32, #tpu.memory_space<hbm>>
      %dma_start3A_142 = arith.constant 0 : i32
      %dma_start3A_143 = tpu.memref_slice %arg15[%mul3A_8, %dma_start3A_142] : memref<10000x128xf32, #tpu.memory_space<vmem_shared>> -> memref<624x128xf32, #tpu.memory_space<vmem_shared>>
      tpu.enqueue_dma source(%dma_start3A_143 : memref<624x128xf32, #tpu.memory_space<vmem_shared>>) target(%dma_start3A_141 : memref<624x128xf32, #tpu.memory_space<hbm>>) target_semaphore(%run_scoped3A : memref<!tpu.dma_semaphore, #tpu.memory_space<semaphore_mem>>)
      %dma_wait3A = arith.constant 0 : i32
      %dma_wait3A_144 = tpu.memref_slice %arg5[%add3A_134, %dma_wait3A] : memref<20000x128xf32, #tpu.memory_space<hbm>> -> memref<624x128xf32, #tpu.memory_space<hbm>>
      %dma_wait3A_145 = arith.constant 0 : i32
      %dma_wait3A_146 = tpu.memref_slice %arg15[%mul3A_8, %dma_wait3A_145] : memref<10000x128xf32, #tpu.memory_space<vmem_shared>> -> memref<624x128xf32, #tpu.memory_space<vmem_shared>>
      tpu.wait_dma2 semaphore(%run_scoped3A : memref<!tpu.dma_semaphore, #tpu.memory_space<semaphore_mem>>) src(%dma_wait3A_146 : memref<624x128xf32, #tpu.memory_space<vmem_shared>>) dst(%dma_wait3A_144 : memref<624x128xf32, #tpu.memory_space<hbm>>)
      tpu.yield
    }) : () -> ()
    %eq3A_135 = arith.constant 0 : i32
    %eq3A_136 = arith.cmpi eq, %arg1, %eq3A_135 : i32
    %convert_element_type3A_137 = arith.extui %eq3A_136 : i1 to i32
    %cond3A_138 = arith.constant 0 : i32
    %cond3A_139 = arith.cmpi ne, %convert_element_type3A_137, %cond3A_138 : i32
    scf.if %cond3A_139 {
      %mul3A_140 = arith.constant 10000 : i32
      %mul3A_141 = arith.muli %arg0, %mul3A_140 : i32
      %add3A_142 = arith.constant 9984 : i32
      %add3A_143 = arith.addi %mul3A_141, %add3A_142 : i32
      "tpu.region"() ({
        %run_scoped3A = tpu.sem_alloc : memref<!tpu.dma_semaphore, #tpu.memory_space<semaphore_mem>>
        %dma_start3A_144 = arith.constant 0 : i32
        %dma_start3A_145 = tpu.memref_slice %arg5[%add3A_143, %dma_start3A_144] : memref<20000x128xf32, #tpu.memory_space<hbm>> -> memref<16x128xf32, #tpu.memory_space<hbm>>
        %dma_start3A_146 = arith.constant 9984 : i32
        %dma_start3A_147 = arith.constant 0 : i32
        %dma_start3A_148 = tpu.memref_slice %arg15[%dma_start3A_146, %dma_start3A_147] : memref<10000x128xf32, #tpu.memory_space<vmem_shared>> -> memref<16x128xf32, #tpu.memory_space<vmem_shared>>
        tpu.enqueue_dma source(%dma_start3A_148 : memref<16x128xf32, #tpu.memory_space<vmem_shared>>) target(%dma_start3A_145 : memref<16x128xf32, #tpu.memory_space<hbm>>) target_semaphore(%run_scoped3A : memref<!tpu.dma_semaphore, #tpu.memory_space<semaphore_mem>>)
        %dma_wait3A = arith.constant 0 : i32
        %dma_wait3A_149 = tpu.memref_slice %arg5[%add3A_143, %dma_wait3A] : memref<20000x128xf32, #tpu.memory_space<hbm>> -> memref<16x128xf32, #tpu.memory_space<hbm>>
        %dma_wait3A_150 = arith.constant 9984 : i32
        %dma_wait3A_151 = arith.constant 0 : i32
        %dma_wait3A_152 = tpu.memref_slice %arg15[%dma_wait3A_150, %dma_wait3A_151] : memref<10000x128xf32, #tpu.memory_space<vmem_shared>> -> memref<16x128xf32, #tpu.memory_space<vmem_shared>>
        tpu.wait_dma2 semaphore(%run_scoped3A : memref<!tpu.dma_semaphore, #tpu.memory_space<semaphore_mem>>) src(%dma_wait3A_152 : memref<16x128xf32, #tpu.memory_space<vmem_shared>>) dst(%dma_wait3A_149 : memref<16x128xf32, #tpu.memory_space<hbm>>)
        tpu.yield
      }) : () -> ()
    } else {
    }
    return
  }
}

#map = affine_map<(d0, d1) -> (0)>
#map1 = affine_map<(d0, d1) -> (0, 0)>
module attributes {stable_mosaic.version = 14 : i64} {
  func.func @_sc_edge_body(%arg0: i32, %arg1: i32, %arg2: memref<320000xi32, #tpu.memory_space<hbm>>, %arg3: memref<320000x16xf32, #tpu.memory_space<hbm>>, %arg4: memref<20000x128xf32, #tpu.memory_space<hbm>>, %arg5: memref<80xi32, #tpu.memory_space<vmem>>, %arg6: memref<80xi32, #tpu.memory_space<vmem>>, %arg7: memref<80x16xf32, #tpu.memory_space<vmem>>, %arg8: memref<80x16xf32, #tpu.memory_space<vmem>>, %arg9: memref<80x128xf32, #tpu.memory_space<vmem>>, %arg10: memref<80x128xf32, #tpu.memory_space<vmem>>, %arg11: memref<10000x128xf32, #tpu.memory_space<vmem_shared>>, %arg12: memref<!tpu.dma_semaphore, #tpu.memory_space<semaphore_mem>>, %arg13: memref<!tpu.dma_semaphore, #tpu.memory_space<semaphore_mem>>, %arg14: memref<!tpu.dma_semaphore, #tpu.memory_space<semaphore_mem>>, %arg15: memref<!tpu.dma_semaphore, #tpu.memory_space<semaphore_mem>>) attributes {dimension_semantics = [#tpu.dimension_semantics<core_parallel>, #tpu.dimension_semantics<subcore_parallel>], iteration_bounds = array<i64: 2, 16>, scalar_prefetch = 0 : i64, scratch_operands = 11 : i64, tpu.core_type = #tpu.core_type<sc_vector_subcore>, window_params = [{transform_indices = #map}, {transform_indices = #map1}, {transform_indices = #map1}]} {
    %mul3A = arith.constant 2 : i32
    %mul3A_0 = arith.muli %arg1, %mul3A : i32
    %add3A = arith.addi %mul3A_0, %arg0 : i32
    %iota3A = tpu.iota {dimensions = array<i32: 0>} : vector<16xi32>
    %eq3A = arith.constant 0 : i32
    %eq3A_1 = vector.broadcast %eq3A : i32 to vector<16xi32>
    %eq3A_2 = arith.cmpi eq, %iota3A, %eq3A_1 : vector<16xi32>
    %jit3A = arith.constant 1.000000e+00 : f32
    %jit3A_3 = arith.constant 0.000000e+00 : f32
    %broadcast_in_dim3A = vector.broadcast %jit3A : f32 to vector<16xf32>
    %broadcast_in_dim3A_4 = vector.broadcast %jit3A_3 : f32 to vector<16xf32>
    %select_n3A = arith.select %eq3A_2, %broadcast_in_dim3A, %broadcast_in_dim3A_4 : vector<16xi1>, vector<16xf32>
    %scan3A = arith.constant 0 : i32
    %scan3A_5 = arith.constant 0 : i32
    %scan3A_6 = arith.constant 80 : i32
    %scan3A_7 = arith.addi %scan3A_5, %scan3A_6 : i32
    %scan3A_8 = arith.constant 1 : i32
    %scan3A_9 = scf.for %scan3A_117 = %scan3A_5 to %scan3A_7 step %scan3A_8 iter_args(%scan3A_118 = %scan3A) -> (i32)  : i32 {
      %broadcast_in_dim3A_119 = arith.constant 0.000000e+00 : f32
      %broadcast_in_dim3A_120 = vector.broadcast %broadcast_in_dim3A_119 : f32 to vector<16xf32>
      %swap3A = arith.index_cast %scan3A_117 : i32 to index
      %swap3A_121 = arith.constant 0 : index
      %swap3A_122 = tpu.vector_load %arg9[%swap3A, %swap3A_121] {strides = array<i32>} : memref<80x128xf32, #tpu.memory_space<vmem>>, vector<1x16xf32>,
      %swap3A_123 = vector.shape_cast %swap3A_122 : vector<1x16xf32> to vector<16xf32>
      %swap3A_124 = vector.shape_cast %broadcast_in_dim3A_120 : vector<16xf32> to vector<1x16xf32>
      tpu.vector_store %arg9[%swap3A, %swap3A_121], %swap3A_124 {strides = array<i32>} : memref<80x128xf32, #tpu.memory_space<vmem>>, vector<1x16xf32>,
      %broadcast_in_dim3A_125 = arith.constant 0.000000e+00 : f32
      %broadcast_in_dim3A_126 = vector.broadcast %broadcast_in_dim3A_125 : f32 to vector<16xf32>
      %swap3A_127 = arith.index_cast %scan3A_117 : i32 to index
      %swap3A_128 = arith.constant 0 : index
      %swap3A_129 = tpu.vector_load %arg10[%swap3A_127, %swap3A_128] {strides = array<i32>} : memref<80x128xf32, #tpu.memory_space<vmem>>, vector<1x16xf32>,
      %swap3A_130 = vector.shape_cast %swap3A_129 : vector<1x16xf32> to vector<16xf32>
      %swap3A_131 = vector.shape_cast %broadcast_in_dim3A_126 : vector<16xf32> to vector<1x16xf32>
      tpu.vector_store %arg10[%swap3A_127, %swap3A_128], %swap3A_131 {strides = array<i32>} : memref<80x128xf32, #tpu.memory_space<vmem>>, vector<1x16xf32>,
      %broadcast_in_dim3A_132 = arith.constant 0.000000e+00 : f32
      %broadcast_in_dim3A_133 = vector.broadcast %broadcast_in_dim3A_132 : f32 to vector<16xf32>
      %swap3A_134 = arith.index_cast %scan3A_117 : i32 to index
      %swap3A_135 = arith.constant 16 : index
      %swap3A_136 = tpu.vector_load %arg9[%swap3A_134, %swap3A_135] {strides = array<i32>} : memref<80x128xf32, #tpu.memory_space<vmem>>, vector<1x16xf32>,
      %swap3A_137 = vector.shape_cast %swap3A_136 : vector<1x16xf32> to vector<16xf32>
      %swap3A_138 = vector.shape_cast %broadcast_in_dim3A_133 : vector<16xf32> to vector<1x16xf32>
      tpu.vector_store %arg9[%swap3A_134, %swap3A_135], %swap3A_138 {strides = array<i32>} : memref<80x128xf32, #tpu.memory_space<vmem>>, vector<1x16xf32>,
      %broadcast_in_dim3A_139 = arith.constant 0.000000e+00 : f32
      %broadcast_in_dim3A_140 = vector.broadcast %broadcast_in_dim3A_139 : f32 to vector<16xf32>
      %swap3A_141 = arith.index_cast %scan3A_117 : i32 to index
      %swap3A_142 = arith.constant 16 : index
      %swap3A_143 = tpu.vector_load %arg10[%swap3A_141, %swap3A_142] {strides = array<i32>} : memref<80x128xf32, #tpu.memory_space<vmem>>, vector<1x16xf32>,
      %swap3A_144 = vector.shape_cast %swap3A_143 : vector<1x16xf32> to vector<16xf32>
      %swap3A_145 = vector.shape_cast %broadcast_in_dim3A_140 : vector<16xf32> to vector<1x16xf32>
      tpu.vector_store %arg10[%swap3A_141, %swap3A_142], %swap3A_145 {strides = array<i32>} : memref<80x128xf32, #tpu.memory_space<vmem>>, vector<1x16xf32>,
      %broadcast_in_dim3A_146 = arith.constant 0.000000e+00 : f32
      %broadcast_in_dim3A_147 = vector.broadcast %broadcast_in_dim3A_146 : f32 to vector<16xf32>
      %swap3A_148 = arith.index_cast %scan3A_117 : i32 to index
      %swap3A_149 = arith.constant 32 : index
      %swap3A_150 = tpu.vector_load %arg9[%swap3A_148, %swap3A_149] {strides = array<i32>} : memref<80x128xf32, #tpu.memory_space<vmem>>, vector<1x16xf32>,
      %swap3A_151 = vector.shape_cast %swap3A_150 : vector<1x16xf32> to vector<16xf32>
      %swap3A_152 = vector.shape_cast %broadcast_in_dim3A_147 : vector<16xf32> to vector<1x16xf32>
      tpu.vector_store %arg9[%swap3A_148, %swap3A_149], %swap3A_152 {strides = array<i32>} : memref<80x128xf32, #tpu.memory_space<vmem>>, vector<1x16xf32>,
      %broadcast_in_dim3A_153 = arith.constant 0.000000e+00 : f32
      %broadcast_in_dim3A_154 = vector.broadcast %broadcast_in_dim3A_153 : f32 to vector<16xf32>
      %swap3A_155 = arith.index_cast %scan3A_117 : i32 to index
      %swap3A_156 = arith.constant 32 : index
      %swap3A_157 = tpu.vector_load %arg10[%swap3A_155, %swap3A_156] {strides = array<i32>} : memref<80x128xf32, #tpu.memory_space<vmem>>, vector<1x16xf32>,
      %swap3A_158 = vector.shape_cast %swap3A_157 : vector<1x16xf32> to vector<16xf32>
      %swap3A_159 = vector.shape_cast %broadcast_in_dim3A_154 : vector<16xf32> to vector<1x16xf32>
      tpu.vector_store %arg10[%swap3A_155, %swap3A_156], %swap3A_159 {strides = array<i32>} : memref<80x128xf32, #tpu.memory_space<vmem>>, vector<1x16xf32>,
      %broadcast_in_dim3A_160 = arith.constant 0.000000e+00 : f32
      %broadcast_in_dim3A_161 = vector.broadcast %broadcast_in_dim3A_160 : f32 to vector<16xf32>
      %swap3A_162 = arith.index_cast %scan3A_117 : i32 to index
      %swap3A_163 = arith.constant 48 : index
      %swap3A_164 = tpu.vector_load %arg9[%swap3A_162, %swap3A_163] {strides = array<i32>} : memref<80x128xf32, #tpu.memory_space<vmem>>, vector<1x16xf32>,
      %swap3A_165 = vector.shape_cast %swap3A_164 : vector<1x16xf32> to vector<16xf32>
      %swap3A_166 = vector.shape_cast %broadcast_in_dim3A_161 : vector<16xf32> to vector<1x16xf32>
      tpu.vector_store %arg9[%swap3A_162, %swap3A_163], %swap3A_166 {strides = array<i32>} : memref<80x128xf32, #tpu.memory_space<vmem>>, vector<1x16xf32>,
      %broadcast_in_dim3A_167 = arith.constant 0.000000e+00 : f32
      %broadcast_in_dim3A_168 = vector.broadcast %broadcast_in_dim3A_167 : f32 to vector<16xf32>
      %swap3A_169 = arith.index_cast %scan3A_117 : i32 to index
      %swap3A_170 = arith.constant 48 : index
      %swap3A_171 = tpu.vector_load %arg10[%swap3A_169, %swap3A_170] {strides = array<i32>} : memref<80x128xf32, #tpu.memory_space<vmem>>, vector<1x16xf32>,
      %swap3A_172 = vector.shape_cast %swap3A_171 : vector<1x16xf32> to vector<16xf32>
      %swap3A_173 = vector.shape_cast %broadcast_in_dim3A_168 : vector<16xf32> to vector<1x16xf32>
      tpu.vector_store %arg10[%swap3A_169, %swap3A_170], %swap3A_173 {strides = array<i32>} : memref<80x128xf32, #tpu.memory_space<vmem>>, vector<1x16xf32>,
      %broadcast_in_dim3A_174 = arith.constant 0.000000e+00 : f32
      %broadcast_in_dim3A_175 = vector.broadcast %broadcast_in_dim3A_174 : f32 to vector<16xf32>
      %swap3A_176 = arith.index_cast %scan3A_117 : i32 to index
      %swap3A_177 = arith.constant 64 : index
      %swap3A_178 = tpu.vector_load %arg9[%swap3A_176, %swap3A_177] {strides = array<i32>} : memref<80x128xf32, #tpu.memory_space<vmem>>, vector<1x16xf32>,
      %swap3A_179 = vector.shape_cast %swap3A_178 : vector<1x16xf32> to vector<16xf32>
      %swap3A_180 = vector.shape_cast %broadcast_in_dim3A_175 : vector<16xf32> to vector<1x16xf32>
      tpu.vector_store %arg9[%swap3A_176, %swap3A_177], %swap3A_180 {strides = array<i32>} : memref<80x128xf32, #tpu.memory_space<vmem>>, vector<1x16xf32>,
      %broadcast_in_dim3A_181 = arith.constant 0.000000e+00 : f32
      %broadcast_in_dim3A_182 = vector.broadcast %broadcast_in_dim3A_181 : f32 to vector<16xf32>
      %swap3A_183 = arith.index_cast %scan3A_117 : i32 to index
      %swap3A_184 = arith.constant 64 : index
      %swap3A_185 = tpu.vector_load %arg10[%swap3A_183, %swap3A_184] {strides = array<i32>} : memref<80x128xf32, #tpu.memory_space<vmem>>, vector<1x16xf32>,
      %swap3A_186 = vector.shape_cast %swap3A_185 : vector<1x16xf32> to vector<16xf32>
      %swap3A_187 = vector.shape_cast %broadcast_in_dim3A_182 : vector<16xf32> to vector<1x16xf32>
      tpu.vector_store %arg10[%swap3A_183, %swap3A_184], %swap3A_187 {strides = array<i32>} : memref<80x128xf32, #tpu.memory_space<vmem>>, vector<1x16xf32>,
      %broadcast_in_dim3A_188 = arith.constant 0.000000e+00 : f32
      %broadcast_in_dim3A_189 = vector.broadcast %broadcast_in_dim3A_188 : f32 to vector<16xf32>
      %swap3A_190 = arith.index_cast %scan3A_117 : i32 to index
      %swap3A_191 = arith.constant 80 : index
      %swap3A_192 = tpu.vector_load %arg9[%swap3A_190, %swap3A_191] {strides = array<i32>} : memref<80x128xf32, #tpu.memory_space<vmem>>, vector<1x16xf32>,
      %swap3A_193 = vector.shape_cast %swap3A_192 : vector<1x16xf32> to vector<16xf32>
      %swap3A_194 = vector.shape_cast %broadcast_in_dim3A_189 : vector<16xf32> to vector<1x16xf32>
      tpu.vector_store %arg9[%swap3A_190, %swap3A_191], %swap3A_194 {strides = array<i32>} : memref<80x128xf32, #tpu.memory_space<vmem>>, vector<1x16xf32>,
      %broadcast_in_dim3A_195 = arith.constant 0.000000e+00 : f32
      %broadcast_in_dim3A_196 = vector.broadcast %broadcast_in_dim3A_195 : f32 to vector<16xf32>
      %swap3A_197 = arith.index_cast %scan3A_117 : i32 to index
      %swap3A_198 = arith.constant 80 : index
      %swap3A_199 = tpu.vector_load %arg10[%swap3A_197, %swap3A_198] {strides = array<i32>} : memref<80x128xf32, #tpu.memory_space<vmem>>, vector<1x16xf32>,
      %swap3A_200 = vector.shape_cast %swap3A_199 : vector<1x16xf32> to vector<16xf32>
      %swap3A_201 = vector.shape_cast %broadcast_in_dim3A_196 : vector<16xf32> to vector<1x16xf32>
      tpu.vector_store %arg10[%swap3A_197, %swap3A_198], %swap3A_201 {strides = array<i32>} : memref<80x128xf32, #tpu.memory_space<vmem>>, vector<1x16xf32>,
      %broadcast_in_dim3A_202 = arith.constant 0.000000e+00 : f32
      %broadcast_in_dim3A_203 = vector.broadcast %broadcast_in_dim3A_202 : f32 to vector<16xf32>
      %swap3A_204 = arith.index_cast %scan3A_117 : i32 to index
      %swap3A_205 = arith.constant 96 : index
      %swap3A_206 = tpu.vector_load %arg9[%swap3A_204, %swap3A_205] {strides = array<i32>} : memref<80x128xf32, #tpu.memory_space<vmem>>, vector<1x16xf32>,
      %swap3A_207 = vector.shape_cast %swap3A_206 : vector<1x16xf32> to vector<16xf32>
      %swap3A_208 = vector.shape_cast %broadcast_in_dim3A_203 : vector<16xf32> to vector<1x16xf32>
      tpu.vector_store %arg9[%swap3A_204, %swap3A_205], %swap3A_208 {strides = array<i32>} : memref<80x128xf32, #tpu.memory_space<vmem>>, vector<1x16xf32>,
      %broadcast_in_dim3A_209 = arith.constant 0.000000e+00 : f32
      %broadcast_in_dim3A_210 = vector.broadcast %broadcast_in_dim3A_209 : f32 to vector<16xf32>
      %swap3A_211 = arith.index_cast %scan3A_117 : i32 to index
      %swap3A_212 = arith.constant 96 : index
      %swap3A_213 = tpu.vector_load %arg10[%swap3A_211, %swap3A_212] {strides = array<i32>} : memref<80x128xf32, #tpu.memory_space<vmem>>, vector<1x16xf32>,
      %swap3A_214 = vector.shape_cast %swap3A_213 : vector<1x16xf32> to vector<16xf32>
      %swap3A_215 = vector.shape_cast %broadcast_in_dim3A_210 : vector<16xf32> to vector<1x16xf32>
      tpu.vector_store %arg10[%swap3A_211, %swap3A_212], %swap3A_215 {strides = array<i32>} : memref<80x128xf32, #tpu.memory_space<vmem>>, vector<1x16xf32>,
      %broadcast_in_dim3A_216 = arith.constant 0.000000e+00 : f32
      %broadcast_in_dim3A_217 = vector.broadcast %broadcast_in_dim3A_216 : f32 to vector<16xf32>
      %swap3A_218 = arith.index_cast %scan3A_117 : i32 to index
      %swap3A_219 = arith.constant 112 : index
      %swap3A_220 = tpu.vector_load %arg9[%swap3A_218, %swap3A_219] {strides = array<i32>} : memref<80x128xf32, #tpu.memory_space<vmem>>, vector<1x16xf32>,
      %swap3A_221 = vector.shape_cast %swap3A_220 : vector<1x16xf32> to vector<16xf32>
      %swap3A_222 = vector.shape_cast %broadcast_in_dim3A_217 : vector<16xf32> to vector<1x16xf32>
      tpu.vector_store %arg9[%swap3A_218, %swap3A_219], %swap3A_222 {strides = array<i32>} : memref<80x128xf32, #tpu.memory_space<vmem>>, vector<1x16xf32>,
      %broadcast_in_dim3A_223 = arith.constant 0.000000e+00 : f32
      %broadcast_in_dim3A_224 = vector.broadcast %broadcast_in_dim3A_223 : f32 to vector<16xf32>
      %swap3A_225 = arith.index_cast %scan3A_117 : i32 to index
      %swap3A_226 = arith.constant 112 : index
      %swap3A_227 = tpu.vector_load %arg10[%swap3A_225, %swap3A_226] {strides = array<i32>} : memref<80x128xf32, #tpu.memory_space<vmem>>, vector<1x16xf32>,
      %swap3A_228 = vector.shape_cast %swap3A_227 : vector<1x16xf32> to vector<16xf32>
      %swap3A_229 = vector.shape_cast %broadcast_in_dim3A_224 : vector<16xf32> to vector<1x16xf32>
      tpu.vector_store %arg10[%swap3A_225, %swap3A_226], %swap3A_229 {strides = array<i32>} : memref<80x128xf32, #tpu.memory_space<vmem>>, vector<1x16xf32>,
      %scan3A_230 = arith.constant 0 : i32
      scf.yield %scan3A_230 : i32
    }
    %scan3A_10 = arith.constant 80 : i32
    %mul3A_11 = arith.constant 624 : i32
    %mul3A_12 = arith.muli %arg1, %mul3A_11 : i32
    %add3A_13 = arith.constant 0 : i32
    %add3A_14 = arith.addi %mul3A_12, %add3A_13 : i32
    "tpu.region"() ({
      %run_scoped3A = tpu.sem_alloc : memref<!tpu.dma_semaphore, #tpu.memory_space<semaphore_mem>>
      %dma_start3A = arith.constant 0 : i32
      %dma_start3A_117 = tpu.memref_slice %arg11[%add3A_14, %dma_start3A] : memref<10000x128xf32, #tpu.memory_space<vmem_shared>> -> memref<80x128xf32, #tpu.memory_space<vmem_shared>>
      %dma_start3A_118 = arith.constant 0 : i32
      %dma_start3A_119 = tpu.memref_slice %arg11[%add3A_14, %dma_start3A_118] : memref<10000x128xf32, #tpu.memory_space<vmem_shared>> -> memref<80x128xf32, #tpu.memory_space<vmem_shared>>
      tpu.enqueue_dma source(%arg9 : memref<80x128xf32, #tpu.memory_space<vmem>>) target(%dma_start3A_119 : memref<80x128xf32, #tpu.memory_space<vmem_shared>>) target_semaphore(%run_scoped3A : memref<!tpu.dma_semaphore, #tpu.memory_space<semaphore_mem>>)
      %dma_wait3A = arith.constant 0 : i32
      %dma_wait3A_120 = tpu.memref_slice %arg11[%add3A_14, %dma_wait3A] : memref<10000x128xf32, #tpu.memory_space<vmem_shared>> -> memref<80x128xf32, #tpu.memory_space<vmem_shared>>
      %dma_wait3A_121 = arith.constant 0 : i32
      %dma_wait3A_122 = tpu.memref_slice %arg11[%add3A_14, %dma_wait3A_121] : memref<10000x128xf32, #tpu.memory_space<vmem_shared>> -> memref<80x128xf32, #tpu.memory_space<vmem_shared>>
      tpu.wait_dma2 semaphore(%run_scoped3A : memref<!tpu.dma_semaphore, #tpu.memory_space<semaphore_mem>>) src(%arg9 : memref<80x128xf32, #tpu.memory_space<vmem>>) dst(%dma_wait3A_122 : memref<80x128xf32, #tpu.memory_space<vmem_shared>>)
      tpu.yield
    }) : () -> ()
    %add3A_15 = arith.constant 80 : i32
    %add3A_16 = arith.addi %mul3A_12, %add3A_15 : i32
    "tpu.region"() ({
      %run_scoped3A = tpu.sem_alloc : memref<!tpu.dma_semaphore, #tpu.memory_space<semaphore_mem>>
      %dma_start3A = arith.constant 0 : i32
      %dma_start3A_117 = tpu.memref_slice %arg11[%add3A_16, %dma_start3A] : memref<10000x128xf32, #tpu.memory_space<vmem_shared>> -> memref<80x128xf32, #tpu.memory_space<vmem_shared>>
      %dma_start3A_118 = arith.constant 0 : i32
      %dma_start3A_119 = tpu.memref_slice %arg11[%add3A_16, %dma_start3A_118] : memref<10000x128xf32, #tpu.memory_space<vmem_shared>> -> memref<80x128xf32, #tpu.memory_space<vmem_shared>>
      tpu.enqueue_dma source(%arg9 : memref<80x128xf32, #tpu.memory_space<vmem>>) target(%dma_start3A_119 : memref<80x128xf32, #tpu.memory_space<vmem_shared>>) target_semaphore(%run_scoped3A : memref<!tpu.dma_semaphore, #tpu.memory_space<semaphore_mem>>)
      %dma_wait3A = arith.constant 0 : i32
      %dma_wait3A_120 = tpu.memref_slice %arg11[%add3A_16, %dma_wait3A] : memref<10000x128xf32, #tpu.memory_space<vmem_shared>> -> memref<80x128xf32, #tpu.memory_space<vmem_shared>>
      %dma_wait3A_121 = arith.constant 0 : i32
      %dma_wait3A_122 = tpu.memref_slice %arg11[%add3A_16, %dma_wait3A_121] : memref<10000x128xf32, #tpu.memory_space<vmem_shared>> -> memref<80x128xf32, #tpu.memory_space<vmem_shared>>
      tpu.wait_dma2 semaphore(%run_scoped3A : memref<!tpu.dma_semaphore, #tpu.memory_space<semaphore_mem>>) src(%arg9 : memref<80x128xf32, #tpu.memory_space<vmem>>) dst(%dma_wait3A_122 : memref<80x128xf32, #tpu.memory_space<vmem_shared>>)
      tpu.yield
    }) : () -> ()
    %add3A_17 = arith.constant 160 : i32
    %add3A_18 = arith.addi %mul3A_12, %add3A_17 : i32
    "tpu.region"() ({
      %run_scoped3A = tpu.sem_alloc : memref<!tpu.dma_semaphore, #tpu.memory_space<semaphore_mem>>
      %dma_start3A = arith.constant 0 : i32
      %dma_start3A_117 = tpu.memref_slice %arg11[%add3A_18, %dma_start3A] : memref<10000x128xf32, #tpu.memory_space<vmem_shared>> -> memref<80x128xf32, #tpu.memory_space<vmem_shared>>
      %dma_start3A_118 = arith.constant 0 : i32
      %dma_start3A_119 = tpu.memref_slice %arg11[%add3A_18, %dma_start3A_118] : memref<10000x128xf32, #tpu.memory_space<vmem_shared>> -> memref<80x128xf32, #tpu.memory_space<vmem_shared>>
      tpu.enqueue_dma source(%arg9 : memref<80x128xf32, #tpu.memory_space<vmem>>) target(%dma_start3A_119 : memref<80x128xf32, #tpu.memory_space<vmem_shared>>) target_semaphore(%run_scoped3A : memref<!tpu.dma_semaphore, #tpu.memory_space<semaphore_mem>>)
      %dma_wait3A = arith.constant 0 : i32
      %dma_wait3A_120 = tpu.memref_slice %arg11[%add3A_18, %dma_wait3A] : memref<10000x128xf32, #tpu.memory_space<vmem_shared>> -> memref<80x128xf32, #tpu.memory_space<vmem_shared>>
      %dma_wait3A_121 = arith.constant 0 : i32
      %dma_wait3A_122 = tpu.memref_slice %arg11[%add3A_18, %dma_wait3A_121] : memref<10000x128xf32, #tpu.memory_space<vmem_shared>> -> memref<80x128xf32, #tpu.memory_space<vmem_shared>>
      tpu.wait_dma2 semaphore(%run_scoped3A : memref<!tpu.dma_semaphore, #tpu.memory_space<semaphore_mem>>) src(%arg9 : memref<80x128xf32, #tpu.memory_space<vmem>>) dst(%dma_wait3A_122 : memref<80x128xf32, #tpu.memory_space<vmem_shared>>)
      tpu.yield
    }) : () -> ()
    %add3A_19 = arith.constant 240 : i32
    %add3A_20 = arith.addi %mul3A_12, %add3A_19 : i32
    "tpu.region"() ({
      %run_scoped3A = tpu.sem_alloc : memref<!tpu.dma_semaphore, #tpu.memory_space<semaphore_mem>>
      %dma_start3A = arith.constant 0 : i32
      %dma_start3A_117 = tpu.memref_slice %arg11[%add3A_20, %dma_start3A] : memref<10000x128xf32, #tpu.memory_space<vmem_shared>> -> memref<80x128xf32, #tpu.memory_space<vmem_shared>>
      %dma_start3A_118 = arith.constant 0 : i32
      %dma_start3A_119 = tpu.memref_slice %arg11[%add3A_20, %dma_start3A_118] : memref<10000x128xf32, #tpu.memory_space<vmem_shared>> -> memref<80x128xf32, #tpu.memory_space<vmem_shared>>
      tpu.enqueue_dma source(%arg9 : memref<80x128xf32, #tpu.memory_space<vmem>>) target(%dma_start3A_119 : memref<80x128xf32, #tpu.memory_space<vmem_shared>>) target_semaphore(%run_scoped3A : memref<!tpu.dma_semaphore, #tpu.memory_space<semaphore_mem>>)
      %dma_wait3A = arith.constant 0 : i32
      %dma_wait3A_120 = tpu.memref_slice %arg11[%add3A_20, %dma_wait3A] : memref<10000x128xf32, #tpu.memory_space<vmem_shared>> -> memref<80x128xf32, #tpu.memory_space<vmem_shared>>
      %dma_wait3A_121 = arith.constant 0 : i32
      %dma_wait3A_122 = tpu.memref_slice %arg11[%add3A_20, %dma_wait3A_121] : memref<10000x128xf32, #tpu.memory_space<vmem_shared>> -> memref<80x128xf32, #tpu.memory_space<vmem_shared>>
      tpu.wait_dma2 semaphore(%run_scoped3A : memref<!tpu.dma_semaphore, #tpu.memory_space<semaphore_mem>>) src(%arg9 : memref<80x128xf32, #tpu.memory_space<vmem>>) dst(%dma_wait3A_122 : memref<80x128xf32, #tpu.memory_space<vmem_shared>>)
      tpu.yield
    }) : () -> ()
    %add3A_21 = arith.constant 320 : i32
    %add3A_22 = arith.addi %mul3A_12, %add3A_21 : i32
    "tpu.region"() ({
      %run_scoped3A = tpu.sem_alloc : memref<!tpu.dma_semaphore, #tpu.memory_space<semaphore_mem>>
      %dma_start3A = arith.constant 0 : i32
      %dma_start3A_117 = tpu.memref_slice %arg11[%add3A_22, %dma_start3A] : memref<10000x128xf32, #tpu.memory_space<vmem_shared>> -> memref<80x128xf32, #tpu.memory_space<vmem_shared>>
      %dma_start3A_118 = arith.constant 0 : i32
      %dma_start3A_119 = tpu.memref_slice %arg11[%add3A_22, %dma_start3A_118] : memref<10000x128xf32, #tpu.memory_space<vmem_shared>> -> memref<80x128xf32, #tpu.memory_space<vmem_shared>>
      tpu.enqueue_dma source(%arg9 : memref<80x128xf32, #tpu.memory_space<vmem>>) target(%dma_start3A_119 : memref<80x128xf32, #tpu.memory_space<vmem_shared>>) target_semaphore(%run_scoped3A : memref<!tpu.dma_semaphore, #tpu.memory_space<semaphore_mem>>)
      %dma_wait3A = arith.constant 0 : i32
      %dma_wait3A_120 = tpu.memref_slice %arg11[%add3A_22, %dma_wait3A] : memref<10000x128xf32, #tpu.memory_space<vmem_shared>> -> memref<80x128xf32, #tpu.memory_space<vmem_shared>>
      %dma_wait3A_121 = arith.constant 0 : i32
      %dma_wait3A_122 = tpu.memref_slice %arg11[%add3A_22, %dma_wait3A_121] : memref<10000x128xf32, #tpu.memory_space<vmem_shared>> -> memref<80x128xf32, #tpu.memory_space<vmem_shared>>
      tpu.wait_dma2 semaphore(%run_scoped3A : memref<!tpu.dma_semaphore, #tpu.memory_space<semaphore_mem>>) src(%arg9 : memref<80x128xf32, #tpu.memory_space<vmem>>) dst(%dma_wait3A_122 : memref<80x128xf32, #tpu.memory_space<vmem_shared>>)
      tpu.yield
    }) : () -> ()
    %add3A_23 = arith.constant 400 : i32
    %add3A_24 = arith.addi %mul3A_12, %add3A_23 : i32
    "tpu.region"() ({
      %run_scoped3A = tpu.sem_alloc : memref<!tpu.dma_semaphore, #tpu.memory_space<semaphore_mem>>
      %dma_start3A = arith.constant 0 : i32
      %dma_start3A_117 = tpu.memref_slice %arg11[%add3A_24, %dma_start3A] : memref<10000x128xf32, #tpu.memory_space<vmem_shared>> -> memref<80x128xf32, #tpu.memory_space<vmem_shared>>
      %dma_start3A_118 = arith.constant 0 : i32
      %dma_start3A_119 = tpu.memref_slice %arg11[%add3A_24, %dma_start3A_118] : memref<10000x128xf32, #tpu.memory_space<vmem_shared>> -> memref<80x128xf32, #tpu.memory_space<vmem_shared>>
      tpu.enqueue_dma source(%arg9 : memref<80x128xf32, #tpu.memory_space<vmem>>) target(%dma_start3A_119 : memref<80x128xf32, #tpu.memory_space<vmem_shared>>) target_semaphore(%run_scoped3A : memref<!tpu.dma_semaphore, #tpu.memory_space<semaphore_mem>>)
      %dma_wait3A = arith.constant 0 : i32
      %dma_wait3A_120 = tpu.memref_slice %arg11[%add3A_24, %dma_wait3A] : memref<10000x128xf32, #tpu.memory_space<vmem_shared>> -> memref<80x128xf32, #tpu.memory_space<vmem_shared>>
      %dma_wait3A_121 = arith.constant 0 : i32
      %dma_wait3A_122 = tpu.memref_slice %arg11[%add3A_24, %dma_wait3A_121] : memref<10000x128xf32, #tpu.memory_space<vmem_shared>> -> memref<80x128xf32, #tpu.memory_space<vmem_shared>>
      tpu.wait_dma2 semaphore(%run_scoped3A : memref<!tpu.dma_semaphore, #tpu.memory_space<semaphore_mem>>) src(%arg9 : memref<80x128xf32, #tpu.memory_space<vmem>>) dst(%dma_wait3A_122 : memref<80x128xf32, #tpu.memory_space<vmem_shared>>)
      tpu.yield
    }) : () -> ()
    %add3A_25 = arith.constant 480 : i32
    %add3A_26 = arith.addi %mul3A_12, %add3A_25 : i32
    "tpu.region"() ({
      %run_scoped3A = tpu.sem_alloc : memref<!tpu.dma_semaphore, #tpu.memory_space<semaphore_mem>>
      %dma_start3A = arith.constant 0 : i32
      %dma_start3A_117 = tpu.memref_slice %arg11[%add3A_26, %dma_start3A] : memref<10000x128xf32, #tpu.memory_space<vmem_shared>> -> memref<80x128xf32, #tpu.memory_space<vmem_shared>>
      %dma_start3A_118 = arith.constant 0 : i32
      %dma_start3A_119 = tpu.memref_slice %arg11[%add3A_26, %dma_start3A_118] : memref<10000x128xf32, #tpu.memory_space<vmem_shared>> -> memref<80x128xf32, #tpu.memory_space<vmem_shared>>
      tpu.enqueue_dma source(%arg9 : memref<80x128xf32, #tpu.memory_space<vmem>>) target(%dma_start3A_119 : memref<80x128xf32, #tpu.memory_space<vmem_shared>>) target_semaphore(%run_scoped3A : memref<!tpu.dma_semaphore, #tpu.memory_space<semaphore_mem>>)
      %dma_wait3A = arith.constant 0 : i32
      %dma_wait3A_120 = tpu.memref_slice %arg11[%add3A_26, %dma_wait3A] : memref<10000x128xf32, #tpu.memory_space<vmem_shared>> -> memref<80x128xf32, #tpu.memory_space<vmem_shared>>
      %dma_wait3A_121 = arith.constant 0 : i32
      %dma_wait3A_122 = tpu.memref_slice %arg11[%add3A_26, %dma_wait3A_121] : memref<10000x128xf32, #tpu.memory_space<vmem_shared>> -> memref<80x128xf32, #tpu.memory_space<vmem_shared>>
      tpu.wait_dma2 semaphore(%run_scoped3A : memref<!tpu.dma_semaphore, #tpu.memory_space<semaphore_mem>>) src(%arg9 : memref<80x128xf32, #tpu.memory_space<vmem>>) dst(%dma_wait3A_122 : memref<80x128xf32, #tpu.memory_space<vmem_shared>>)
      tpu.yield
    }) : () -> ()
    %add3A_27 = arith.constant 624 : i32
    %add3A_28 = arith.addi %mul3A_12, %add3A_27 : i32
    %sub3A = arith.constant 64 : i32
    %sub3A_29 = arith.subi %add3A_28, %sub3A : i32
    "tpu.region"() ({
      %run_scoped3A = tpu.sem_alloc : memref<!tpu.dma_semaphore, #tpu.memory_space<semaphore_mem>>
      %dma_start3A = arith.constant 0 : i32
      %dma_start3A_117 = arith.constant 0 : i32
      %dma_start3A_118 = tpu.memref_slice %arg9[%dma_start3A, %dma_start3A_117] : memref<80x128xf32, #tpu.memory_space<vmem>> -> memref<64x128xf32, #tpu.memory_space<vmem>>
      %dma_start3A_119 = arith.constant 0 : i32
      %dma_start3A_120 = tpu.memref_slice %arg11[%sub3A_29, %dma_start3A_119] : memref<10000x128xf32, #tpu.memory_space<vmem_shared>> -> memref<64x128xf32, #tpu.memory_space<vmem_shared>>
      %dma_start3A_121 = arith.constant 0 : i32
      %dma_start3A_122 = tpu.memref_slice %arg11[%sub3A_29, %dma_start3A_121] : memref<10000x128xf32, #tpu.memory_space<vmem_shared>> -> memref<64x128xf32, #tpu.memory_space<vmem_shared>>
      %dma_start3A_123 = arith.constant 0 : i32
      %dma_start3A_124 = arith.constant 0 : i32
      %dma_start3A_125 = tpu.memref_slice %arg9[%dma_start3A_123, %dma_start3A_124] : memref<80x128xf32, #tpu.memory_space<vmem>> -> memref<64x128xf32, #tpu.memory_space<vmem>>
      tpu.enqueue_dma source(%dma_start3A_125 : memref<64x128xf32, #tpu.memory_space<vmem>>) target(%dma_start3A_122 : memref<64x128xf32, #tpu.memory_space<vmem_shared>>) target_semaphore(%run_scoped3A : memref<!tpu.dma_semaphore, #tpu.memory_space<semaphore_mem>>)
      %dma_wait3A = arith.constant 0 : i32
      %dma_wait3A_126 = arith.constant 0 : i32
      %dma_wait3A_127 = tpu.memref_slice %arg9[%dma_wait3A, %dma_wait3A_126] : memref<80x128xf32, #tpu.memory_space<vmem>> -> memref<64x128xf32, #tpu.memory_space<vmem>>
      %dma_wait3A_128 = arith.constant 0 : i32
      %dma_wait3A_129 = tpu.memref_slice %arg11[%sub3A_29, %dma_wait3A_128] : memref<10000x128xf32, #tpu.memory_space<vmem_shared>> -> memref<64x128xf32, #tpu.memory_space<vmem_shared>>
      %dma_wait3A_130 = arith.constant 0 : i32
      %dma_wait3A_131 = tpu.memref_slice %arg11[%sub3A_29, %dma_wait3A_130] : memref<10000x128xf32, #tpu.memory_space<vmem_shared>> -> memref<64x128xf32, #tpu.memory_space<vmem_shared>>
      %dma_wait3A_132 = arith.constant 0 : i32
      %dma_wait3A_133 = arith.constant 0 : i32
      %dma_wait3A_134 = tpu.memref_slice %arg9[%dma_wait3A_132, %dma_wait3A_133] : memref<80x128xf32, #tpu.memory_space<vmem>> -> memref<64x128xf32, #tpu.memory_space<vmem>>
      tpu.wait_dma2 semaphore(%run_scoped3A : memref<!tpu.dma_semaphore, #tpu.memory_space<semaphore_mem>>) src(%dma_wait3A_134 : memref<64x128xf32, #tpu.memory_space<vmem>>) dst(%dma_wait3A_131 : memref<64x128xf32, #tpu.memory_space<vmem_shared>>)
      tpu.yield
    }) : () -> ()
    %eq3A_30 = arith.constant 0 : i32
    %eq3A_31 = arith.cmpi eq, %arg1, %eq3A_30 : i32
    %convert_element_type3A = arith.extui %eq3A_31 : i1 to i32
    %cond3A = arith.constant 0 : i32
    %cond3A_32 = arith.cmpi ne, %convert_element_type3A, %cond3A : i32
    scf.if %cond3A_32 {
      "tpu.region"() ({
        %run_scoped3A = tpu.sem_alloc : memref<!tpu.dma_semaphore, #tpu.memory_space<semaphore_mem>>
        %dma_start3A = arith.constant 0 : i32
        %dma_start3A_117 = arith.constant 0 : i32
        %dma_start3A_118 = tpu.memref_slice %arg9[%dma_start3A, %dma_start3A_117] : memref<80x128xf32, #tpu.memory_space<vmem>> -> memref<16x128xf32, #tpu.memory_space<vmem>>
        %dma_start3A_119 = arith.constant 9984 : i32
        %dma_start3A_120 = arith.constant 0 : i32
        %dma_start3A_121 = tpu.memref_slice %arg11[%dma_start3A_119, %dma_start3A_120] : memref<10000x128xf32, #tpu.memory_space<vmem_shared>> -> memref<16x128xf32, #tpu.memory_space<vmem_shared>>
        %dma_start3A_122 = arith.constant 9984 : i32
        %dma_start3A_123 = arith.constant 0 : i32
        %dma_start3A_124 = tpu.memref_slice %arg11[%dma_start3A_122, %dma_start3A_123] : memref<10000x128xf32, #tpu.memory_space<vmem_shared>> -> memref<16x128xf32, #tpu.memory_space<vmem_shared>>
        %dma_start3A_125 = arith.constant 0 : i32
        %dma_start3A_126 = arith.constant 0 : i32
        %dma_start3A_127 = tpu.memref_slice %arg9[%dma_start3A_125, %dma_start3A_126] : memref<80x128xf32, #tpu.memory_space<vmem>> -> memref<16x128xf32, #tpu.memory_space<vmem>>
        tpu.enqueue_dma source(%dma_start3A_127 : memref<16x128xf32, #tpu.memory_space<vmem>>) target(%dma_start3A_124 : memref<16x128xf32, #tpu.memory_space<vmem_shared>>) target_semaphore(%run_scoped3A : memref<!tpu.dma_semaphore, #tpu.memory_space<semaphore_mem>>)
        %dma_wait3A = arith.constant 0 : i32
        %dma_wait3A_128 = arith.constant 0 : i32
        %dma_wait3A_129 = tpu.memref_slice %arg9[%dma_wait3A, %dma_wait3A_128] : memref<80x128xf32, #tpu.memory_space<vmem>> -> memref<16x128xf32, #tpu.memory_space<vmem>>
        %dma_wait3A_130 = arith.constant 9984 : i32
        %dma_wait3A_131 = arith.constant 0 : i32
        %dma_wait3A_132 = tpu.memref_slice %arg11[%dma_wait3A_130, %dma_wait3A_131] : memref<10000x128xf32, #tpu.memory_space<vmem_shared>> -> memref<16x128xf32, #tpu.memory_space<vmem_shared>>
        %dma_wait3A_133 = arith.constant 9984 : i32
        %dma_wait3A_134 = arith.constant 0 : i32
        %dma_wait3A_135 = tpu.memref_slice %arg11[%dma_wait3A_133, %dma_wait3A_134] : memref<10000x128xf32, #tpu.memory_space<vmem_shared>> -> memref<16x128xf32, #tpu.memory_space<vmem_shared>>
        %dma_wait3A_136 = arith.constant 0 : i32
        %dma_wait3A_137 = arith.constant 0 : i32
        %dma_wait3A_138 = tpu.memref_slice %arg9[%dma_wait3A_136, %dma_wait3A_137] : memref<80x128xf32, #tpu.memory_space<vmem>> -> memref<16x128xf32, #tpu.memory_space<vmem>>
        tpu.wait_dma2 semaphore(%run_scoped3A : memref<!tpu.dma_semaphore, #tpu.memory_space<semaphore_mem>>) src(%dma_wait3A_138 : memref<16x128xf32, #tpu.memory_space<vmem>>) dst(%dma_wait3A_135 : memref<16x128xf32, #tpu.memory_space<vmem_shared>>)
        tpu.yield
      }) : () -> ()
    } else {
    }
    %barrier3A = arith.constant 0 : index
    tpu.barrier barrier_id(%barrier3A)
    %scan3A_33 = arith.constant 0 : i32
    %scan3A_34 = arith.constant 0 : i32
    %scan3A_35 = arith.constant 80 : i32
    %scan3A_36 = arith.addi %scan3A_34, %scan3A_35 : i32
    %scan3A_37 = arith.constant 1 : i32
    %scan3A_38 = scf.for %scan3A_117 = %scan3A_34 to %scan3A_36 step %scan3A_37 iter_args(%scan3A_118 = %scan3A_33) -> (i32)  : i32 {
      %swap3A = arith.index_cast %scan3A_117 : i32 to index
      %swap3A_119 = arith.constant 16 : index
      %swap3A_120 = tpu.vector_load %arg9[%swap3A, %swap3A_119] {strides = array<i32>} : memref<80x128xf32, #tpu.memory_space<vmem>>, vector<1x16xf32>,
      %swap3A_121 = vector.shape_cast %swap3A_120 : vector<1x16xf32> to vector<16xf32>
      %swap3A_122 = vector.shape_cast %select_n3A : vector<16xf32> to vector<1x16xf32>
      tpu.vector_store %arg9[%swap3A, %swap3A_119], %swap3A_122 {strides = array<i32>} : memref<80x128xf32, #tpu.memory_space<vmem>>, vector<1x16xf32>,
      %swap3A_123 = arith.index_cast %scan3A_117 : i32 to index
      %swap3A_124 = arith.constant 16 : index
      %swap3A_125 = tpu.vector_load %arg10[%swap3A_123, %swap3A_124] {strides = array<i32>} : memref<80x128xf32, #tpu.memory_space<vmem>>, vector<1x16xf32>,
      %swap3A_126 = vector.shape_cast %swap3A_125 : vector<1x16xf32> to vector<16xf32>
      %swap3A_127 = vector.shape_cast %select_n3A : vector<16xf32> to vector<1x16xf32>
      tpu.vector_store %arg10[%swap3A_123, %swap3A_124], %swap3A_127 {strides = array<i32>} : memref<80x128xf32, #tpu.memory_space<vmem>>, vector<1x16xf32>,
      %scan3A_128 = arith.constant 0 : i32
      scf.yield %scan3A_128 : i32
    }
    %scan3A_39 = arith.constant 80 : i32
    %add3A_40 = arith.constant 0 : i32
    %add3A_41 = arith.addi %add3A, %add3A_40 : i32
    %mul3A_42 = arith.constant 80 : i32
    %mul3A_43 = arith.muli %add3A_41, %mul3A_42 : i32
    "tpu.region"() ({
      %run_scoped3A = tpu.sem_alloc : memref<!tpu.dma_semaphore, #tpu.memory_space<semaphore_mem>>
      %dma_start3A = tpu.memref_slice %arg2[%mul3A_43] : memref<320000xi32, #tpu.memory_space<hbm>> -> memref<80xi32, #tpu.memory_space<hbm>>
      %dma_start3A_117 = tpu.memref_slice %arg2[%mul3A_43] : memref<320000xi32, #tpu.memory_space<hbm>> -> memref<80xi32, #tpu.memory_space<hbm>>
      tpu.enqueue_dma source(%dma_start3A_117 : memref<80xi32, #tpu.memory_space<hbm>>) target(%arg5 : memref<80xi32, #tpu.memory_space<vmem>>) target_semaphore(%run_scoped3A : memref<!tpu.dma_semaphore, #tpu.memory_space<semaphore_mem>>)
      %dma_wait3A = tpu.memref_slice %arg2[%mul3A_43] : memref<320000xi32, #tpu.memory_space<hbm>> -> memref<80xi32, #tpu.memory_space<hbm>>
      %dma_wait3A_118 = tpu.memref_slice %arg2[%mul3A_43] : memref<320000xi32, #tpu.memory_space<hbm>> -> memref<80xi32, #tpu.memory_space<hbm>>
      tpu.wait_dma2 semaphore(%run_scoped3A : memref<!tpu.dma_semaphore, #tpu.memory_space<semaphore_mem>>) src(%dma_wait3A_118 : memref<80xi32, #tpu.memory_space<hbm>>) dst(%arg5 : memref<80xi32, #tpu.memory_space<vmem>>)
      tpu.yield
    }) : () -> ()
    %add3A_44 = arith.constant 0 : i32
    %add3A_45 = arith.addi %add3A, %add3A_44 : i32
    %mul3A_46 = arith.constant 80 : i32
    %mul3A_47 = arith.muli %add3A_45, %mul3A_46 : i32
    "tpu.region"() ({
      %run_scoped3A = tpu.sem_alloc : memref<!tpu.dma_semaphore, #tpu.memory_space<semaphore_mem>>
      %dma_start3A = arith.constant 0 : i32
      %dma_start3A_117 = tpu.memref_slice %arg3[%mul3A_47, %dma_start3A] : memref<320000x16xf32, #tpu.memory_space<hbm>> -> memref<80x16xf32, #tpu.memory_space<hbm>>
      %dma_start3A_118 = arith.constant 0 : i32
      %dma_start3A_119 = tpu.memref_slice %arg3[%mul3A_47, %dma_start3A_118] : memref<320000x16xf32, #tpu.memory_space<hbm>> -> memref<80x16xf32, #tpu.memory_space<hbm>>
      tpu.enqueue_dma source(%dma_start3A_119 : memref<80x16xf32, #tpu.memory_space<hbm>>) target(%arg7 : memref<80x16xf32, #tpu.memory_space<vmem>>) target_semaphore(%run_scoped3A : memref<!tpu.dma_semaphore, #tpu.memory_space<semaphore_mem>>)
      %dma_wait3A = arith.constant 0 : i32
      %dma_wait3A_120 = tpu.memref_slice %arg3[%mul3A_47, %dma_wait3A] : memref<320000x16xf32, #tpu.memory_space<hbm>> -> memref<80x16xf32, #tpu.memory_space<hbm>>
      %dma_wait3A_121 = arith.constant 0 : i32
      %dma_wait3A_122 = tpu.memref_slice %arg3[%mul3A_47, %dma_wait3A_121] : memref<320000x16xf32, #tpu.memory_space<hbm>> -> memref<80x16xf32, #tpu.memory_space<hbm>>
      tpu.wait_dma2 semaphore(%run_scoped3A : memref<!tpu.dma_semaphore, #tpu.memory_space<semaphore_mem>>) src(%dma_wait3A_122 : memref<80x16xf32, #tpu.memory_space<hbm>>) dst(%arg7 : memref<80x16xf32, #tpu.memory_space<vmem>>)
      tpu.yield
    }) : () -> ()
    %lt3A = arith.constant 0 : i32
    %lt3A_48 = arith.cmpi slt, %add3A, %lt3A : i32
    %jit3A_49 = arith.constant 1 : i32
    %jit3A_50 = arith.constant 0 : i32
    %select_n3A_51 = arith.select %lt3A_48, %jit3A_49, %jit3A_50 : i32
    %add3A_52 = arith.constant 125 : i32
    %add3A_53 = arith.addi %add3A_52, %select_n3A_51 : i32
    %while3A = arith.constant 0 : i32
    %while3A_54 = arith.constant 0 : i32
    %while3A_55 = arith.subi %add3A_53, %while3A : i32
    %while3A_56 = arith.addi %while3A, %while3A_55 : i32
    %while3A_57 = arith.constant 1 : i32
    %while3A_58 = arith.divsi %while3A_55, %while3A_57 : i32
    %while3A_59 = arith.muli %while3A_58, %while3A_57 : i32
    %while3A_60 = arith.addi %while3A, %while3A_59 : i32
    %while3A_61 = arith.constant 1 : i32
    %while3A_62 = scf.for %while3A_117 = %while3A to %while3A_60 step %while3A_61 iter_args(%while3A_118 = %while3A_54) -> (i32)  : i32 {
      %jit3A_119 = arith.constant 2 : i32
      %eq3A_120 = arith.constant 0 : i32
      %eq3A_121 = arith.cmpi eq, %jit3A_119, %eq3A_120 : i32
      %jit3A_122 = arith.constant 1 : i32
      %select_n3A_123 = arith.select %eq3A_121, %jit3A_122, %jit3A_119 : i32
      %rem3A_124 = arith.remsi %while3A_117, %select_n3A_123 : i32
      %ne3A_125 = arith.constant 0 : i32
      %ne3A_126 = arith.cmpi ne, %rem3A_124, %ne3A_125 : i32
      %lt3A_127 = arith.constant 0 : i32
      %lt3A_128 = arith.cmpi slt, %rem3A_124, %lt3A_127 : i32
      %lt3A_129 = arith.constant 0 : i32
      %lt3A_130 = arith.cmpi slt, %select_n3A_123, %lt3A_129 : i32
      %ne3A_131 = arith.xori %lt3A_128, %lt3A_130 : i1
      %and3A_132 = arith.andi %ne3A_131, %ne3A_126 : i1
      %add3A_133 = arith.addi %rem3A_124, %select_n3A_123 : i32
      %select_n3A_134 = arith.select %and3A_132, %add3A_133, %rem3A_124 : i32
      %eq3A_135 = arith.constant 0 : i32
      %eq3A_136 = arith.cmpi eq, %select_n3A_134, %eq3A_135 : i32
      %convert_element_type3A_137 = arith.extui %eq3A_136 : i1 to i32
      %cond3A_138 = arith.constant 0 : i32
      %cond3A_139 = arith.cmpi ne, %convert_element_type3A_137, %cond3A_138 : i32
      scf.if %cond3A_139 {
        %ge3A = arith.constant 1 : i32
        %ge3A_146 = arith.cmpi sge, %while3A_117, %ge3A : i32
        %convert_element_type3A_147 = arith.extui %ge3A_146 : i1 to i32
        %cond3A_148 = arith.constant 0 : i32
        %cond3A_149 = arith.cmpi ne, %convert_element_type3A_147, %cond3A_148 : i32
        scf.if %cond3A_149 {
          %mul3A_170 = arith.constant 32 : i32
          %mul3A_171 = arith.muli %while3A_117, %mul3A_170 : i32
          %add3A_172 = arith.addi %add3A, %mul3A_171 : i32
          %mul3A_173 = arith.constant 80 : i32
          %mul3A_174 = arith.muli %add3A_172, %mul3A_173 : i32
          %dma_wait3A = tpu.memref_slice %arg2[%mul3A_174] : memref<320000xi32, #tpu.memory_space<hbm>> -> memref<80xi32, #tpu.memory_space<hbm>>
          %dma_wait3A_175 = tpu.memref_slice %arg2[%mul3A_174] : memref<320000xi32, #tpu.memory_space<hbm>> -> memref<80xi32, #tpu.memory_space<hbm>>
          tpu.wait_dma2 semaphore(%arg12 : memref<!tpu.dma_semaphore, #tpu.memory_space<semaphore_mem>>) src(%dma_wait3A_175 : memref<80xi32, #tpu.memory_space<hbm>>) dst(%arg5 : memref<80xi32, #tpu.memory_space<vmem>>)
          %mul3A_176 = arith.constant 32 : i32
          %mul3A_177 = arith.muli %while3A_117, %mul3A_176 : i32
          %add3A_178 = arith.addi %add3A, %mul3A_177 : i32
          %mul3A_179 = arith.constant 80 : i32
          %mul3A_180 = arith.muli %add3A_178, %mul3A_179 : i32
          %dma_wait3A_181 = arith.constant 0 : i32
          %dma_wait3A_182 = tpu.memref_slice %arg3[%mul3A_180, %dma_wait3A_181] : memref<320000x16xf32, #tpu.memory_space<hbm>> -> memref<80x16xf32, #tpu.memory_space<hbm>>
          %dma_wait3A_183 = arith.constant 0 : i32
          %dma_wait3A_184 = tpu.memref_slice %arg3[%mul3A_180, %dma_wait3A_183] : memref<320000x16xf32, #tpu.memory_space<hbm>> -> memref<80x16xf32, #tpu.memory_space<hbm>>
          tpu.wait_dma2 semaphore(%arg12 : memref<!tpu.dma_semaphore, #tpu.memory_space<semaphore_mem>>) src(%dma_wait3A_184 : memref<80x16xf32, #tpu.memory_space<hbm>>) dst(%arg7 : memref<80x16xf32, #tpu.memory_space<vmem>>)
        } else {
        }
        %scan3A_150 = arith.constant 0 : i32
        %scan3A_151 = arith.constant 0 : i32
        %scan3A_152 = arith.constant 80 : i32
        %scan3A_153 = arith.addi %scan3A_151, %scan3A_152 : i32
        %scan3A_154 = arith.constant 1 : i32
        %scan3A_155 = scf.for %scan3A_170 = %scan3A_151 to %scan3A_153 step %scan3A_154 iter_args(%scan3A_171 = %scan3A_150) -> (i32)  : i32 {
          %get3A = arith.index_cast %scan3A_170 : i32 to index
          %get3A_172 = arith.constant 0 : index
          %get3A_173 = tpu.vector_load %arg7[%get3A, %get3A_172] {strides = array<i32>} : memref<80x16xf32, #tpu.memory_space<vmem>>, vector<1x16xf32>,
          %get3A_174 = vector.shape_cast %get3A_173 : vector<1x16xf32> to vector<16xf32>
          %swap3A = arith.index_cast %scan3A_170 : i32 to index
          %swap3A_175 = arith.constant 0 : index
          %swap3A_176 = tpu.vector_load %arg9[%swap3A, %swap3A_175] {strides = array<i32>} : memref<80x128xf32, #tpu.memory_space<vmem>>, vector<1x16xf32>,
          %swap3A_177 = vector.shape_cast %swap3A_176 : vector<1x16xf32> to vector<16xf32>
          %swap3A_178 = vector.shape_cast %get3A_174 : vector<16xf32> to vector<1x16xf32>
          tpu.vector_store %arg9[%swap3A, %swap3A_175], %swap3A_178 {strides = array<i32>} : memref<80x128xf32, #tpu.memory_space<vmem>>, vector<1x16xf32>,
          %scan3A_179 = arith.constant 0 : i32
          scf.yield %scan3A_179 : i32
        }
        %scan3A_156 = arith.constant 80 : i32
        %dma_start3A = arith.constant 0 : i32
        %dma_start3A_157 = arith.constant 0 : i32
        %dma_start3A_158 = tpu.memref_slice %arg11[%dma_start3A, %dma_start3A_157] : memref<10000x128xf32, #tpu.memory_space<vmem_shared>> -> memref<10000x128xf32, #tpu.memory_space<vmem_shared>>
        tpu.enqueue_indirect_dma source(%arg9 : memref<80x128xf32, #tpu.memory_space<vmem>>) target(%dma_start3A_158 : memref<10000x128xf32, #tpu.memory_space<vmem_shared>>) offsets(%arg5 : memref<80xi32, #tpu.memory_space<vmem>>) semaphore(%arg14 : memref<!tpu.dma_semaphore, #tpu.memory_space<semaphore_mem>>) {add = true}
        %ge3A_159 = arith.constant 1 : i32
        %ge3A_160 = arith.cmpi sge, %while3A_117, %ge3A_159 : i32
        %convert_element_type3A_161 = arith.extui %ge3A_160 : i1 to i32
        %cond3A_162 = arith.constant 0 : i32
        %cond3A_163 = arith.cmpi ne, %convert_element_type3A_161, %cond3A_162 : i32
        scf.if %cond3A_163 {
          %dma_wait3A = arith.constant 0 : i32
          %dma_wait3A_170 = arith.constant 0 : i32
          %dma_wait3A_171 = tpu.memref_slice %arg11[%dma_wait3A, %dma_wait3A_170] : memref<10000x128xf32, #tpu.memory_space<vmem_shared>> -> memref<10000x128xf32, #tpu.memory_space<vmem_shared>>
          tpu.wait_indirect_dma semaphore(%arg15 : memref<!tpu.dma_semaphore, #tpu.memory_space<semaphore_mem>>) src(%arg10 : memref<80x128xf32, #tpu.memory_space<vmem>>) dst(%dma_wait3A_171 : memref<10000x128xf32, #tpu.memory_space<vmem_shared>>)
        } else {
        }
        %add3A_164 = arith.constant 1 : i32
        %add3A_165 = arith.addi %while3A_117, %add3A_164 : i32
        %lt3A_166 = arith.cmpi slt, %add3A_165, %add3A_53 : i32
        %convert_element_type3A_167 = arith.extui %lt3A_166 : i1 to i32
        %cond3A_168 = arith.constant 0 : i32
        %cond3A_169 = arith.cmpi ne, %convert_element_type3A_167, %cond3A_168 : i32
        scf.if %cond3A_169 {
          %add3A_170 = arith.constant 1 : i32
          %add3A_171 = arith.addi %while3A_117, %add3A_170 : i32
          %mul3A_172 = arith.constant 32 : i32
          %mul3A_173 = arith.muli %add3A_171, %mul3A_172 : i32
          %add3A_174 = arith.addi %add3A, %mul3A_173 : i32
          %mul3A_175 = arith.constant 80 : i32
          %mul3A_176 = arith.muli %add3A_174, %mul3A_175 : i32
          %dma_start3A_177 = tpu.memref_slice %arg2[%mul3A_176] : memref<320000xi32, #tpu.memory_space<hbm>> -> memref<80xi32, #tpu.memory_space<hbm>>
          %dma_start3A_178 = tpu.memref_slice %arg2[%mul3A_176] : memref<320000xi32, #tpu.memory_space<hbm>> -> memref<80xi32, #tpu.memory_space<hbm>>
          tpu.enqueue_dma source(%dma_start3A_178 : memref<80xi32, #tpu.memory_space<hbm>>) target(%arg6 : memref<80xi32, #tpu.memory_space<vmem>>) target_semaphore(%arg13 : memref<!tpu.dma_semaphore, #tpu.memory_space<semaphore_mem>>)
          %add3A_179 = arith.constant 1 : i32
          %add3A_180 = arith.addi %while3A_117, %add3A_179 : i32
          %mul3A_181 = arith.constant 32 : i32
          %mul3A_182 = arith.muli %add3A_180, %mul3A_181 : i32
          %add3A_183 = arith.addi %add3A, %mul3A_182 : i32
          %mul3A_184 = arith.constant 80 : i32
          %mul3A_185 = arith.muli %add3A_183, %mul3A_184 : i32
          %dma_start3A_186 = arith.constant 0 : i32
          %dma_start3A_187 = tpu.memref_slice %arg3[%mul3A_185, %dma_start3A_186] : memref<320000x16xf32, #tpu.memory_space<hbm>> -> memref<80x16xf32, #tpu.memory_space<hbm>>
          %dma_start3A_188 = arith.constant 0 : i32
          %dma_start3A_189 = tpu.memref_slice %arg3[%mul3A_185, %dma_start3A_188] : memref<320000x16xf32, #tpu.memory_space<hbm>> -> memref<80x16xf32, #tpu.memory_space<hbm>>
          tpu.enqueue_dma source(%dma_start3A_189 : memref<80x16xf32, #tpu.memory_space<hbm>>) target(%arg8 : memref<80x16xf32, #tpu.memory_space<vmem>>) target_semaphore(%arg13 : memref<!tpu.dma_semaphore, #tpu.memory_space<semaphore_mem>>)
        } else {
        }
      } else {
      }
      %eq3A_140 = arith.constant 1 : i32
      %eq3A_141 = arith.cmpi eq, %select_n3A_134, %eq3A_140 : i32
      %convert_element_type3A_142 = arith.extui %eq3A_141 : i1 to i32
      %cond3A_143 = arith.constant 0 : i32
      %cond3A_144 = arith.cmpi ne, %convert_element_type3A_142, %cond3A_143 : i32
      scf.if %cond3A_144 {
        %ge3A = arith.constant 1 : i32
        %ge3A_146 = arith.cmpi sge, %while3A_117, %ge3A : i32
        %convert_element_type3A_147 = arith.extui %ge3A_146 : i1 to i32
        %cond3A_148 = arith.constant 0 : i32
        %cond3A_149 = arith.cmpi ne, %convert_element_type3A_147, %cond3A_148 : i32
        scf.if %cond3A_149 {
          %mul3A_170 = arith.constant 32 : i32
          %mul3A_171 = arith.muli %while3A_117, %mul3A_170 : i32
          %add3A_172 = arith.addi %add3A, %mul3A_171 : i32
          %mul3A_173 = arith.constant 80 : i32
          %mul3A_174 = arith.muli %add3A_172, %mul3A_173 : i32
          %dma_wait3A = tpu.memref_slice %arg2[%mul3A_174] : memref<320000xi32, #tpu.memory_space<hbm>> -> memref<80xi32, #tpu.memory_space<hbm>>
          %dma_wait3A_175 = tpu.memref_slice %arg2[%mul3A_174] : memref<320000xi32, #tpu.memory_space<hbm>> -> memref<80xi32, #tpu.memory_space<hbm>>
          tpu.wait_dma2 semaphore(%arg13 : memref<!tpu.dma_semaphore, #tpu.memory_space<semaphore_mem>>) src(%dma_wait3A_175 : memref<80xi32, #tpu.memory_space<hbm>>) dst(%arg6 : memref<80xi32, #tpu.memory_space<vmem>>)
          %mul3A_176 = arith.constant 32 : i32
          %mul3A_177 = arith.muli %while3A_117, %mul3A_176 : i32
          %add3A_178 = arith.addi %add3A, %mul3A_177 : i32
          %mul3A_179 = arith.constant 80 : i32
          %mul3A_180 = arith.muli %add3A_178, %mul3A_179 : i32
          %dma_wait3A_181 = arith.constant 0 : i32
          %dma_wait3A_182 = tpu.memref_slice %arg3[%mul3A_180, %dma_wait3A_181] : memref<320000x16xf32, #tpu.memory_space<hbm>> -> memref<80x16xf32, #tpu.memory_space<hbm>>
          %dma_wait3A_183 = arith.constant 0 : i32
          %dma_wait3A_184 = tpu.memref_slice %arg3[%mul3A_180, %dma_wait3A_183] : memref<320000x16xf32, #tpu.memory_space<hbm>> -> memref<80x16xf32, #tpu.memory_space<hbm>>
          tpu.wait_dma2 semaphore(%arg13 : memref<!tpu.dma_semaphore, #tpu.memory_space<semaphore_mem>>) src(%dma_wait3A_184 : memref<80x16xf32, #tpu.memory_space<hbm>>) dst(%arg8 : memref<80x16xf32, #tpu.memory_space<vmem>>)
        } else {
        }
        %scan3A_150 = arith.constant 0 : i32
        %scan3A_151 = arith.constant 0 : i32
        %scan3A_152 = arith.constant 80 : i32
        %scan3A_153 = arith.addi %scan3A_151, %scan3A_152 : i32
        %scan3A_154 = arith.constant 1 : i32
        %scan3A_155 = scf.for %scan3A_170 = %scan3A_151 to %scan3A_153 step %scan3A_154 iter_args(%scan3A_171 = %scan3A_150) -> (i32)  : i32 {
          %get3A = arith.index_cast %scan3A_170 : i32 to index
          %get3A_172 = arith.constant 0 : index
          %get3A_173 = tpu.vector_load %arg8[%get3A, %get3A_172] {strides = array<i32>} : memref<80x16xf32, #tpu.memory_space<vmem>>, vector<1x16xf32>,
          %get3A_174 = vector.shape_cast %get3A_173 : vector<1x16xf32> to vector<16xf32>
          %swap3A = arith.index_cast %scan3A_170 : i32 to index
          %swap3A_175 = arith.constant 0 : index
          %swap3A_176 = tpu.vector_load %arg10[%swap3A, %swap3A_175] {strides = array<i32>} : memref<80x128xf32, #tpu.memory_space<vmem>>, vector<1x16xf32>,
          %swap3A_177 = vector.shape_cast %swap3A_176 : vector<1x16xf32> to vector<16xf32>
          %swap3A_178 = vector.shape_cast %get3A_174 : vector<16xf32> to vector<1x16xf32>
          tpu.vector_store %arg10[%swap3A, %swap3A_175], %swap3A_178 {strides = array<i32>} : memref<80x128xf32, #tpu.memory_space<vmem>>, vector<1x16xf32>,
          %scan3A_179 = arith.constant 0 : i32
          scf.yield %scan3A_179 : i32
        }
        %scan3A_156 = arith.constant 80 : i32
        %dma_start3A = arith.constant 0 : i32
        %dma_start3A_157 = arith.constant 0 : i32
        %dma_start3A_158 = tpu.memref_slice %arg11[%dma_start3A, %dma_start3A_157] : memref<10000x128xf32, #tpu.memory_space<vmem_shared>> -> memref<10000x128xf32, #tpu.memory_space<vmem_shared>>
        tpu.enqueue_indirect_dma source(%arg10 : memref<80x128xf32, #tpu.memory_space<vmem>>) target(%dma_start3A_158 : memref<10000x128xf32, #tpu.memory_space<vmem_shared>>) offsets(%arg6 : memref<80xi32, #tpu.memory_space<vmem>>) semaphore(%arg15 : memref<!tpu.dma_semaphore, #tpu.memory_space<semaphore_mem>>) {add = true}
        %ge3A_159 = arith.constant 1 : i32
        %ge3A_160 = arith.cmpi sge, %while3A_117, %ge3A_159 : i32
        %convert_element_type3A_161 = arith.extui %ge3A_160 : i1 to i32
        %cond3A_162 = arith.constant 0 : i32
        %cond3A_163 = arith.cmpi ne, %convert_element_type3A_161, %cond3A_162 : i32
        scf.if %cond3A_163 {
          %dma_wait3A = arith.constant 0 : i32
          %dma_wait3A_170 = arith.constant 0 : i32
          %dma_wait3A_171 = tpu.memref_slice %arg11[%dma_wait3A, %dma_wait3A_170] : memref<10000x128xf32, #tpu.memory_space<vmem_shared>> -> memref<10000x128xf32, #tpu.memory_space<vmem_shared>>
          tpu.wait_indirect_dma semaphore(%arg14 : memref<!tpu.dma_semaphore, #tpu.memory_space<semaphore_mem>>) src(%arg9 : memref<80x128xf32, #tpu.memory_space<vmem>>) dst(%dma_wait3A_171 : memref<10000x128xf32, #tpu.memory_space<vmem_shared>>)
        } else {
        }
        %add3A_164 = arith.constant 1 : i32
        %add3A_165 = arith.addi %while3A_117, %add3A_164 : i32
        %lt3A_166 = arith.cmpi slt, %add3A_165, %add3A_53 : i32
        %convert_element_type3A_167 = arith.extui %lt3A_166 : i1 to i32
        %cond3A_168 = arith.constant 0 : i32
        %cond3A_169 = arith.cmpi ne, %convert_element_type3A_167, %cond3A_168 : i32
        scf.if %cond3A_169 {
          %add3A_170 = arith.constant 1 : i32
          %add3A_171 = arith.addi %while3A_117, %add3A_170 : i32
          %mul3A_172 = arith.constant 32 : i32
          %mul3A_173 = arith.muli %add3A_171, %mul3A_172 : i32
          %add3A_174 = arith.addi %add3A, %mul3A_173 : i32
          %mul3A_175 = arith.constant 80 : i32
          %mul3A_176 = arith.muli %add3A_174, %mul3A_175 : i32
          %dma_start3A_177 = tpu.memref_slice %arg2[%mul3A_176] : memref<320000xi32, #tpu.memory_space<hbm>> -> memref<80xi32, #tpu.memory_space<hbm>>
          %dma_start3A_178 = tpu.memref_slice %arg2[%mul3A_176] : memref<320000xi32, #tpu.memory_space<hbm>> -> memref<80xi32, #tpu.memory_space<hbm>>
          tpu.enqueue_dma source(%dma_start3A_178 : memref<80xi32, #tpu.memory_space<hbm>>) target(%arg5 : memref<80xi32, #tpu.memory_space<vmem>>) target_semaphore(%arg12 : memref<!tpu.dma_semaphore, #tpu.memory_space<semaphore_mem>>)
          %add3A_179 = arith.constant 1 : i32
          %add3A_180 = arith.addi %while3A_117, %add3A_179 : i32
          %mul3A_181 = arith.constant 32 : i32
          %mul3A_182 = arith.muli %add3A_180, %mul3A_181 : i32
          %add3A_183 = arith.addi %add3A, %mul3A_182 : i32
          %mul3A_184 = arith.constant 80 : i32
          %mul3A_185 = arith.muli %add3A_183, %mul3A_184 : i32
          %dma_start3A_186 = arith.constant 0 : i32
          %dma_start3A_187 = tpu.memref_slice %arg3[%mul3A_185, %dma_start3A_186] : memref<320000x16xf32, #tpu.memory_space<hbm>> -> memref<80x16xf32, #tpu.memory_space<hbm>>
          %dma_start3A_188 = arith.constant 0 : i32
          %dma_start3A_189 = tpu.memref_slice %arg3[%mul3A_185, %dma_start3A_188] : memref<320000x16xf32, #tpu.memory_space<hbm>> -> memref<80x16xf32, #tpu.memory_space<hbm>>
          tpu.enqueue_dma source(%dma_start3A_189 : memref<80x16xf32, #tpu.memory_space<hbm>>) target(%arg7 : memref<80x16xf32, #tpu.memory_space<vmem>>) target_semaphore(%arg12 : memref<!tpu.dma_semaphore, #tpu.memory_space<semaphore_mem>>)
        } else {
        }
      } else {
      }
      %while3A_145 = arith.constant 0 : i32
      scf.yield %while3A_145 : i32
    }
    %while3A_63 = arith.constant 1 : i32
    %while3A_64 = scf.for %while3A_117 = %while3A_60 to %while3A_56 step %while3A_63 iter_args(%while3A_118 = %while3A_62) -> (i32)  : i32 {
      %jit3A_119 = arith.constant 2 : i32
      %eq3A_120 = arith.constant 0 : i32
      %eq3A_121 = arith.cmpi eq, %jit3A_119, %eq3A_120 : i32
      %jit3A_122 = arith.constant 1 : i32
      %select_n3A_123 = arith.select %eq3A_121, %jit3A_122, %jit3A_119 : i32
      %rem3A_124 = arith.remsi %while3A_117, %select_n3A_123 : i32
      %ne3A_125 = arith.constant 0 : i32
      %ne3A_126 = arith.cmpi ne, %rem3A_124, %ne3A_125 : i32
      %lt3A_127 = arith.constant 0 : i32
      %lt3A_128 = arith.cmpi slt, %rem3A_124, %lt3A_127 : i32
      %lt3A_129 = arith.constant 0 : i32
      %lt3A_130 = arith.cmpi slt, %select_n3A_123, %lt3A_129 : i32
      %ne3A_131 = arith.xori %lt3A_128, %lt3A_130 : i1
      %and3A_132 = arith.andi %ne3A_131, %ne3A_126 : i1
      %add3A_133 = arith.addi %rem3A_124, %select_n3A_123 : i32
      %select_n3A_134 = arith.select %and3A_132, %add3A_133, %rem3A_124 : i32
      %eq3A_135 = arith.constant 0 : i32
      %eq3A_136 = arith.cmpi eq, %select_n3A_134, %eq3A_135 : i32
      %convert_element_type3A_137 = arith.extui %eq3A_136 : i1 to i32
      %cond3A_138 = arith.constant 0 : i32
      %cond3A_139 = arith.cmpi ne, %convert_element_type3A_137, %cond3A_138 : i32
      scf.if %cond3A_139 {
        %ge3A = arith.constant 1 : i32
        %ge3A_146 = arith.cmpi sge, %while3A_117, %ge3A : i32
        %convert_element_type3A_147 = arith.extui %ge3A_146 : i1 to i32
        %cond3A_148 = arith.constant 0 : i32
        %cond3A_149 = arith.cmpi ne, %convert_element_type3A_147, %cond3A_148 : i32
        scf.if %cond3A_149 {
          %mul3A_170 = arith.constant 32 : i32
          %mul3A_171 = arith.muli %while3A_117, %mul3A_170 : i32
          %add3A_172 = arith.addi %add3A, %mul3A_171 : i32
          %mul3A_173 = arith.constant 80 : i32
          %mul3A_174 = arith.muli %add3A_172, %mul3A_173 : i32
          %dma_wait3A = tpu.memref_slice %arg2[%mul3A_174] : memref<320000xi32, #tpu.memory_space<hbm>> -> memref<80xi32, #tpu.memory_space<hbm>>
          %dma_wait3A_175 = tpu.memref_slice %arg2[%mul3A_174] : memref<320000xi32, #tpu.memory_space<hbm>> -> memref<80xi32, #tpu.memory_space<hbm>>
          tpu.wait_dma2 semaphore(%arg12 : memref<!tpu.dma_semaphore, #tpu.memory_space<semaphore_mem>>) src(%dma_wait3A_175 : memref<80xi32, #tpu.memory_space<hbm>>) dst(%arg5 : memref<80xi32, #tpu.memory_space<vmem>>)
          %mul3A_176 = arith.constant 32 : i32
          %mul3A_177 = arith.muli %while3A_117, %mul3A_176 : i32
          %add3A_178 = arith.addi %add3A, %mul3A_177 : i32
          %mul3A_179 = arith.constant 80 : i32
          %mul3A_180 = arith.muli %add3A_178, %mul3A_179 : i32
          %dma_wait3A_181 = arith.constant 0 : i32
          %dma_wait3A_182 = tpu.memref_slice %arg3[%mul3A_180, %dma_wait3A_181] : memref<320000x16xf32, #tpu.memory_space<hbm>> -> memref<80x16xf32, #tpu.memory_space<hbm>>
          %dma_wait3A_183 = arith.constant 0 : i32
          %dma_wait3A_184 = tpu.memref_slice %arg3[%mul3A_180, %dma_wait3A_183] : memref<320000x16xf32, #tpu.memory_space<hbm>> -> memref<80x16xf32, #tpu.memory_space<hbm>>
          tpu.wait_dma2 semaphore(%arg12 : memref<!tpu.dma_semaphore, #tpu.memory_space<semaphore_mem>>) src(%dma_wait3A_184 : memref<80x16xf32, #tpu.memory_space<hbm>>) dst(%arg7 : memref<80x16xf32, #tpu.memory_space<vmem>>)
        } else {
        }
        %scan3A_150 = arith.constant 0 : i32
        %scan3A_151 = arith.constant 0 : i32
        %scan3A_152 = arith.constant 80 : i32
        %scan3A_153 = arith.addi %scan3A_151, %scan3A_152 : i32
        %scan3A_154 = arith.constant 1 : i32
        %scan3A_155 = scf.for %scan3A_170 = %scan3A_151 to %scan3A_153 step %scan3A_154 iter_args(%scan3A_171 = %scan3A_150) -> (i32)  : i32 {
          %get3A = arith.index_cast %scan3A_170 : i32 to index
          %get3A_172 = arith.constant 0 : index
          %get3A_173 = tpu.vector_load %arg7[%get3A, %get3A_172] {strides = array<i32>} : memref<80x16xf32, #tpu.memory_space<vmem>>, vector<1x16xf32>,
          %get3A_174 = vector.shape_cast %get3A_173 : vector<1x16xf32> to vector<16xf32>
          %swap3A = arith.index_cast %scan3A_170 : i32 to index
          %swap3A_175 = arith.constant 0 : index
          %swap3A_176 = tpu.vector_load %arg9[%swap3A, %swap3A_175] {strides = array<i32>} : memref<80x128xf32, #tpu.memory_space<vmem>>, vector<1x16xf32>,
          %swap3A_177 = vector.shape_cast %swap3A_176 : vector<1x16xf32> to vector<16xf32>
          %swap3A_178 = vector.shape_cast %get3A_174 : vector<16xf32> to vector<1x16xf32>
          tpu.vector_store %arg9[%swap3A, %swap3A_175], %swap3A_178 {strides = array<i32>} : memref<80x128xf32, #tpu.memory_space<vmem>>, vector<1x16xf32>,
          %scan3A_179 = arith.constant 0 : i32
          scf.yield %scan3A_179 : i32
        }
        %scan3A_156 = arith.constant 80 : i32
        %dma_start3A = arith.constant 0 : i32
        %dma_start3A_157 = arith.constant 0 : i32
        %dma_start3A_158 = tpu.memref_slice %arg11[%dma_start3A, %dma_start3A_157] : memref<10000x128xf32, #tpu.memory_space<vmem_shared>> -> memref<10000x128xf32, #tpu.memory_space<vmem_shared>>
        tpu.enqueue_indirect_dma source(%arg9 : memref<80x128xf32, #tpu.memory_space<vmem>>) target(%dma_start3A_158 : memref<10000x128xf32, #tpu.memory_space<vmem_shared>>) offsets(%arg5 : memref<80xi32, #tpu.memory_space<vmem>>) semaphore(%arg14 : memref<!tpu.dma_semaphore, #tpu.memory_space<semaphore_mem>>) {add = true}
        %ge3A_159 = arith.constant 1 : i32
        %ge3A_160 = arith.cmpi sge, %while3A_117, %ge3A_159 : i32
        %convert_element_type3A_161 = arith.extui %ge3A_160 : i1 to i32
        %cond3A_162 = arith.constant 0 : i32
        %cond3A_163 = arith.cmpi ne, %convert_element_type3A_161, %cond3A_162 : i32
        scf.if %cond3A_163 {
          %dma_wait3A = arith.constant 0 : i32
          %dma_wait3A_170 = arith.constant 0 : i32
          %dma_wait3A_171 = tpu.memref_slice %arg11[%dma_wait3A, %dma_wait3A_170] : memref<10000x128xf32, #tpu.memory_space<vmem_shared>> -> memref<10000x128xf32, #tpu.memory_space<vmem_shared>>
          tpu.wait_indirect_dma semaphore(%arg15 : memref<!tpu.dma_semaphore, #tpu.memory_space<semaphore_mem>>) src(%arg10 : memref<80x128xf32, #tpu.memory_space<vmem>>) dst(%dma_wait3A_171 : memref<10000x128xf32, #tpu.memory_space<vmem_shared>>)
        } else {
        }
        %add3A_164 = arith.constant 1 : i32
        %add3A_165 = arith.addi %while3A_117, %add3A_164 : i32
        %lt3A_166 = arith.cmpi slt, %add3A_165, %add3A_53 : i32
        %convert_element_type3A_167 = arith.extui %lt3A_166 : i1 to i32
        %cond3A_168 = arith.constant 0 : i32
        %cond3A_169 = arith.cmpi ne, %convert_element_type3A_167, %cond3A_168 : i32
        scf.if %cond3A_169 {
          %add3A_170 = arith.constant 1 : i32
          %add3A_171 = arith.addi %while3A_117, %add3A_170 : i32
          %mul3A_172 = arith.constant 32 : i32
          %mul3A_173 = arith.muli %add3A_171, %mul3A_172 : i32
          %add3A_174 = arith.addi %add3A, %mul3A_173 : i32
          %mul3A_175 = arith.constant 80 : i32
          %mul3A_176 = arith.muli %add3A_174, %mul3A_175 : i32
          %dma_start3A_177 = tpu.memref_slice %arg2[%mul3A_176] : memref<320000xi32, #tpu.memory_space<hbm>> -> memref<80xi32, #tpu.memory_space<hbm>>
          %dma_start3A_178 = tpu.memref_slice %arg2[%mul3A_176] : memref<320000xi32, #tpu.memory_space<hbm>> -> memref<80xi32, #tpu.memory_space<hbm>>
          tpu.enqueue_dma source(%dma_start3A_178 : memref<80xi32, #tpu.memory_space<hbm>>) target(%arg6 : memref<80xi32, #tpu.memory_space<vmem>>) target_semaphore(%arg13 : memref<!tpu.dma_semaphore, #tpu.memory_space<semaphore_mem>>)
          %add3A_179 = arith.constant 1 : i32
          %add3A_180 = arith.addi %while3A_117, %add3A_179 : i32
          %mul3A_181 = arith.constant 32 : i32
          %mul3A_182 = arith.muli %add3A_180, %mul3A_181 : i32
          %add3A_183 = arith.addi %add3A, %mul3A_182 : i32
          %mul3A_184 = arith.constant 80 : i32
          %mul3A_185 = arith.muli %add3A_183, %mul3A_184 : i32
          %dma_start3A_186 = arith.constant 0 : i32
          %dma_start3A_187 = tpu.memref_slice %arg3[%mul3A_185, %dma_start3A_186] : memref<320000x16xf32, #tpu.memory_space<hbm>> -> memref<80x16xf32, #tpu.memory_space<hbm>>
          %dma_start3A_188 = arith.constant 0 : i32
          %dma_start3A_189 = tpu.memref_slice %arg3[%mul3A_185, %dma_start3A_188] : memref<320000x16xf32, #tpu.memory_space<hbm>> -> memref<80x16xf32, #tpu.memory_space<hbm>>
          tpu.enqueue_dma source(%dma_start3A_189 : memref<80x16xf32, #tpu.memory_space<hbm>>) target(%arg8 : memref<80x16xf32, #tpu.memory_space<vmem>>) target_semaphore(%arg13 : memref<!tpu.dma_semaphore, #tpu.memory_space<semaphore_mem>>)
        } else {
        }
      } else {
      }
      %eq3A_140 = arith.constant 1 : i32
      %eq3A_141 = arith.cmpi eq, %select_n3A_134, %eq3A_140 : i32
      %convert_element_type3A_142 = arith.extui %eq3A_141 : i1 to i32
      %cond3A_143 = arith.constant 0 : i32
      %cond3A_144 = arith.cmpi ne, %convert_element_type3A_142, %cond3A_143 : i32
      scf.if %cond3A_144 {
        %ge3A = arith.constant 1 : i32
        %ge3A_146 = arith.cmpi sge, %while3A_117, %ge3A : i32
        %convert_element_type3A_147 = arith.extui %ge3A_146 : i1 to i32
        %cond3A_148 = arith.constant 0 : i32
        %cond3A_149 = arith.cmpi ne, %convert_element_type3A_147, %cond3A_148 : i32
        scf.if %cond3A_149 {
          %mul3A_170 = arith.constant 32 : i32
          %mul3A_171 = arith.muli %while3A_117, %mul3A_170 : i32
          %add3A_172 = arith.addi %add3A, %mul3A_171 : i32
          %mul3A_173 = arith.constant 80 : i32
          %mul3A_174 = arith.muli %add3A_172, %mul3A_173 : i32
          %dma_wait3A = tpu.memref_slice %arg2[%mul3A_174] : memref<320000xi32, #tpu.memory_space<hbm>> -> memref<80xi32, #tpu.memory_space<hbm>>
          %dma_wait3A_175 = tpu.memref_slice %arg2[%mul3A_174] : memref<320000xi32, #tpu.memory_space<hbm>> -> memref<80xi32, #tpu.memory_space<hbm>>
          tpu.wait_dma2 semaphore(%arg13 : memref<!tpu.dma_semaphore, #tpu.memory_space<semaphore_mem>>) src(%dma_wait3A_175 : memref<80xi32, #tpu.memory_space<hbm>>) dst(%arg6 : memref<80xi32, #tpu.memory_space<vmem>>)
          %mul3A_176 = arith.constant 32 : i32
          %mul3A_177 = arith.muli %while3A_117, %mul3A_176 : i32
          %add3A_178 = arith.addi %add3A, %mul3A_177 : i32
          %mul3A_179 = arith.constant 80 : i32
          %mul3A_180 = arith.muli %add3A_178, %mul3A_179 : i32
          %dma_wait3A_181 = arith.constant 0 : i32
          %dma_wait3A_182 = tpu.memref_slice %arg3[%mul3A_180, %dma_wait3A_181] : memref<320000x16xf32, #tpu.memory_space<hbm>> -> memref<80x16xf32, #tpu.memory_space<hbm>>
          %dma_wait3A_183 = arith.constant 0 : i32
          %dma_wait3A_184 = tpu.memref_slice %arg3[%mul3A_180, %dma_wait3A_183] : memref<320000x16xf32, #tpu.memory_space<hbm>> -> memref<80x16xf32, #tpu.memory_space<hbm>>
          tpu.wait_dma2 semaphore(%arg13 : memref<!tpu.dma_semaphore, #tpu.memory_space<semaphore_mem>>) src(%dma_wait3A_184 : memref<80x16xf32, #tpu.memory_space<hbm>>) dst(%arg8 : memref<80x16xf32, #tpu.memory_space<vmem>>)
        } else {
        }
        %scan3A_150 = arith.constant 0 : i32
        %scan3A_151 = arith.constant 0 : i32
        %scan3A_152 = arith.constant 80 : i32
        %scan3A_153 = arith.addi %scan3A_151, %scan3A_152 : i32
        %scan3A_154 = arith.constant 1 : i32
        %scan3A_155 = scf.for %scan3A_170 = %scan3A_151 to %scan3A_153 step %scan3A_154 iter_args(%scan3A_171 = %scan3A_150) -> (i32)  : i32 {
          %get3A = arith.index_cast %scan3A_170 : i32 to index
          %get3A_172 = arith.constant 0 : index
          %get3A_173 = tpu.vector_load %arg8[%get3A, %get3A_172] {strides = array<i32>} : memref<80x16xf32, #tpu.memory_space<vmem>>, vector<1x16xf32>,
          %get3A_174 = vector.shape_cast %get3A_173 : vector<1x16xf32> to vector<16xf32>
          %swap3A = arith.index_cast %scan3A_170 : i32 to index
          %swap3A_175 = arith.constant 0 : index
          %swap3A_176 = tpu.vector_load %arg10[%swap3A, %swap3A_175] {strides = array<i32>} : memref<80x128xf32, #tpu.memory_space<vmem>>, vector<1x16xf32>,
          %swap3A_177 = vector.shape_cast %swap3A_176 : vector<1x16xf32> to vector<16xf32>
          %swap3A_178 = vector.shape_cast %get3A_174 : vector<16xf32> to vector<1x16xf32>
          tpu.vector_store %arg10[%swap3A, %swap3A_175], %swap3A_178 {strides = array<i32>} : memref<80x128xf32, #tpu.memory_space<vmem>>, vector<1x16xf32>,
          %scan3A_179 = arith.constant 0 : i32
          scf.yield %scan3A_179 : i32
        }
        %scan3A_156 = arith.constant 80 : i32
        %dma_start3A = arith.constant 0 : i32
        %dma_start3A_157 = arith.constant 0 : i32
        %dma_start3A_158 = tpu.memref_slice %arg11[%dma_start3A, %dma_start3A_157] : memref<10000x128xf32, #tpu.memory_space<vmem_shared>> -> memref<10000x128xf32, #tpu.memory_space<vmem_shared>>
        tpu.enqueue_indirect_dma source(%arg10 : memref<80x128xf32, #tpu.memory_space<vmem>>) target(%dma_start3A_158 : memref<10000x128xf32, #tpu.memory_space<vmem_shared>>) offsets(%arg6 : memref<80xi32, #tpu.memory_space<vmem>>) semaphore(%arg15 : memref<!tpu.dma_semaphore, #tpu.memory_space<semaphore_mem>>) {add = true}
        %ge3A_159 = arith.constant 1 : i32
        %ge3A_160 = arith.cmpi sge, %while3A_117, %ge3A_159 : i32
        %convert_element_type3A_161 = arith.extui %ge3A_160 : i1 to i32
        %cond3A_162 = arith.constant 0 : i32
        %cond3A_163 = arith.cmpi ne, %convert_element_type3A_161, %cond3A_162 : i32
        scf.if %cond3A_163 {
          %dma_wait3A = arith.constant 0 : i32
          %dma_wait3A_170 = arith.constant 0 : i32
          %dma_wait3A_171 = tpu.memref_slice %arg11[%dma_wait3A, %dma_wait3A_170] : memref<10000x128xf32, #tpu.memory_space<vmem_shared>> -> memref<10000x128xf32, #tpu.memory_space<vmem_shared>>
          tpu.wait_indirect_dma semaphore(%arg14 : memref<!tpu.dma_semaphore, #tpu.memory_space<semaphore_mem>>) src(%arg9 : memref<80x128xf32, #tpu.memory_space<vmem>>) dst(%dma_wait3A_171 : memref<10000x128xf32, #tpu.memory_space<vmem_shared>>)
        } else {
        }
        %add3A_164 = arith.constant 1 : i32
        %add3A_165 = arith.addi %while3A_117, %add3A_164 : i32
        %lt3A_166 = arith.cmpi slt, %add3A_165, %add3A_53 : i32
        %convert_element_type3A_167 = arith.extui %lt3A_166 : i1 to i32
        %cond3A_168 = arith.constant 0 : i32
        %cond3A_169 = arith.cmpi ne, %convert_element_type3A_167, %cond3A_168 : i32
        scf.if %cond3A_169 {
          %add3A_170 = arith.constant 1 : i32
          %add3A_171 = arith.addi %while3A_117, %add3A_170 : i32
          %mul3A_172 = arith.constant 32 : i32
          %mul3A_173 = arith.muli %add3A_171, %mul3A_172 : i32
          %add3A_174 = arith.addi %add3A, %mul3A_173 : i32
          %mul3A_175 = arith.constant 80 : i32
          %mul3A_176 = arith.muli %add3A_174, %mul3A_175 : i32
          %dma_start3A_177 = tpu.memref_slice %arg2[%mul3A_176] : memref<320000xi32, #tpu.memory_space<hbm>> -> memref<80xi32, #tpu.memory_space<hbm>>
          %dma_start3A_178 = tpu.memref_slice %arg2[%mul3A_176] : memref<320000xi32, #tpu.memory_space<hbm>> -> memref<80xi32, #tpu.memory_space<hbm>>
          tpu.enqueue_dma source(%dma_start3A_178 : memref<80xi32, #tpu.memory_space<hbm>>) target(%arg5 : memref<80xi32, #tpu.memory_space<vmem>>) target_semaphore(%arg12 : memref<!tpu.dma_semaphore, #tpu.memory_space<semaphore_mem>>)
          %add3A_179 = arith.constant 1 : i32
          %add3A_180 = arith.addi %while3A_117, %add3A_179 : i32
          %mul3A_181 = arith.constant 32 : i32
          %mul3A_182 = arith.muli %add3A_180, %mul3A_181 : i32
          %add3A_183 = arith.addi %add3A, %mul3A_182 : i32
          %mul3A_184 = arith.constant 80 : i32
          %mul3A_185 = arith.muli %add3A_183, %mul3A_184 : i32
          %dma_start3A_186 = arith.constant 0 : i32
          %dma_start3A_187 = tpu.memref_slice %arg3[%mul3A_185, %dma_start3A_186] : memref<320000x16xf32, #tpu.memory_space<hbm>> -> memref<80x16xf32, #tpu.memory_space<hbm>>
          %dma_start3A_188 = arith.constant 0 : i32
          %dma_start3A_189 = tpu.memref_slice %arg3[%mul3A_185, %dma_start3A_188] : memref<320000x16xf32, #tpu.memory_space<hbm>> -> memref<80x16xf32, #tpu.memory_space<hbm>>
          tpu.enqueue_dma source(%dma_start3A_189 : memref<80x16xf32, #tpu.memory_space<hbm>>) target(%arg7 : memref<80x16xf32, #tpu.memory_space<vmem>>) target_semaphore(%arg12 : memref<!tpu.dma_semaphore, #tpu.memory_space<semaphore_mem>>)
        } else {
        }
      } else {
      }
      %while3A_145 = arith.constant 0 : i32
      scf.yield %while3A_145 : i32
    }
    %sub3A_65 = arith.constant 1 : i32
    %sub3A_66 = arith.subi %add3A_53, %sub3A_65 : i32
    %jit3A_67 = arith.constant 2 : i32
    %eq3A_68 = arith.constant 0 : i32
    %eq3A_69 = arith.cmpi eq, %jit3A_67, %eq3A_68 : i32
    %jit3A_70 = arith.constant 1 : i32
    %select_n3A_71 = arith.select %eq3A_69, %jit3A_70, %jit3A_67 : i32
    %rem3A = arith.remsi %sub3A_66, %select_n3A_71 : i32
    %ne3A = arith.constant 0 : i32
    %ne3A_72 = arith.cmpi ne, %rem3A, %ne3A : i32
    %lt3A_73 = arith.constant 0 : i32
    %lt3A_74 = arith.cmpi slt, %rem3A, %lt3A_73 : i32
    %lt3A_75 = arith.constant 0 : i32
    %lt3A_76 = arith.cmpi slt, %select_n3A_71, %lt3A_75 : i32
    %ne3A_77 = arith.xori %lt3A_74, %lt3A_76 : i1
    %and3A = arith.andi %ne3A_77, %ne3A_72 : i1
    %add3A_78 = arith.addi %rem3A, %select_n3A_71 : i32
    %select_n3A_79 = arith.select %and3A, %add3A_78, %rem3A : i32
    %eq3A_80 = arith.constant 0 : i32
    %eq3A_81 = arith.cmpi eq, %select_n3A_79, %eq3A_80 : i32
    %convert_element_type3A_82 = arith.extui %eq3A_81 : i1 to i32
    %cond3A_83 = arith.constant 0 : i32
    %cond3A_84 = arith.cmpi ne, %convert_element_type3A_82, %cond3A_83 : i32
    scf.if %cond3A_84 {
      %dma_wait3A = arith.constant 0 : i32
      %dma_wait3A_117 = arith.constant 0 : i32
      %dma_wait3A_118 = tpu.memref_slice %arg11[%dma_wait3A, %dma_wait3A_117] : memref<10000x128xf32, #tpu.memory_space<vmem_shared>> -> memref<10000x128xf32, #tpu.memory_space<vmem_shared>>
      tpu.wait_indirect_dma semaphore(%arg14 : memref<!tpu.dma_semaphore, #tpu.memory_space<semaphore_mem>>) src(%arg9 : memref<80x128xf32, #tpu.memory_space<vmem>>) dst(%dma_wait3A_118 : memref<10000x128xf32, #tpu.memory_space<vmem_shared>>)
    } else {
    }
    %sub3A_85 = arith.constant 1 : i32
    %sub3A_86 = arith.subi %add3A_53, %sub3A_85 : i32
    %jit3A_87 = arith.constant 2 : i32
    %eq3A_88 = arith.constant 0 : i32
    %eq3A_89 = arith.cmpi eq, %jit3A_87, %eq3A_88 : i32
    %jit3A_90 = arith.constant 1 : i32
    %select_n3A_91 = arith.select %eq3A_89, %jit3A_90, %jit3A_87 : i32
    %rem3A_92 = arith.remsi %sub3A_86, %select_n3A_91 : i32
    %ne3A_93 = arith.constant 0 : i32
    %ne3A_94 = arith.cmpi ne, %rem3A_92, %ne3A_93 : i32
    %lt3A_95 = arith.constant 0 : i32
    %lt3A_96 = arith.cmpi slt, %rem3A_92, %lt3A_95 : i32
    %lt3A_97 = arith.constant 0 : i32
    %lt3A_98 = arith.cmpi slt, %select_n3A_91, %lt3A_97 : i32
    %ne3A_99 = arith.xori %lt3A_96, %lt3A_98 : i1
    %and3A_100 = arith.andi %ne3A_99, %ne3A_94 : i1
    %add3A_101 = arith.addi %rem3A_92, %select_n3A_91 : i32
    %select_n3A_102 = arith.select %and3A_100, %add3A_101, %rem3A_92 : i32
    %eq3A_103 = arith.constant 1 : i32
    %eq3A_104 = arith.cmpi eq, %select_n3A_102, %eq3A_103 : i32
    %convert_element_type3A_105 = arith.extui %eq3A_104 : i1 to i32
    %cond3A_106 = arith.constant 0 : i32
    %cond3A_107 = arith.cmpi ne, %convert_element_type3A_105, %cond3A_106 : i32
    scf.if %cond3A_107 {
      %dma_wait3A = arith.constant 0 : i32
      %dma_wait3A_117 = arith.constant 0 : i32
      %dma_wait3A_118 = tpu.memref_slice %arg11[%dma_wait3A, %dma_wait3A_117] : memref<10000x128xf32, #tpu.memory_space<vmem_shared>> -> memref<10000x128xf32, #tpu.memory_space<vmem_shared>>
      tpu.wait_indirect_dma semaphore(%arg15 : memref<!tpu.dma_semaphore, #tpu.memory_space<semaphore_mem>>) src(%arg10 : memref<80x128xf32, #tpu.memory_space<vmem>>) dst(%dma_wait3A_118 : memref<10000x128xf32, #tpu.memory_space<vmem_shared>>)
    } else {
    }
    %barrier3A_108 = arith.constant 0 : index
    tpu.barrier barrier_id(%barrier3A_108)
    %mul3A_109 = arith.constant 10000 : i32
    %mul3A_110 = arith.muli %arg0, %mul3A_109 : i32
    %add3A_111 = arith.addi %mul3A_110, %mul3A_12 : i32
    "tpu.region"() ({
      %run_scoped3A = tpu.sem_alloc : memref<!tpu.dma_semaphore, #tpu.memory_space<semaphore_mem>>
      %dma_start3A = arith.constant 0 : i32
      %dma_start3A_117 = tpu.memref_slice %arg4[%add3A_111, %dma_start3A] : memref<20000x128xf32, #tpu.memory_space<hbm>> -> memref<624x128xf32, #tpu.memory_space<hbm>>
      %dma_start3A_118 = arith.constant 0 : i32
      %dma_start3A_119 = tpu.memref_slice %arg11[%mul3A_12, %dma_start3A_118] : memref<10000x128xf32, #tpu.memory_space<vmem_shared>> -> memref<624x128xf32, #tpu.memory_space<vmem_shared>>
      tpu.enqueue_dma source(%dma_start3A_119 : memref<624x128xf32, #tpu.memory_space<vmem_shared>>) target(%dma_start3A_117 : memref<624x128xf32, #tpu.memory_space<hbm>>) target_semaphore(%run_scoped3A : memref<!tpu.dma_semaphore, #tpu.memory_space<semaphore_mem>>)
      %dma_wait3A = arith.constant 0 : i32
      %dma_wait3A_120 = tpu.memref_slice %arg4[%add3A_111, %dma_wait3A] : memref<20000x128xf32, #tpu.memory_space<hbm>> -> memref<624x128xf32, #tpu.memory_space<hbm>>
      %dma_wait3A_121 = arith.constant 0 : i32
      %dma_wait3A_122 = tpu.memref_slice %arg11[%mul3A_12, %dma_wait3A_121] : memref<10000x128xf32, #tpu.memory_space<vmem_shared>> -> memref<624x128xf32, #tpu.memory_space<vmem_shared>>
      tpu.wait_dma2 semaphore(%run_scoped3A : memref<!tpu.dma_semaphore, #tpu.memory_space<semaphore_mem>>) src(%dma_wait3A_122 : memref<624x128xf32, #tpu.memory_space<vmem_shared>>) dst(%dma_wait3A_120 : memref<624x128xf32, #tpu.memory_space<hbm>>)
      tpu.yield
    }) : () -> ()
    %eq3A_112 = arith.constant 0 : i32
    %eq3A_113 = arith.cmpi eq, %arg1, %eq3A_112 : i32
    %convert_element_type3A_114 = arith.extui %eq3A_113 : i1 to i32
    %cond3A_115 = arith.constant 0 : i32
    %cond3A_116 = arith.cmpi ne, %convert_element_type3A_114, %cond3A_115 : i32
    scf.if %cond3A_116 {
      %mul3A_117 = arith.constant 10000 : i32
      %mul3A_118 = arith.muli %arg0, %mul3A_117 : i32
      %add3A_119 = arith.constant 9984 : i32
      %add3A_120 = arith.addi %mul3A_118, %add3A_119 : i32
      "tpu.region"() ({
        %run_scoped3A = tpu.sem_alloc : memref<!tpu.dma_semaphore, #tpu.memory_space<semaphore_mem>>
        %dma_start3A = arith.constant 0 : i32
        %dma_start3A_121 = tpu.memref_slice %arg4[%add3A_120, %dma_start3A] : memref<20000x128xf32, #tpu.memory_space<hbm>> -> memref<16x128xf32, #tpu.memory_space<hbm>>
        %dma_start3A_122 = arith.constant 9984 : i32
        %dma_start3A_123 = arith.constant 0 : i32
        %dma_start3A_124 = tpu.memref_slice %arg11[%dma_start3A_122, %dma_start3A_123] : memref<10000x128xf32, #tpu.memory_space<vmem_shared>> -> memref<16x128xf32, #tpu.memory_space<vmem_shared>>
        tpu.enqueue_dma source(%dma_start3A_124 : memref<16x128xf32, #tpu.memory_space<vmem_shared>>) target(%dma_start3A_121 : memref<16x128xf32, #tpu.memory_space<hbm>>) target_semaphore(%run_scoped3A : memref<!tpu.dma_semaphore, #tpu.memory_space<semaphore_mem>>)
        %dma_wait3A = arith.constant 0 : i32
        %dma_wait3A_125 = tpu.memref_slice %arg4[%add3A_120, %dma_wait3A] : memref<20000x128xf32, #tpu.memory_space<hbm>> -> memref<16x128xf32, #tpu.memory_space<hbm>>
        %dma_wait3A_126 = arith.constant 9984 : i32
        %dma_wait3A_127 = arith.constant 0 : i32
        %dma_wait3A_128 = tpu.memref_slice %arg11[%dma_wait3A_126, %dma_wait3A_127] : memref<10000x128xf32, #tpu.memory_space<vmem_shared>> -> memref<16x128xf32, #tpu.memory_space<vmem_shared>>
        tpu.wait_dma2 semaphore(%run_scoped3A : memref<!tpu.dma_semaphore, #tpu.memory_space<semaphore_mem>>) src(%dma_wait3A_128 : memref<16x128xf32, #tpu.memory_space<vmem_shared>>) dst(%dma_wait3A_125 : memref<16x128xf32, #tpu.memory_space<hbm>>)
        tpu.yield
      }) : () -> ()
    } else {
    }
    return
  }
}

module attributes {stable_mosaic.version = 14 : i64} {
  func.func @_tc_body(%arg0: memref<20000x128xf32, #tpu.memory_space<vmem>>, %arg1: memref<20000x128xf32, #tpu.memory_space<vmem>>, %arg2: memref<144x128xf32, #tpu.memory_space<vmem>>, %arg3: memref<1x128xf32, #tpu.memory_space<vmem>>, %arg4: memref<10000x128xf32, #tpu.memory_space<vmem>>) attributes {dimension_semantics = [], scalar_prefetch = 0 : i64, scratch_operands = 0 : i64, tpu.core_type = #tpu.core_type<tc>} {
    %get3A = arith.constant 0 : index
    %get3A_0 = arith.constant 0 : index
    %get3A_1 = vector.load %arg0[%get3A, %get3A_0] : memref<20000x128xf32, #tpu.memory_space<vmem>>, vector<10000x128xf32>
    %get3A_2 = arith.constant 10000 : index
    %get3A_3 = arith.constant 0 : index
    %get3A_4 = vector.load %arg0[%get3A_2, %get3A_3] : memref<20000x128xf32, #tpu.memory_space<vmem>>, vector<10000x128xf32>
    %add3A = arith.addf %get3A_1, %get3A_4 : vector<10000x128xf32>
    %get3A_5 = arith.constant 0 : index
    %get3A_6 = arith.constant 0 : index
    %get3A_7 = vector.load %arg1[%get3A_5, %get3A_6] : memref<20000x128xf32, #tpu.memory_space<vmem>>, vector<10000x128xf32>
    %get3A_8 = arith.constant 10000 : index
    %get3A_9 = arith.constant 0 : index
    %get3A_10 = vector.load %arg1[%get3A_8, %get3A_9] : memref<20000x128xf32, #tpu.memory_space<vmem>>, vector<10000x128xf32>
    %add3A_11 = arith.addf %get3A_7, %get3A_10 : vector<10000x128xf32>
    %slice3A = vector.extract_strided_slice %add3A_11 {offsets = [0, 0], sizes = [10000, 16], strides = [1, 1]} : vector<10000x128xf32> to vector<10000x16xf32>
    %slice3A_12 = vector.extract_strided_slice %add3A_11 {offsets = [0, 16], sizes = [10000, 1], strides = [1, 1]} : vector<10000x128xf32> to vector<10000x1xf32>
    %max3A = arith.constant 1.000000e+00 : f32
    %max3A_13 = vector.broadcast %max3A : f32 to vector<10000x1xf32>
    %max3A_14 = arith.maximumf %slice3A_12, %max3A_13 : vector<10000x1xf32>
    %div3A = arith.constant 1.000000e+00 : f32
    %div3A_15 = vector.broadcast %div3A : f32 to vector<10000x1xf32>
    %div3A_16 = arith.divf %div3A_15, %max3A_14 : vector<10000x1xf32>
    %get3A_17 = arith.constant 0 : index
    %get3A_18 = arith.constant 0 : index
    %get3A_19 = vector.load %arg2[%get3A_17, %get3A_18] : memref<144x128xf32, #tpu.memory_space<vmem>>, vector<16x128xf32>
    %dot_general3A = arith.constant dense<0.000000e+00> : vector<10000x128xf32>
    %dot_general3A_20 = tpu.matmul %slice3A, %get3A_19, %dot_general3A {dimension_numbers = #tpu.dot_dimension_numbers<[1], [0], [0], [1], [0, 0, 1, 1], [], []>, transpose_lhs_hint = false} : vector<10000x16xf32>, vector<16x128xf32>, vector<10000x128xf32> -> vector<10000x128xf32>
    %get3A_21 = arith.constant 16 : index
    %get3A_22 = arith.constant 0 : index
    %get3A_23 = vector.load %arg2[%get3A_21, %get3A_22] : memref<144x128xf32, #tpu.memory_space<vmem>>, vector<128x128xf32>
    %dot_general3A_24 = arith.constant dense<0.000000e+00> : vector<10000x128xf32>
    %dot_general3A_25 = tpu.matmul %add3A, %get3A_23, %dot_general3A_24 {dimension_numbers = #tpu.dot_dimension_numbers<[1], [0], [0], [1], [0, 0, 1, 1], [], []>, transpose_lhs_hint = false} : vector<10000x128xf32>, vector<128x128xf32>, vector<10000x128xf32> -> vector<10000x128xf32>
    %add3A_26 = arith.addf %dot_general3A_20, %dot_general3A_25 : vector<10000x128xf32>
    %mul3A = vector.broadcast %div3A_16 : vector<10000x1xf32> to vector<10000x128xf32>
    %mul3A_27 = arith.mulf %add3A_26, %mul3A : vector<10000x128xf32>
    %get3A_28 = arith.constant 0 : index
    %get3A_29 = arith.constant 0 : index
    %get3A_30 = vector.load %arg3[%get3A_28, %get3A_29] : memref<1x128xf32, #tpu.memory_space<vmem>>, vector<1x128xf32>
    %add3A_31 = vector.broadcast %get3A_30 : vector<1x128xf32> to vector<10000x128xf32>
    %add3A_32 = arith.addf %mul3A_27, %add3A_31 : vector<10000x128xf32>
    %max3A_33 = arith.constant 0.000000e+00 : f32
    %max3A_34 = vector.broadcast %max3A_33 : f32 to vector<10000x128xf32>
    %max3A_35 = arith.maximumf %add3A_32, %max3A_34 : vector<10000x128xf32>
    %swap3A = arith.constant 0 : index
    %swap3A_36 = arith.constant 0 : index
    %swap3A_37 = vector.load %arg4[%swap3A, %swap3A_36] : memref<10000x128xf32, #tpu.memory_space<vmem>>, vector<10000x128xf32>
    tpu.vector_store %arg4[%swap3A, %swap3A_36], %max3A_35 {strides = array<i32>} : memref<10000x128xf32, #tpu.memory_space<vmem>>, vector<10000x128xf32>,
    return
  }
}

</mosaic_0001>

<sc_bundles>
// kernel: kernel.5.cloned.1.call-start
scs
__scs_entry_jumppad:
0x0: {  	(pc) =	sbr.rel $0x88, $3  }
0x1: {  	(tag) =	ssettag $0x0;
	lr =	simm.s32 $0x1  }
0x2: {  	[smem:$0x3F9C] =	sst lr;
	_ =	strace $0xD0000000  }
0x3: {  	_ = 	snop  }
0x4: {  	_ = 	snop  }
0x5: {  	_ = 	snop  }
0x6: {  	_ = 	snop  }
0x7: {  	_ = 	snop  }
__scs_overlays_trampoline_lowered:
0x8: {  	[smem:$0x3FAB] =	sst s0  }
0x9: {  	[smem:$0x3FAC] =	sst s1  }
0xa: {  	[smem:$0x3FAD] =	sst s2  }
0xb: {  	[smem:$0x3FAE] =	sst s3  }
0xc: {  	[smem:$0x3FAF] =	sst s4  }
0xd: {  	[smem:$0x3FB0] =	sst s5  }
0xe: {  	[smem:$0x3FB1] =	sst s6  }
0xf: {  	[smem:$0x3FB2] =	sst s7  }
0x10: {  	[smem:$0x3FB3] =	sst s8  }
0x11: {  	[smem:$0x3FB4] =	sst s9;
	s0 =	simm.s32 @!p0 $0x0  }
0x12: {  	s1 =	sld [smem:$0x3F9A];
	s0 =	simm.s32 @p0 $0x1  }
0x13: {  	[smem:$0x3FB5] =	sst s0;
	s0 =	simm.s32 @!p1 $0x0  }
0x14: {  	s2 =	sld [smem:$0x3F99];
	s0 =	simm.s32 @p1 $0x1  }
0x15: {  	[smem:$0x3FB6] =	sst s0;
	s0 =	simm.s32 @!p2 $0x0  }
0x16: {  	s3 =	sld [smem:$0x3FDB];
	s0 =	simm.s32 @p2 $0x1  }
0x17: {  	s4 =	simm.s32 $0x1BF5;
	[smem:$0x3FB8] =	sst s0  }
0x18: {  	s0 =	sld [smem:$0x3F9B];
	_ =	swait.ge [sflag:s4], $0x0  }
0x19: {  	s7 =	sld [smem:$0x3F9C]  }
0x1a: {  	s8 =	sadd.s32 $0xFFFFE003, lr  }
0x1b: {  	s9 =	sadd.s32 $0xFFFFFEF7, lr;
	s5 =	simm.s32 $0xFFFFFFFF;
	p2 =	slt.u32 s8, $0xFFFFF086  }
0x1c: {  	p1 =	slt.u32 s9, $0xF7A;
	s5 =	simm.s32 @!p2 $0x0  }
0x1d: {  	s5 =	simm.s32 @p1 $0x1;
	p0 =	seq.s32 s7, s2  }
0x1e: {  	s7 =	smul.u32 @!p0 $0xF7A, s2;
	p2 =	seq.s32 @!p0 s5, $0x0  }
0x1f: {  	s9 =	smul.u32 $0xF7A, s1;
	s8 =	simm.s32 @!p0 $0x1BF5;
	p2 =	por !p2, p0  }
0x20: {  	[sflag:s8] =	ssyncset.s32 @!p0 $0xFFFFF086;
	s6 =	sadd.s32 @!p0 s3, s7;
	s7 =	simm.s32 @!p0 $0x108  }
0x21: {  	s3 =	sadd.s32 s3, s9;
	s6 =	sadd.s32 @!p0 $0x88, s6;
	s7 =	simm.s32 @p2 $0x1082  }
0x22: {  	[simem:s7], [sflag:s8] =	dma.local @!p0 [hbm:s6], $0xF7A  }
0x23: {  	s9 =	sor.u32 $0xD0000000, s2;
	s6 =	simm.s32 $0x108;
	_ =	swait.ge @!p0 [sflag:s8], $0x0  }
0x24: {  	s3 =	sadd.s32 $0x88, s3;
	s6 =	simm.s32 @!p1 $0x1082;
	[sflag:s4] =	ssyncset.s32 $0xFFFFF086  }
0x25: {  	[simem:s6], [sflag:s4] =	dma.local [hbm:s3], $0xF7A  }
0x26: {  	[smem:$0x3F9C] =	sst s1;
	(tag) =	ssettag s2;
	_ =	strace s9  }
0x27: {  	s1 =	sld [smem:$0x3FAC]  }
0x28: {  	s2 =	sld [smem:$0x3FAD]  }
0x29: {  	s4 =	sld [smem:$0x3FAF]  }
0x2a: {  	p0 =	seq.s32 s5, $0x0;
	s5 =	sld [smem:$0x3FB0]  }
0x2b: {  	s6 =	sld [smem:$0x3FB1]  }
0x2c: {  	s7 =	sld [smem:$0x3FB2]  }
0x2d: {  	s3 =	simm.s32 $0x108;
	s8 =	sld [smem:$0x3FB3]  }
0x2e: {  	s3 =	simm.s32 @!p0 $0x1082;
	s9 =	sld [smem:$0x3FB4]  }
0x2f: {  	lr =	sadd.s32 s0, s3;
	s0 =	sld [smem:$0x3FAB]  }
0x30: {  	s3 =	sld [smem:$0x3FAE]  }
0x31: {  	[smem:$0x3FB7] =	sst s10  }
0x32: {  	s10 =	sld [smem:$0x3FB5];
	_ =	sdelay $0x3  }
0x33: {  	p0 =	seq.s32 s10, $0x1;
	s10 =	sld [smem:$0x3FB7];
	_ =	sdelay $0x3  }
0x34: {  	[smem:$0x3FB7] =	sst s10  }
0x35: {  	s10 =	sld [smem:$0x3FB6];
	_ =	sdelay $0x3  }
0x36: {  	p1 =	seq.s32 s10, $0x1;
	s10 =	sld [smem:$0x3FB7];
	_ =	sdelay $0x3  }
0x37: {  	[smem:$0x3FB7] =	sst s10  }
0x38: {  	s10 =	sld [smem:$0x3FB8]  }
0x39: {  	_ = 	snop;
	(pc) =	sbr.ind lr, $3  }
0x3a: {  	_ = 	snop  }
0x3b: {  	_ = 	snop  }
0x3c: {  	p2 =	seq.s32 s10, $0x1;
	s10 =	sld [smem:$0x3FB7]  }
0x3d: {  	_ =	shalt  }
0x3e: {  	_ =	shalt  }
0x3f: {  	_ =	shalt  }
0x40: {  	_ =	shalt  }
0x41: {  	_ =	shalt  }
0x42: {  	_ =	shalt  }
0x43: {  	_ =	shalt  }
0x44: {  	_ =	shalt  }
0x45: {  	_ =	shalt  }
0x46: {  	_ =	shalt  }
0x47: {  	_ =	shalt  }
0x48: {  	_ =	shalt  }
0x49: {  	_ =	shalt  }
0x4a: {  	_ =	shalt  }
0x4b: {  	_ =	shalt  }
0x4c: {  	_ =	shalt  }
0x4d: {  	_ =	shalt  }
0x4e: {  	_ =	shalt  }
0x4f: {  	_ =	shalt  }
0x50: {  	_ =	shalt  }
0x51: {  	_ =	shalt  }
0x52: {  	_ =	shalt  }
0x53: {  	_ =	shalt  }
0x54: {  	_ =	shalt  }
0x55: {  	_ =	shalt  }
0x56: {  	_ =	shalt  }
0x57: {  	_ =	shalt  }
0x58: {  	_ =	shalt  }
0x59: {  	_ =	shalt  }
0x5a: {  	_ =	shalt  }
0x5b: {  	_ =	shalt  }
0x5c: {  	_ =	shalt  }
0x5d: {  	_ =	shalt  }
0x5e: {  	_ =	shalt  }
0x5f: {  	_ =	shalt  }
0x60: {  	_ =	shalt  }
0x61: {  	_ =	shalt  }
0x62: {  	_ =	shalt  }
0x63: {  	_ =	shalt  }
0x64: {  	_ =	shalt  }
0x65: {  	_ =	shalt  }
0x66: {  	_ =	shalt  }
0x67: {  	_ =	shalt  }
0x68: {  	_ =	shalt  }
0x69: {  	_ =	shalt  }
0x6a: {  	_ =	shalt  }
0x6b: {  	_ =	shalt  }
0x6c: {  	_ =	shalt  }
0x6d: {  	_ =	shalt  }
0x6e: {  	_ =	shalt  }
0x6f: {  	_ =	shalt  }
0x70: {  	_ =	shalt  }
0x71: {  	_ =	shalt  }
0x72: {  	_ =	shalt  }
0x73: {  	_ =	shalt  }
0x74: {  	_ =	shalt  }
0x75: {  	_ =	shalt  }
0x76: {  	_ =	shalt  }
0x77: {  	_ =	shalt  }
0x78: {  	_ =	shalt  }
0x79: {  	_ =	shalt  }
0x7a: {  	_ =	shalt  }
0x7b: {  	_ =	shalt  }
0x7c: {  	_ =	shalt  }
0x7d: {  	_ =	shalt  }
0x7e: {  	_ =	shalt  }
0x7f: {  	_ =	shalt  }
0x80: {  	_ =	shalt  }
0x81: {  	_ =	shalt  }
0x82: {  	_ =	shalt  }
0x83: {  	_ =	shalt  }
0x84: {  	_ =	shalt  }
0x85: {  	_ =	shalt  }
0x86: {  	_ =	shalt  }
0x87: {  	_ =	shalt  }
.Lfunc_end0:
.L_simem_size_0:
called_computation_lowered:
.L_overlay_start_0:
0x88: {  	s2 =	sld [smem:$0x3FD9]  }
0x89: {  	s3 =	sld [smem:$0x3FFE];
	_ =	sdelay $0x1  }
0x8a: {  	s1 =	srdreg.scid  }
0x8b: {  	s0 =	sand.u32 $0x1, s1  }
0x8c: {  	s17 =	sshll.u32 s0, $0xA;
	s2 =	sadd.s32 s3, s2  }
0x8d: {  	s2 =	sadd.s32 s2, s17  }
0x8e: {  	[smem:$0x3FC3] =	sst s2  }
0x8f: {  	_ = 	snop  }
0x90: {  	s2 =	sld [smem:$0x3FC9]  }
0x91: {  	s18 =	sld [smem:$0x3FD0];
	(tm) =	ssettm $0x1  }
0x92: {  	s4 =	sld [smem:$0x3FFB];
	_ =	sdelay $0x3  }
0x93: {  	_ =	strace s4  }
0x94: {  	s4 =	sld [smem:$0x3FFC];
	_ =	sdelay $0x3  }
0x95: {  	_ =	strace s4  }
0x96: {  	s4 =	sld [smem:$0x3FFD];
	_ =	sdelay $0x3  }
0x97: {  	_ =	strace s4  }
0x98: {  	_ =	strace $0x8FFFFFFF  }
0x99: {  	s19 =	sld [smem:$0x3FDB];
	_ =	sdelay $0x1  }
0x9a: {  	s5 =	simm.s32 $_scs_section_size  }
0x9b: {  	s6 =	simm.s32 $_size__tile_overlayer_lowered;
	s7 =	simm.s32 $_tile_overlayer_lowered  }
0x9c: {  	s22 =	simm.s32 $0x1BFF;
	s21 =	sshll.u32 s7, $0x1;
	s4 =	sadd.s32 s5, s19  }
0x9d: {  	s8 =	simm.s32 $0x0;
	s20 =	sshll.u32 s6, $0x1;
	s6 =	sadd.s32 s21, s4  }
0x9e: {  	[timem:s8], [sflag:s22] =	dma.local [hbm:s6], s20  }
0x9f: {  	_ =	swait.ge [sflag:s22], s20  }
0xa0: {  	s5 =	ssub.s32 $0x0, s20;
	[sflag:s22] =	ssyncset.done $0x0  }
0xa1: {  	[sflag:s22] =	ssyncadd.s32 s5;
	_ =	sdelay $0x1  }
0xa2: {  	s23 =	simm.s32 $0x1B8B  }
0xa3: {  	_ =	swait.ge [sflag:s23], $0x1  }
0xa4: {  	[sflag:s23] =	ssyncset.done $0x0  }
0xa5: {  	s25 =	simm.s32 $0x1B8E;
	s24 =	sld [smem:$0x3FFE];
	[sflag:s23] =	ssyncadd.s32 $0xFFFFFFFF  }
0xa6: {  	s26 =	simm.s32 $execute0_lowered;
	[smem:$0x3FD2] =	sst s25  }
0xa7: {  	s6 =	sshll.u32 s26, $0x1;
	_ =	strace $0x80000046;
	[dreg:$0x1] =	wrdreg $0xFFFFFFFF  }
0xa8: {  	s28 =	simm.s32 $_size_execute0_lowered;
	s4 =	sadd.s32 s4, s6;
	[dreg:$0x0] =	wrdreg $0x0  }
0xa9: {  	s6 =	sshll.u32 s28, $0x1;
	[dreg:$0x2] =	wrdreg s4  }
0xaa: {  	[dreg:$0x3] =	wrdreg s6  }
0xab: {  	[dreg:$0x4] =	wrdreg $0xC0  }
0xac: {  	_ =	task [dreg:s8], $0x5FFFF  }
0xad: {  	[dreg:$0x1] =	wrdreg $0xFFFFFFFF  }
0xae: {  	[dreg:$0x0] =	wrdreg $0x60  }
0xaf: {  	[dreg:$0x2] =	wrdreg s2  }
0xb0: {  	[dreg:$0x3] =	wrdreg s24  }
0xb1: {  	[dreg:$0x4] =	wrdreg s18  }
0xb2: {  	[dreg:$0x5] =	wrdreg $0x7B000  }
0xb3: {  	[dreg:$0x6] =	wrdreg $0x9  }
0xb4: {  	_ =	task.clear_ibuf [dreg:s8], $0x7FFFF;
	_ =	strace $0x90000046  }
0xb5: {  	s29 =	simm.s32 $0x9;
	_ =	strace $0x80000048  }
0xb6: {  	_ =	swait.ge [sflag:s29], $0x1  }
0xb7: {  	[sflag:s29] =	ssyncadd.s32 $0xFFFFFFFF  }
0xb8: {  	_ =	strace $0x90000048  }
0xb9: {  	_ =	sfence  }
0xba: {  	s30 =	sld [smem:$0x0];
	_ =	sdelay $0x2  }
0xbb: {  	s31 =	sshll.u32 s1, $0xD;
	s1 =	sshrl.u32 s1, $0x2  }
0xbc: {  	s3 =	sand.u32 $0x4000, s31;
	s1 =	sadd.s32 s1, s30  }
0xbd: {  	s0 =	sor.u32 s3, s0;
	s1 =	sshll.u32 s1, $0x11  }
0xbe: {  	s0 =	sor.u32 s1, s0  }
0xbf: {  	s0 =	sadd.s32 $0x8F2B, s0  }
0xc0: {  	[sflag:s0] =	ssyncadd.remote.s32 $0x1  }
0xc1: {  	_ =	sfence.sel $0xFFFF  }
0xc2: {  	[dreg:$0x0] =	wrdreg $0xFFFFFFFF;
	(pc) =	sbr.abs _section_cstart, $3  }
0xc3: {  	[dreg:$0x1] =	wrdreg $0xFFFFFFFF  }
0xc4: {  	_ =	task.clear_ibuf [dreg:s8], $0x2FFFF;
	_ =	strace $0x9FFFFFFF  }
0xc5: {  	(tm) =	ssettm $0x7FFFFFFF  }
tec
execute0_lowered:
.L_overlay_start_1:
0x0: {  	(tag) =	ssettag $0x1  }
0x1: {  	s1 =	rddreg [dreg:$0x0]  }
0x2: {  	s0 =	rddreg [dreg:$0x1]  }
0x3: {  	s4 =	rddreg [dreg:$0x2]  }
0x4: {  	s2 =	rddreg [dreg:$0x3];
	s3 =	simm.s32 $0x0  }
0x5: {  	s5 =	srdreg.scid;
	s15 =	stileid.u32;
	s28 =	simm.s32 $0x80  }
0x6: {  	s29 =	simm.s32 $0x200;
	s30 =	simm.s32 $0x8;
	s31 =	simm.s32 $0x6  }
0x7: {  	[smem:$0x7FF] =	sst s3;
	s6 =	sand.u32 $0x1, s5;
	s7 =	smul.u32 $0x4E000, s15  }
0x8: {  	s8 =	sadd.s32 $0x1C00, s0;
	s0 =	sadd.s32 $0xBA00, s0;
	s11 =	smul.u32 $0x2700, s15  }
0x9: {  	s12 =	sshll.u32 s15, $0x1;
	s25 =	smul.u32 $0x14, s15;
	p0 =	sne.s32 s15, $0x0  }
0xa: {  	s5 =	ssub.s32 $0x2, s6;
	s10 =	sor.u32 s6, s12;
	s20 =	smul.u32 $0x27100, s6  }
0xb: {  	s21 =	smul.u32 $0x138800, s6;
	s9 =	sshrl.u32 s5, $0x1;
	s7 =	sshrl.u32 s7, $0x2  }
0xc: {  	s6 =	smul.u32 $0xA, s6;
	s9 =	ssub.s32 s5, s9;
	s5 =	sadd.s32 s7, s2  }
0xd: {  	_ =	strace $0x80000047;
	s18 =	smul.u32 $0x50, s10;
	s7 =	sadd.s32 $0x2800, s5  }
0xe: {  	s10 =	smul.u32 $0xA, s10;
	s13 =	sadd.s32 $0x5000, s5;
	[dreg:$0x5] =	wrdreg s7  }
0xf: {  	s26 =	sadd.s32 s25, s8;
	s14 =	sadd.s32 $0x7800, s5;
	[dreg:$0x6] =	wrdreg s13  }
0x10: {  	s23 =	sadd.s32 s11, s20;
	s16 =	sadd.s32 $0xA000, s5;
	[dreg:$0x7] =	wrdreg s14  }
0x11: {  	s24 =	sshrl.u32 s21, $0x3;
	s17 =	sadd.s32 $0xC800, s5;
	[dreg:$0x8] =	wrdreg s16  }
0x12: {  	s12 =	sadd.s32 $0xF000, s5;
	s19 =	sadd.s32 $0x11800, s5;
	[dreg:$0x9] =	wrdreg s17  }
0x13: {  	s20 =	smax.u32 s9, $0x1;
	s9 =	simm.s32 $0x4;
	[dreg:$0xa] =	wrdreg s12  }
0x14: {  	[dreg:$0xb] =	wrdreg s19;
	s13 =	sadd.s32 $0x138000, s2;
	s7 =	sshrl.u32 s18, $0x3  }
0x15: {  	s14 =	sadd.s32 s8, s10;
	s10 =	sadd.s32 s4, s10;
	s18 =	sadd.s32 s0, s23  }
0x16: {  	s0 =	sadd.s32 s0, s24;
	s23 =	simm.s32 $0x300;
	[dreg:$0xc] =	wrdreg s14  }
0x17: {  	s24 =	simm.s32 $0xA;
	s7 =	sadd.s32 $0x140, s7;
	[dreg:$0xd] =	wrdreg s10  }
0x18: {  	s19 =	sadd.s32 $0x27000, s0;
	s0 =	sadd.s32 s6, s26;
	s26 =	simm.s32 $0x50  }
.Ltmp0:
0x19: {  	s10 =	simm.s32 $0x2;
	s22 =	sadd.s32 s8, s7;
	(pc) =	sbr.rel .LBB2_1-.Ltmp0, $4  }
0x1a: {  	s17 =	sadd.s32 s4, s7;
	s4 =	sadd.s32 s25, s4;
	s21 =	sadd.s32 $0x280, s0  }
0x1b: {  	s25 =	simm.s32 $0x180;
	s0 =	simm.s32 $0x280;
	s7 =	simm.s32 $0x5  }
0x1c: {  	s8 =	simm.s32 $0x2B00;
	[dreg:$0xe] =	wrdreg s22;
	s4 =	sadd.s32 s6, s4  }
0x1d: {  	v0 =	vimm.f32 $0.0e+00;
	s6 =	simm.s32 $0x7;
	s22 =	sadd.s32 $0x280, s4;
	s4 =	simm.s32 $0x5300  }
.LBB2_12:
0x1e: {  	_ =	swait.ge [sflag:s30], $0x2800  }
0x1f: {  	s11 =	stileid.u32;
	[sflag:s30] =	ssyncset.done $0x0  }
0x20: {  	s11 =	sshll.u32 s11, $0x6;
	[sflag:s30] =	ssyncadd.s32 $0xFFFFD800  }
0x21: {  	s12 =	sshrl.u32 s5, $0x3;
	s11 =	sor.u32 $0x1C0A, s11;
	[bflag:$0x0] =	sbarrier.arrive $0xFFFF  }
0x22: {  	[hbm:s18], [sflag:s11] =	dma.local [spmem:s12], $0x2700  }
0x23: {  	_ =	swait.ge [sflag:s24], $0x2700  }
0x24: {  	s3 =	sadd.s32 $0x1, s3;
	[sflag:s24] =	ssyncset.done $0x0  }
0x25: {  	p1 =	sne.s32 s3, s20;
	s12 =	sshrl.u32 @!p0 s13, $0x3;
	[sflag:s24] =	ssyncadd.s32 $0xFFFFD900  }
0x26: {  	[hbm:s19], [sflag:s11] =	dma.local @!p0 [spmem:s12], $0x100  }
.Ltmp1:
0x27: {  	_ = 	snop;
	(pc) =	sbr.rel @!p1 .LBB2_13-.Ltmp1, $4  }
0x28: {  	s11 =	simm.s32 @!p0 $0xA  }
0x29: {  	_ =	swait.ge @!p0 [sflag:s11], $0x100  }
0x2a: {  	[sflag:s11] =	ssyncset.done @!p0 $0x0  }
0x2b: {  	[sflag:s11] =	ssyncadd.s32 @!p0 $0xFFFFFF00  }
.LBB2_1:
0x2c: {  	s11 =	simm.s32 $0x0;
	s12 =	simm.s32 $0x200  }
.LBB2_2:
0x2d: {  	p1 =	sne.s32 s12, $0x9E00;
	[tilespmem:s11+$0x370] =	vst v0  }
0x2e: {  	[tilespmem:s11+$0x300] =	vst v0  }
0x2f: {  	[tilespmem:s11+$0x310] =	vst v0  }
.Ltmp2:
0x30: {  	[tilespmem:s11+$0x320] =	vst v0;
	(pc) =	sbr.rel @p1 .LBB2_2-.Ltmp2, $4  }
0x31: {  	[tilespmem:s11+$0x330] =	vst v0  }
0x32: {  	[tilespmem:s11+$0x340] =	vst v0  }
0x33: {  	[tilespmem:s11+$0x350] =	vst v0  }
0x34: {  	[tilespmem:s11+$0x360] =	vst v0;
	s11 =	sshra.s32 s12, $0x2;
	s12 =	sadd.s32 $0x200, s12  }
0x35: {  	[tilespmem:s11+$0x370] =	vst v0  }
0x36: {  	[tilespmem:s11+$0x300] =	vst v0  }
0x37: {  	[tilespmem:s11+$0x310] =	vst v0  }
0x38: {  	[tilespmem:s11+$0x320] =	vst v0  }
0x39: {  	[tilespmem:s11+$0x330] =	vst v0  }
0x3a: {  	[tilespmem:s11+$0x340] =	vst v0  }
0x3b: {  	[tilespmem:s11+$0x350] =	vst v0  }
0x3c: {  	[tilespmem:s11+$0x360] =	vst v0  }
0x3d: {  	[spmem:s5] =	stream.linear.scatter [tilespmem:s23], [sflag:$0xA], $0x2800, $0x38;
	[tilespmem:$0x1B380] =	vst v63  }
0x3e: {  	_ =	swait.ge [sflag:s24], $0x2800  }
0x3f: {  	[sflag:s24] =	ssyncset.done $0x0  }
0x40: {  	s16 =	rddreg [dreg:$0x5];
	[sflag:s24] =	ssyncadd.s32 $0xFFFFD800  }
0x41: {  	[spmem:s16] =	stream.linear.scatter [tilespmem:s23], [sflag:$0xA], $0x2800, $0x38;
	[tilespmem:$0x1B380] =	vst v63  }
0x42: {  	_ =	swait.ge [sflag:s24], $0x2800  }
0x43: {  	[sflag:s24] =	ssyncset.done $0x0  }
0x44: {  	s12 =	rddreg [dreg:$0x6];
	[sflag:s24] =	ssyncadd.s32 $0xFFFFD800  }
0x45: {  	[spmem:s12] =	stream.linear.scatter [tilespmem:s23], [sflag:$0xA], $0x2800, $0x38;
	[tilespmem:$0x1B380] =	vst v63  }
0x46: {  	_ =	swait.ge [sflag:s24], $0x2800  }
0x47: {  	[sflag:s24] =	ssyncset.done $0x0  }
0x48: {  	s14 =	rddreg [dreg:$0x7];
	[sflag:s24] =	ssyncadd.s32 $0xFFFFD800  }
0x49: {  	[spmem:s14] =	stream.linear.scatter [tilespmem:s23], [sflag:$0xA], $0x2800, $0x38;
	[tilespmem:$0x1B380] =	vst v63  }
0x4a: {  	_ =	swait.ge [sflag:s24], $0x2800  }
0x4b: {  	[sflag:s24] =	ssyncset.done $0x0  }
0x4c: {  	s15 =	rddreg [dreg:$0x8];
	[sflag:s24] =	ssyncadd.s32 $0xFFFFD800  }
0x4d: {  	[spmem:s15] =	stream.linear.scatter [tilespmem:s23], [sflag:$0xA], $0x2800, $0x38;
	[tilespmem:$0x1B380] =	vst v63  }
0x4e: {  	_ =	swait.ge [sflag:s24], $0x2800  }
0x4f: {  	[sflag:s24] =	ssyncset.done $0x0  }
0x50: {  	s16 =	rddreg [dreg:$0x9];
	[sflag:s24] =	ssyncadd.s32 $0xFFFFD800  }
0x51: {  	[spmem:s16] =	stream.linear.scatter [tilespmem:s23], [sflag:$0xA], $0x2800, $0x38;
	[tilespmem:$0x1B380] =	vst v63  }
0x52: {  	_ =	swait.ge [sflag:s24], $0x2800  }
0x53: {  	[sflag:s24] =	ssyncset.done $0x0  }
0x54: {  	s12 =	rddreg [dreg:$0xa];
	[sflag:s24] =	ssyncadd.s32 $0xFFFFD800  }
0x55: {  	[spmem:s12] =	stream.linear.scatter [tilespmem:s23], [sflag:$0xA], $0x2800, $0x38;
	[tilespmem:$0x1B380] =	vst v63  }
0x56: {  	_ =	swait.ge [sflag:s24], $0x2800  }
0x57: {  	[sflag:s24] =	ssyncset.done $0x0  }
0x58: {  	s14 =	rddreg [dreg:$0xb];
	[sflag:s24] =	ssyncadd.s32 $0xFFFFD800  }
0x59: {  	[spmem:s14] =	stream.linear.scatter [tilespmem:s23], [sflag:$0xA], $0x2000, $0x38;
	[tilespmem:$0x1B380] =	vst v63  }
0x5a: {  	_ =	swait.ge [sflag:s24], $0x2000  }
0x5b: {  	[sflag:s24] =	ssyncset.done $0x0  }
0x5c: {  	s11 =	simm.s32 @!p0 $0x300;
	[sflag:s24] =	ssyncadd.s32 $0xFFFFE000  }
0x5d: {  	[spmem:s13] =	stream.linear.scatter @!p0 [tilespmem:s11], [sflag:$0xA], $0x800, $0x38;
	[tilespmem:$0x1B380] =	vst v63  }
0x5e: {  	s11 =	simm.s32 @!p0 $0xA  }
0x5f: {  	_ =	swait.ge @!p0 [sflag:s11], $0x800  }
0x60: {  	[sflag:s11] =	ssyncset.done @!p0 $0x0  }
0x61: {  	[sflag:s11] =	ssyncadd.s32 @!p0 $0xFFFFF800  }
0x62: {  	[bflag:$0x0] =	sbarrier.arrive $0xFFFF  }
0x63: {  	s11 =	simm.s32 $0x0;
	s12 =	rddreg [dreg:$0xc]  }
0x64: {  	[tilespmem:s11], [sflag:$0xA] =	stream.linear.gather [hbm4b:s12+s11], $0x50, $0x38;
	[tilespmem:$0x1B380] =	vst v63  }
0x65: {  	_ =	swait.ge [sflag:s24], $0x50  }
0x66: {  	[sflag:s24] =	ssyncset.done $0x0  }
0x67: {  	s15 =	rddreg [dreg:$0xd];
	[sflag:s24] =	ssyncadd.s32 $0xFFFFFFB0  }
0x68: {  	[tilespmem:s25], [sflag:$0xA] =	stream.linear.gather [hbm4b:s15+s11], $0x50, $0x38;
	[tilespmem:$0x1B380] =	vst v63  }
0x69: {  	_ =	swait.ge [sflag:s24], $0x50  }
0x6a: {  	[sflag:s24] =	ssyncset.done $0x0  }
0x6b: {  	[sflag:s24] =	ssyncadd.s32 $0xFFFFFFB0  }
0x6c: {  	[tilespmem:s23], [sflag:$0x4] =	stream.indirect.gather [hbm4b:s1+s26], $0x80, s11, s26, $0xb8;
	[tilespmem:$0x1B380] =	vst v63  }
.Ltmp3:
0x6d: {  	_ = 	snop;
	(pc) =	sbr.rel .LBB2_4-.Ltmp3, $4  }
0x6e: {  	s16 =	rddreg [dreg:$0xe]  }
0x6f: {  	[tilespmem:s28], [sflag:$0x2] =	stream.linear.gather [hbm4b:s16+s11], $0x50, $0x38;
	[tilespmem:$0x1B380] =	vst v63  }
0x70: {  	s12 =	simm.s32 $0x0  }
0x71: {  	[tilespmem:s29], [sflag:$0x2] =	stream.linear.gather [hbm4b:s17+s11], $0x50, $0x38;
	[tilespmem:$0x1B380] =	vst v63  }
.LBB2_10:
0x72: {  	_ =	swait.ge [sflag:s30], $0x2800  }
0x73: {  	p1 =	seq.s32 s11, $0x9B00;
	[sflag:s30] =	ssyncset.done $0x0  }
0x74: {  	s14 =	simm.s32 @!p1 $0x1;
	[sflag:s30] =	ssyncadd.s32 $0xFFFFD800  }
0x75: {  	_ =	swait.ge @!p1 [sflag:s14], $0x50  }
0x76: {  	[sflag:s14] =	ssyncset.done @!p1 $0x0  }
0x77: {  	[sflag:s14] =	ssyncadd.s32 @!p1 $0xFFFFFFB0  }
0x78: {  	_ =	swait.ge @!p1 [sflag:s14], $0x50  }
0x79: {  	s15 =	simm.s32 @!p1 $0x0;
	s16 =	simm.s32 @!p1 $0x300;
	[sflag:s14] =	ssyncset.done @!p1 $0x0  }
0x7a: {  	p2 =	sgt.u32 @!p1 s12, $0x7A;
	[sflag:s14] =	ssyncadd.s32 @!p1 $0xFFFFFFB0;
	s14 =	simm.s32 @!p1 $0x50  }
0x7b: {  	[tilespmem:s16], [sflag:$0x4] =	stream.indirect.gather @!p1 [hbm4b:s1+s14], $0x80, s15, s14, $0xb8;
	[tilespmem:$0x1B380] =	vst v63  }
0x7c: {  	p1 =	por p2, p1  }
0x7d: {  	s14 =	sadd.s32 @!p1 s11, s21;
	s15 =	simm.s32 @!p1 $0x0;
	s16 =	simm.s32 @!p1 $0x80  }
0x7e: {  	[tilespmem:s16], [sflag:$0x2] =	stream.linear.gather @!p1 [hbm4b:s14+s15], $0x50, $0x38;
	[tilespmem:$0x1B380] =	vst v63  }
0x7f: {  	s14 =	sadd.s32 @!p1 s11, s22;
	s16 =	simm.s32 @!p1 $0x200  }
0x80: {  	[tilespmem:s16], [sflag:$0x2] =	stream.linear.gather @!p1 [hbm4b:s14+s15], $0x50, $0x38;
	[tilespmem:$0x1B380] =	vst v63  }
0x81: {  	_ =	swait.ge [sflag:s31], $0x2800  }
0x82: {  	[sflag:s31] =	ssyncset.done $0x0  }
0x83: {  	[sflag:s31] =	ssyncadd.s32 $0xFFFFD800  }
0x84: {  	[spmem:s2] =	stream.indirect.scatter.add.f32 [tilespmem:s4], [sflag:$0x9], $0x80, s0, s26, $0xb8;
	[tilespmem:$0x1B380] =	vst v63  }
.LBB2_11:
0x85: {  	s11 =	sadd.s32 $0x140, s11  }
0x86: {  	p1 =	sne.s32 s11, $0x9C40  }
.Ltmp4:
0x87: {  	_ = 	snop;
	(pc) =	sbr.rel @!p1 .LBB2_12-.Ltmp4, $2  }
0x88: {  	_ =	sdelay $0x2  }
0x89: {  	s12 =	sadd.s32 $0x1, s12  }
.LBB2_4:
0x8a: {  	s14 =	smul.u32 $0xAB, s12;
	_ =	sdelay $0x1  }
0x8b: {  	s14 =	sshrl.u32 s14, $0x9  }
0x8c: {  	s14 =	sand.u32 $0x7F, s14  }
0x8d: {  	s14 =	smul.u32 $0x3, s14;
	_ =	sdelay $0x1  }
0x8e: {  	s14 =	ssub.s32 s12, s14  }
0x8f: {  	s14 =	sand.u32 $0xFF, s14  }
0x90: {  	p1 =	seq.s32 s14, $0x2  }
.Ltmp5:
0x91: {  	_ = 	snop;
	(pc) =	sbr.rel @p1 .LBB2_10-.Ltmp5, $1  }
0x92: {  	_ =	sdelay $0x3  }
0x93: {  	p1 =	seq.s32 s14, $0x1  }
.Ltmp6:
0x94: {  	_ = 	snop;
	(pc) =	sbr.rel @!p1 .LBB2_6-.Ltmp6, $1  }
0x95: {  	_ =	sdelay $0x3  }
0x96: {  	_ =	swait.ge [sflag:s6], $0x2800  }
0x97: {  	p1 =	seq.s32 s11, $0x9B00;
	[sflag:s6] =	ssyncset.done $0x0  }
0x98: {  	s14 =	simm.s32 @!p1 $0x3;
	[sflag:s6] =	ssyncadd.s32 $0xFFFFD800  }
0x99: {  	_ =	swait.ge @!p1 [sflag:s14], $0x50  }
0x9a: {  	[sflag:s14] =	ssyncset.done @!p1 $0x0  }
0x9b: {  	[sflag:s14] =	ssyncadd.s32 @!p1 $0xFFFFFFB0  }
0x9c: {  	_ =	swait.ge @!p1 [sflag:s14], $0x50  }
0x9d: {  	s15 =	simm.s32 @!p1 $0x100;
	s16 =	simm.s32 @!p1 $0x5300;
	[sflag:s14] =	ssyncset.done @!p1 $0x0  }
0x9e: {  	p2 =	sgt.u32 @!p1 s12, $0x7A;
	[sflag:s14] =	ssyncadd.s32 @!p1 $0xFFFFFFB0;
	s14 =	simm.s32 @!p1 $0x50  }
0x9f: {  	[tilespmem:s16], [sflag:$0x6] =	stream.indirect.gather @!p1 [hbm4b:s1+s14], $0x80, s15, s14, $0xb8;
	[tilespmem:$0x1B380] =	vst v63  }
0xa0: {  	p1 =	por p2, p1  }
0xa1: {  	s14 =	sadd.s32 @!p1 s11, s21;
	s15 =	simm.s32 @!p1 $0x0  }
0xa2: {  	[tilespmem:s15], [sflag:$0x1] =	stream.linear.gather @!p1 [hbm4b:s14+s15], $0x50, $0x38;
	[tilespmem:$0x1B380] =	vst v63  }
0xa3: {  	s16 =	simm.s32 @!p1 $0x180;
	s14 =	sadd.s32 @!p1 s11, s22  }
0xa4: {  	[tilespmem:s16], [sflag:$0x1] =	stream.linear.gather @!p1 [hbm4b:s14+s15], $0x50, $0x38;
	[tilespmem:$0x1B380] =	vst v63  }
.Ltmp7:
0xa5: {  	_ = 	snop;
	(pc) =	sbr.rel .LBB2_11-.Ltmp7, $4  }
0xa6: {  	_ =	swait.ge [sflag:s7], $0x2800  }
0xa7: {  	[sflag:s7] =	ssyncset.done $0x0  }
0xa8: {  	[sflag:s7] =	ssyncadd.s32 $0xFFFFD800  }
0xa9: {  	[spmem:s2] =	stream.indirect.scatter.add.f32 [tilespmem:s8], [sflag:$0x8], $0x80, s29, s26, $0xb8;
	[tilespmem:$0x1B380] =	vst v63  }
.LBB2_6:
0xaa: {  	p1 =	seq.s32 s11, $0x0  }
0xab: {  	p2 =	seq.s32 @!p1 s11, $0x9B00  }
0xac: {  	p2 =	por p1, !p2  }
.Ltmp8:
0xad: {  	_ = 	snop;
	(pc) =	sbr.rel @!p2 .LBB2_8-.Ltmp8, $4  }
0xae: {  	s14 =	simm.s32 @!p1 $0x9  }
0xaf: {  	_ =	swait.ge @!p1 [sflag:s14], $0x2800  }
0xb0: {  	[sflag:s14] =	ssyncset.done @!p1 $0x0  }
0xb1: {  	[sflag:s14] =	ssyncadd.s32 @!p1 $0xFFFFD800  }
0xb2: {  	_ =	swait.ge [sflag:s10], $0x50  }
0xb3: {  	[sflag:s10] =	ssyncset.done $0x0  }
0xb4: {  	[sflag:s10] =	ssyncadd.s32 $0xFFFFFFB0  }
0xb5: {  	_ =	swait.ge [sflag:s10], $0x50  }
0xb6: {  	[sflag:s10] =	ssyncset.done $0x0  }
0xb7: {  	p1 =	sgt.u32 s12, $0x7A;
	[sflag:s10] =	ssyncadd.s32 $0xFFFFFFB0  }
0xb8: {  	[tilespmem:s8], [sflag:$0x5] =	stream.indirect.gather [hbm4b:s1+s26], $0x80, s28, s26, $0xb8;
	[tilespmem:$0x1B380] =	vst v63  }
0xb9: {  	s14 =	sadd.s32 @!p1 s11, s21;
	s15 =	simm.s32 @!p1 $0x0;
	s16 =	simm.s32 @!p1 $0x100  }
0xba: {  	[tilespmem:s16], [sflag:$0x3] =	stream.linear.gather @!p1 [hbm4b:s14+s15], $0x50, $0x38;
	[tilespmem:$0x1B380] =	vst v63  }
0xbb: {  	s14 =	sadd.s32 @!p1 s11, s22;
	s16 =	simm.s32 @!p1 $0x280  }
0xbc: {  	[tilespmem:s16], [sflag:$0x3] =	stream.linear.gather @!p1 [hbm4b:s14+s15], $0x50, $0x38;
	[tilespmem:$0x1B380] =	vst v63  }
.LBB2_8:
.Ltmp9:
0xbd: {  	(pc) =	sbr.rel .LBB2_11-.Ltmp9, $4  }
0xbe: {  	_ =	swait.ge [sflag:s9], $0x2800  }
0xbf: {  	[sflag:s9] =	ssyncset.done $0x0  }
0xc0: {  	[sflag:s9] =	ssyncadd.s32 $0xFFFFD800  }
0xc1: {  	[spmem:s2] =	stream.indirect.scatter.add.f32 [tilespmem:s23], [sflag:$0x7], $0x80, s25, s26, $0xb8;
	[tilespmem:$0x1B380] =	vst v63  }
.LBB2_13:
0xc2: {  	_ =	sfence.sel $0x180000  }
0xc3: {  	[bflag:$0x0] =	sbarrier.arrive $0xFFFF  }
0xc4: {  	_ =	strace $0x90000047  }
0xc5: {  	[bflag:$0x2] =	sbarrier.arrive $0xFFFF  }
0xc6: {  	s0 =	rddreg [dreg:$0x4]  }
0xc7: {  	s0 =	sadd.s32 @!p0 $0x100000, s0  }
0xc8: {  	[sflag:s0] =	ssyncadd.tile.s32 @!p0 $0x1;
	_ =	shalt  }
.Lfunc_end2:
_tile_overlayer_lowered:
.L_overlay_start_2:
0xc9: {  	(tag) =	ssettag $0x2  }
0xca: {  	s0 =	rddreg [dreg:$0x0];
	s2 =	stileid.u32  }
0xcb: {  	s1 =	rddreg [dreg:$0x1];
	p0 =	sne.s32 s2, $0x0  }
0xcc: {  	s3 =	rddreg [dreg:$0x2];
	[bflag:$0x3] =	sbarrier.arrive $0xFFFF;
	s2 =	simm.s32 @!p0 $0x1C0A  }
0xcd: {  	[timem:s3], [sflag:s2] =	dma.local @!p0 [hbm:s0], s1  }
0xce: {  	s0 =	simm.s32 @!p0 $0xA  }
0xcf: {  	_ =	swait.ge @!p0 [sflag:s0], s1  }
0xd0: {  	s1 =	ssub.s32 @!p0 $0x0, s1;
	[sflag:s0] =	ssyncset.done @!p0 $0x0  }
0xd1: {  	[sflag:s0] =	ssyncadd.s32 @!p0 s1  }
0xd2: {  	[bflag:$0x3] =	sbarrier.arrive $0xFFFF  }
0xd3: {  	_ =	shalt  }

// kernel: kernel.8.cloned.1.call-start
scs
__scs_entry_jumppad:
0x0: {  	(pc) =	sbr.rel $0x88, $3  }
0x1: {  	(tag) =	ssettag $0x0;
	lr =	simm.s32 $0x1  }
0x2: {  	[smem:$0x3F9C] =	sst lr;
	_ =	strace $0xD0000000  }
0x3: {  	_ = 	snop  }
0x4: {  	_ = 	snop  }
0x5: {  	_ = 	snop  }
0x6: {  	_ = 	snop  }
0x7: {  	_ = 	snop  }
__scs_overlays_trampoline_lowered:
0x8: {  	[smem:$0x3FAB] =	sst s0  }
0x9: {  	[smem:$0x3FAC] =	sst s1  }
0xa: {  	[smem:$0x3FAD] =	sst s2  }
0xb: {  	[smem:$0x3FAE] =	sst s3  }
0xc: {  	[smem:$0x3FAF] =	sst s4  }
0xd: {  	[smem:$0x3FB0] =	sst s5  }
0xe: {  	[smem:$0x3FB1] =	sst s6  }
0xf: {  	[smem:$0x3FB2] =	sst s7  }
0x10: {  	[smem:$0x3FB3] =	sst s8  }
0x11: {  	[smem:$0x3FB4] =	sst s9;
	s0 =	simm.s32 @!p0 $0x0  }
0x12: {  	s1 =	sld [smem:$0x3F9A];
	s0 =	simm.s32 @p0 $0x1  }
0x13: {  	[smem:$0x3FB5] =	sst s0;
	s0 =	simm.s32 @!p1 $0x0  }
0x14: {  	s2 =	sld [smem:$0x3F99];
	s0 =	simm.s32 @p1 $0x1  }
0x15: {  	[smem:$0x3FB6] =	sst s0;
	s0 =	simm.s32 @!p2 $0x0  }
0x16: {  	s3 =	sld [smem:$0x3FDB];
	s0 =	simm.s32 @p2 $0x1  }
0x17: {  	s4 =	simm.s32 $0x1BF5;
	[smem:$0x3FB8] =	sst s0  }
0x18: {  	s0 =	sld [smem:$0x3F9B];
	_ =	swait.ge [sflag:s4], $0x0  }
0x19: {  	s7 =	sld [smem:$0x3F9C]  }
0x1a: {  	s8 =	sadd.s32 $0xFFFFE003, lr  }
0x1b: {  	s9 =	sadd.s32 $0xFFFFFEF7, lr;
	s5 =	simm.s32 $0xFFFFFFFF;
	p2 =	slt.u32 s8, $0xFFFFF086  }
0x1c: {  	p1 =	slt.u32 s9, $0xF7A;
	s5 =	simm.s32 @!p2 $0x0  }
0x1d: {  	s5 =	simm.s32 @p1 $0x1;
	p0 =	seq.s32 s7, s2  }
0x1e: {  	s7 =	smul.u32 @!p0 $0xF7A, s2;
	p2 =	seq.s32 @!p0 s5, $0x0  }
0x1f: {  	s9 =	smul.u32 $0xF7A, s1;
	s8 =	simm.s32 @!p0 $0x1BF5;
	p2 =	por !p2, p0  }
0x20: {  	[sflag:s8] =	ssyncset.s32 @!p0 $0xFFFFF086;
	s6 =	sadd.s32 @!p0 s3, s7;
	s7 =	simm.s32 @!p0 $0x108  }
0x21: {  	s3 =	sadd.s32 s3, s9;
	s6 =	sadd.s32 @!p0 $0x88, s6;
	s7 =	simm.s32 @p2 $0x1082  }
0x22: {  	[simem:s7], [sflag:s8] =	dma.local @!p0 [hbm:s6], $0xF7A  }
0x23: {  	s9 =	sor.u32 $0xD0000000, s2;
	s6 =	simm.s32 $0x108;
	_ =	swait.ge @!p0 [sflag:s8], $0x0  }
0x24: {  	s3 =	sadd.s32 $0x88, s3;
	s6 =	simm.s32 @!p1 $0x1082;
	[sflag:s4] =	ssyncset.s32 $0xFFFFF086  }
0x25: {  	[simem:s6], [sflag:s4] =	dma.local [hbm:s3], $0xF7A  }
0x26: {  	[smem:$0x3F9C] =	sst s1;
	(tag) =	ssettag s2;
	_ =	strace s9  }
0x27: {  	s1 =	sld [smem:$0x3FAC]  }
0x28: {  	s2 =	sld [smem:$0x3FAD]  }
0x29: {  	s4 =	sld [smem:$0x3FAF]  }
0x2a: {  	p0 =	seq.s32 s5, $0x0;
	s5 =	sld [smem:$0x3FB0]  }
0x2b: {  	s6 =	sld [smem:$0x3FB1]  }
0x2c: {  	s7 =	sld [smem:$0x3FB2]  }
0x2d: {  	s3 =	simm.s32 $0x108;
	s8 =	sld [smem:$0x3FB3]  }
0x2e: {  	s3 =	simm.s32 @!p0 $0x1082;
	s9 =	sld [smem:$0x3FB4]  }
0x2f: {  	lr =	sadd.s32 s0, s3;
	s0 =	sld [smem:$0x3FAB]  }
0x30: {  	s3 =	sld [smem:$0x3FAE]  }
0x31: {  	[smem:$0x3FB7] =	sst s10  }
0x32: {  	s10 =	sld [smem:$0x3FB5];
	_ =	sdelay $0x3  }
0x33: {  	p0 =	seq.s32 s10, $0x1;
	s10 =	sld [smem:$0x3FB7];
	_ =	sdelay $0x3  }
0x34: {  	[smem:$0x3FB7] =	sst s10  }
0x35: {  	s10 =	sld [smem:$0x3FB6];
	_ =	sdelay $0x3  }
0x36: {  	p1 =	seq.s32 s10, $0x1;
	s10 =	sld [smem:$0x3FB7];
	_ =	sdelay $0x3  }
0x37: {  	[smem:$0x3FB7] =	sst s10  }
0x38: {  	s10 =	sld [smem:$0x3FB8]  }
0x39: {  	_ = 	snop;
	(pc) =	sbr.ind lr, $3  }
0x3a: {  	_ = 	snop  }
0x3b: {  	_ = 	snop  }
0x3c: {  	p2 =	seq.s32 s10, $0x1;
	s10 =	sld [smem:$0x3FB7]  }
0x3d: {  	_ =	shalt  }
0x3e: {  	_ =	shalt  }
0x3f: {  	_ =	shalt  }
0x40: {  	_ =	shalt  }
0x41: {  	_ =	shalt  }
0x42: {  	_ =	shalt  }
0x43: {  	_ =	shalt  }
0x44: {  	_ =	shalt  }
0x45: {  	_ =	shalt  }
0x46: {  	_ =	shalt  }
0x47: {  	_ =	shalt  }
0x48: {  	_ =	shalt  }
0x49: {  	_ =	shalt  }
0x4a: {  	_ =	shalt  }
0x4b: {  	_ =	shalt  }
0x4c: {  	_ =	shalt  }
0x4d: {  	_ =	shalt  }
0x4e: {  	_ =	shalt  }
0x4f: {  	_ =	shalt  }
0x50: {  	_ =	shalt  }
0x51: {  	_ =	shalt  }
0x52: {  	_ =	shalt  }
0x53: {  	_ =	shalt  }
0x54: {  	_ =	shalt  }
0x55: {  	_ =	shalt  }
0x56: {  	_ =	shalt  }
0x57: {  	_ =	shalt  }
0x58: {  	_ =	shalt  }
0x59: {  	_ =	shalt  }
0x5a: {  	_ =	shalt  }
0x5b: {  	_ =	shalt  }
0x5c: {  	_ =	shalt  }
0x5d: {  	_ =	shalt  }
0x5e: {  	_ =	shalt  }
0x5f: {  	_ =	shalt  }
0x60: {  	_ =	shalt  }
0x61: {  	_ =	shalt  }
0x62: {  	_ =	shalt  }
0x63: {  	_ =	shalt  }
0x64: {  	_ =	shalt  }
0x65: {  	_ =	shalt  }
0x66: {  	_ =	shalt  }
0x67: {  	_ =	shalt  }
0x68: {  	_ =	shalt  }
0x69: {  	_ =	shalt  }
0x6a: {  	_ =	shalt  }
0x6b: {  	_ =	shalt  }
0x6c: {  	_ =	shalt  }
0x6d: {  	_ =	shalt  }
0x6e: {  	_ =	shalt  }
0x6f: {  	_ =	shalt  }
0x70: {  	_ =	shalt  }
0x71: {  	_ =	shalt  }
0x72: {  	_ =	shalt  }
0x73: {  	_ =	shalt  }
0x74: {  	_ =	shalt  }
0x75: {  	_ =	shalt  }
0x76: {  	_ =	shalt  }
0x77: {  	_ =	shalt  }
0x78: {  	_ =	shalt  }
0x79: {  	_ =	shalt  }
0x7a: {  	_ =	shalt  }
0x7b: {  	_ =	shalt  }
0x7c: {  	_ =	shalt  }
0x7d: {  	_ =	shalt  }
0x7e: {  	_ =	shalt  }
0x7f: {  	_ =	shalt  }
0x80: {  	_ =	shalt  }
0x81: {  	_ =	shalt  }
0x82: {  	_ =	shalt  }
0x83: {  	_ =	shalt  }
0x84: {  	_ =	shalt  }
0x85: {  	_ =	shalt  }
0x86: {  	_ =	shalt  }
0x87: {  	_ =	shalt  }
.Lfunc_end0:
.L_simem_size_0:
called_computation.1_lowered:
.L_overlay_start_0:
0x88: {  	s2 =	sld [smem:$0x3FD9]  }
0x89: {  	s3 =	sld [smem:$0x3FFE];
	_ =	sdelay $0x1  }
0x8a: {  	s1 =	srdreg.scid  }
0x8b: {  	s0 =	sand.u32 $0x1, s1  }
0x8c: {  	s17 =	sshll.u32 s0, $0xA;
	s2 =	sadd.s32 s3, s2  }
0x8d: {  	s2 =	sadd.s32 s2, s17  }
0x8e: {  	[smem:$0x3FC3] =	sst s2  }
0x8f: {  	_ = 	snop  }
0x90: {  	s18 =	sld [smem:$0x3FD0];
	(tm) =	ssettm $0x1  }
0x91: {  	s19 =	sld [smem:$0x3FFB];
	_ =	sdelay $0x3  }
0x92: {  	_ =	strace s19  }
0x93: {  	s2 =	sld [smem:$0x3FFC];
	_ =	sdelay $0x3  }
0x94: {  	_ =	strace s2  }
0x95: {  	s2 =	sld [smem:$0x3FFD];
	_ =	sdelay $0x3  }
0x96: {  	_ =	strace s2  }
0x97: {  	_ =	strace $0x8FFFFFFF  }
0x98: {  	s20 =	sld [smem:$0x3FDB];
	_ =	sdelay $0x1  }
0x99: {  	s4 =	simm.s32 $_scs_section_size  }
0x9a: {  	s5 =	simm.s32 $_size__tile_overlayer_lowered;
	s6 =	simm.s32 $_tile_overlayer_lowered  }
0x9b: {  	s7 =	simm.s32 $0x1BFF;
	s21 =	sshll.u32 s6, $0x1;
	s4 =	sadd.s32 s4, s20  }
0x9c: {  	s22 =	simm.s32 $0x0;
	s5 =	sshll.u32 s5, $0x1;
	s6 =	sadd.s32 s21, s4  }
0x9d: {  	[timem:s22], [sflag:s7] =	dma.local [hbm:s6], s5  }
0x9e: {  	_ =	swait.ge [sflag:s7], s5  }
0x9f: {  	s5 =	ssub.s32 $0x0, s5;
	[sflag:s7] =	ssyncset.done $0x0  }
0xa0: {  	[sflag:s7] =	ssyncadd.s32 s5;
	_ =	sdelay $0x1  }
0xa1: {  	s23 =	simm.s32 $0x1B8B  }
0xa2: {  	_ =	swait.ge [sflag:s23], $0x1  }
0xa3: {  	[sflag:s23] =	ssyncset.done $0x0  }
0xa4: {  	[sflag:s23] =	ssyncadd.s32 $0xFFFFFFFF  }
0xa5: {  	s5 =	sld [smem:$0x0]  }
0xa6: {  	s6 =	sand.u32 $0xFFFFFFFE, s1  }
0xa7: {  	p0 =	sne.s32 s1, s6  }
0xa8: {  	s6 =	sshll.u32 @p0 s6, $0xE  }
0xa9: {  	s6 =	sadd.s32 @p0 $0x11B8D, s6;
	s7 =	sshll.u32 @p0 s5, $0x11  }
0xaa: {  	s6 =	sor.u32 @p0 s7, s6  }
0xab: {  	[sflag:s6] =	ssyncadd.remote.s32 @p0 $0x1;
	_ =	sdelay $0x1  }
0xac: {  	s6 =	simm.s32 @p0 $0x1B8D  }
0xad: {  	_ =	swait.eq @p0 [sflag:s6], $0x1  }
0xae: {  	[sflag:s6] =	ssyncadd.s32 @p0 $0xFFFFFFFF  }
0xaf: {  	s7 =	sshll.u32 @!p0 s1, $0xE  }
0xb0: {  	s7 =	sor.u32 @!p0 $0x4000, s7;
	s6 =	simm.s32 @!p0 $0x1B8D  }
0xb1: {  	s5 =	sshll.u32 @!p0 s5, $0x11;
	s7 =	sadd.s32 @!p0 $0x11B8D, s7;
	_ =	swait.eq @!p0 [sflag:s6], $0x1  }
0xb2: {  	s5 =	sor.u32 @!p0 s5, s7;
	[sflag:s6] =	ssyncadd.s32 @!p0 $0xFFFFFFFF  }
0xb3: {  	s25 =	simm.s32 $0x1B8E;
	s24 =	sld [smem:$0x3FFE];
	[sflag:s5] =	ssyncadd.remote.s32 @!p0 $0x1  }
0xb4: {  	s26 =	simm.s32 $execute0_lowered;
	[smem:$0x3FD2] =	sst s25  }
0xb5: {  	s6 =	sshll.u32 s26, $0x1;
	_ =	strace $0x80000049;
	[dreg:$0x1] =	wrdreg $0xFFFFFFFF  }
0xb6: {  	s28 =	simm.s32 $_size_execute0_lowered;
	s4 =	sadd.s32 s4, s6;
	[dreg:$0x0] =	wrdreg $0x0  }
0xb7: {  	s6 =	sshll.u32 s28, $0x1;
	[dreg:$0x2] =	wrdreg s4  }
0xb8: {  	[dreg:$0x3] =	wrdreg s6  }
0xb9: {  	[dreg:$0x4] =	wrdreg $0xC0  }
0xba: {  	_ =	task [dreg:s22], $0x5FFFF  }
0xbb: {  	[dreg:$0x1] =	wrdreg $0xFFFFFFFF  }
0xbc: {  	[dreg:$0x0] =	wrdreg $0x60  }
0xbd: {  	[dreg:$0x2] =	wrdreg s18  }
0xbe: {  	[dreg:$0x3] =	wrdreg s24  }
0xbf: {  	[dreg:$0x4] =	wrdreg $0xA1000  }
0xc0: {  	[dreg:$0x5] =	wrdreg $0xA  }
0xc1: {  	_ =	task.clear_ibuf [dreg:s22], $0x6FFFF;
	_ =	strace $0x90000049  }
0xc2: {  	s29 =	simm.s32 $0xA;
	_ =	strace $0x8000004B  }
0xc3: {  	_ =	swait.ge [sflag:s29], $0x1  }
0xc4: {  	[sflag:s29] =	ssyncadd.s32 $0xFFFFFFFF  }
0xc5: {  	_ =	strace $0x9000004B  }
0xc6: {  	_ =	sfence  }
0xc7: {  	s30 =	sld [smem:$0x0];
	_ =	sdelay $0x2  }
0xc8: {  	s31 =	sshll.u32 s1, $0xD;
	s1 =	sshrl.u32 s1, $0x2  }
0xc9: {  	s4 =	sand.u32 $0x4000, s31;
	s1 =	sadd.s32 s1, s30  }
0xca: {  	s0 =	sor.u32 s4, s0;
	s1 =	sshll.u32 s1, $0x11  }
0xcb: {  	s0 =	sor.u32 s1, s0  }
0xcc: {  	s0 =	sadd.s32 $0x8F2B, s0  }
0xcd: {  	[sflag:s0] =	ssyncadd.remote.s32 $0x1  }
0xce: {  	_ =	sfence.sel $0xFFFF  }
0xcf: {  	[dreg:$0x0] =	wrdreg $0xFFFFFFFF;
	(pc) =	sbr.abs _section_cstart, $3  }
0xd0: {  	[dreg:$0x1] =	wrdreg $0xFFFFFFFF  }
0xd1: {  	_ =	task.clear_ibuf [dreg:s22], $0x2FFFF;
	_ =	strace $0x9FFFFFFF  }
0xd2: {  	(tm) =	ssettm $0x7FFFFFFF  }
0xd3: {  	_ =	shalt  }
tec
execute0_lowered:
.L_overlay_start_1:
0x0: {  	(tag) =	ssettag $0x1  }
0x1: {  	s1 =	rddreg [dreg:$0x0]  }
0x2: {  	s0 =	rddreg [dreg:$0x1]  }
0x3: {  	s2 =	rddreg [dreg:$0x2];
	s3 =	simm.s32 $0x0  }
0x4: {  	s4 =	srdreg.scid;
	s21 =	stileid.u32;
	s22 =	simm.s32 $0x5  }
0x5: {  	s28 =	simm.s32 $0x7900;
	s29 =	simm.s32 $0x3;
	s30 =	simm.s32 $0x2900  }
0x6: {  	s31 =	simm.s32 $0x0;
	[smem:$0x7FF] =	sst s3;
	s4 =	sand.u32 $0x1, s4  }
0x7: {  	s6 =	smul.u32 $0x4E000, s21;
	s5 =	sadd.s32 $0x59C00, s0;
	s0 =	sadd.s32 $0x53BC00, s0  }
0x8: {  	s9 =	sshll.u32 s21, $0x1;
	s18 =	smul.u32 $0x2700, s21;
	s14 =	sadd.s32 $0x138000, s2  }
0x9: {  	p0 =	sne.s32 s21, $0x0;
	s21 =	simm.s32 $0x5100;
	s19 =	smul.u32 $0x138800, s4  }
0xa: {  	s7 =	ssub.s32 $0x2, s4;
	s17 =	sor.u32 s4, s9;
	s4 =	smul.u32 $0x27100, s4  }
0xb: {  	_ =	strace $0x8000004A;
	s8 =	sshrl.u32 s7, $0x1;
	s24 =	smul.u32 $0xA, s17  }
0xc: {  	s6 =	sshrl.u32 s6, $0x2;
	s16 =	smul.u32 $0x500, s17;
	s17 =	sor.u32 $0x20, s17  }
0xd: {  	s6 =	sadd.s32 s6, s2;
	s7 =	ssub.s32 s7, s8;
	s26 =	sshrl.u32 s19, $0x3  }
0xe: {  	s4 =	sadd.s32 s18, s4;
	s23 =	sadd.s32 $0x2800, s6;
	s25 =	sadd.s32 $0x5000, s6  }
0xf: {  	s9 =	sadd.s32 $0x7800, s6;
	s10 =	sadd.s32 $0xA000, s6;
	s11 =	sadd.s32 $0xC800, s6  }
.Ltmp0:
0x10: {  	s12 =	sadd.s32 $0xF000, s6;
	s13 =	sadd.s32 $0x11800, s6;
	(pc) =	sbr.rel .LBB2_1-.Ltmp0, $4  }
0x11: {  	s15 =	sadd.s32 s1, s24;
	s16 =	sadd.s32 s5, s16;
	s8 =	sadd.s32 s0, s26  }
0x12: {  	s18 =	sadd.s32 s0, s4;
	s20 =	smax.u32 s7, $0x1;
	[dreg:$0x4] =	wrdreg s23  }
0x13: {  	v0 =	vimm.f32 $0.0e+00;
	vm0 =	vcmask $0x300;
	s24 =	simm.s32 $0x2;
	s26 =	simm.s32 $0x80;
	[dreg:$0x5] =	wrdreg s25  }
0x14: {  	v1 =	vsel vm0, $0x3F800000, v0;
	s19 =	sadd.s32 $0x27000, s8;
	s23 =	simm.s32 $0x100;
	s25 =	simm.s32 $0x50  }
.LBB2_16:
0x15: {  	_ =	swait.ge [sflag:s29], $0x2800  }
0x16: {  	s0 =	stileid.u32;
	[sflag:s29] =	ssyncset.done $0x0  }
0x17: {  	s0 =	sshll.u32 s0, $0x6;
	[sflag:s29] =	ssyncadd.s32 $0xFFFFD800  }
0x18: {  	s4 =	sshrl.u32 s6, $0x3;
	s0 =	sor.u32 $0x1C05, s0;
	[bflag:$0x0] =	sbarrier.arrive $0xFFFF  }
0x19: {  	[hbm:s18], [sflag:s0] =	dma.local [spmem:s4], $0x2700  }
0x1a: {  	_ =	swait.ge [sflag:s22], $0x2700  }
0x1b: {  	s31 =	sadd.s32 $0x1, s31;
	[sflag:s22] =	ssyncset.done $0x0  }
0x1c: {  	p1 =	sne.s32 s31, s20;
	s4 =	sshrl.u32 @!p0 s14, $0x3;
	[sflag:s22] =	ssyncadd.s32 $0xFFFFD900  }
0x1d: {  	[hbm:s19], [sflag:s0] =	dma.local @!p0 [spmem:s4], $0x100  }
.Ltmp1:
0x1e: {  	_ = 	snop;
	(pc) =	sbr.rel @!p1 .LBB2_17-.Ltmp1, $4  }
0x1f: {  	s0 =	simm.s32 @!p0 $0x5  }
0x20: {  	_ =	swait.ge @!p0 [sflag:s0], $0x100  }
0x21: {  	[sflag:s0] =	ssyncset.done @!p0 $0x0  }
0x22: {  	[sflag:s0] =	ssyncadd.s32 @!p0 $0xFFFFFF00  }
.LBB2_1:
0x23: {  	s0 =	simm.s32 $0x0;
	s4 =	simm.s32 $0x200  }
.LBB2_2:
0x24: {  	p1 =	sne.s32 s4, $0x9E00;
	[tilespmem:s0+$0x7970] =	vst v0  }
0x25: {  	[tilespmem:s0+$0x5100] =	vst v0  }
0x26: {  	[tilespmem:s0+$0x7900] =	vst v0  }
0x27: {  	[tilespmem:s0+$0x5110] =	vst v0  }
0x28: {  	[tilespmem:s0+$0x7910] =	vst v0  }
0x29: {  	[tilespmem:s0+$0x5120] =	vst v0  }
0x2a: {  	[tilespmem:s0+$0x7920] =	vst v0  }
0x2b: {  	[tilespmem:s0+$0x5130] =	vst v0  }
0x2c: {  	[tilespmem:s0+$0x7930] =	vst v0  }
0x2d: {  	[tilespmem:s0+$0x5140] =	vst v0  }
0x2e: {  	[tilespmem:s0+$0x7940] =	vst v0  }
.Ltmp2:
0x2f: {  	[tilespmem:s0+$0x5150] =	vst v0;
	(pc) =	sbr.rel @p1 .LBB2_2-.Ltmp2, $4  }
0x30: {  	[tilespmem:s0+$0x7950] =	vst v0  }
0x31: {  	[tilespmem:s0+$0x5160] =	vst v0  }
0x32: {  	[tilespmem:s0+$0x7960] =	vst v0  }
0x33: {  	[tilespmem:s0+$0x5170] =	vst v0;
	s0 =	sshra.s32 s4, $0x2;
	s4 =	sadd.s32 $0x200, s4  }
0x34: {  	[tilespmem:s0+$0x7970] =	vst v0  }
0x35: {  	[tilespmem:s0+$0x5100] =	vst v0  }
0x36: {  	[tilespmem:s0+$0x7900] =	vst v0  }
0x37: {  	[tilespmem:s0+$0x5110] =	vst v0  }
0x38: {  	[tilespmem:s0+$0x7910] =	vst v0  }
0x39: {  	[tilespmem:s0+$0x5120] =	vst v0  }
0x3a: {  	[tilespmem:s0+$0x7920] =	vst v0  }
0x3b: {  	[tilespmem:s0+$0x5130] =	vst v0  }
0x3c: {  	[tilespmem:s0+$0x7930] =	vst v0  }
0x3d: {  	[tilespmem:s0+$0x5140] =	vst v0  }
0x3e: {  	[tilespmem:s0+$0x7940] =	vst v0  }
0x3f: {  	[tilespmem:s0+$0x5150] =	vst v0  }
0x40: {  	[tilespmem:s0+$0x7950] =	vst v0  }
0x41: {  	[tilespmem:s0+$0x5160] =	vst v0  }
0x42: {  	[tilespmem:s0+$0x7960] =	vst v0  }
0x43: {  	[tilespmem:s0+$0x5170] =	vst v0  }
0x44: {  	[spmem:s6] =	stream.linear.scatter [tilespmem:s21], [sflag:$0x5], $0x2800, $0x38;
	[tilespmem:$0x1D980] =	vst v63  }
0x45: {  	_ =	swait.ge [sflag:s22], $0x2800  }
0x46: {  	[sflag:s22] =	ssyncset.done $0x0  }
0x47: {  	s7 =	rddreg [dreg:$0x4];
	[sflag:s22] =	ssyncadd.s32 $0xFFFFD800  }
0x48: {  	[spmem:s7] =	stream.linear.scatter [tilespmem:s21], [sflag:$0x5], $0x2800, $0x38;
	[tilespmem:$0x1D980] =	vst v63  }
0x49: {  	_ =	swait.ge [sflag:s22], $0x2800  }
0x4a: {  	[sflag:s22] =	ssyncset.done $0x0  }
0x4b: {  	s8 =	rddreg [dreg:$0x5];
	[sflag:s22] =	ssyncadd.s32 $0xFFFFD800  }
0x4c: {  	[spmem:s8] =	stream.linear.scatter [tilespmem:s21], [sflag:$0x5], $0x2800, $0x38;
	[tilespmem:$0x1D980] =	vst v63  }
0x4d: {  	_ =	swait.ge [sflag:s22], $0x2800  }
0x4e: {  	[sflag:s22] =	ssyncset.done $0x0  }
0x4f: {  	[sflag:s22] =	ssyncadd.s32 $0xFFFFD800  }
0x50: {  	[spmem:s9] =	stream.linear.scatter [tilespmem:s21], [sflag:$0x5], $0x2800, $0x38;
	[tilespmem:$0x1D980] =	vst v63  }
0x51: {  	_ =	swait.ge [sflag:s22], $0x2800  }
0x52: {  	[sflag:s22] =	ssyncset.done $0x0  }
0x53: {  	[sflag:s22] =	ssyncadd.s32 $0xFFFFD800  }
0x54: {  	[spmem:s10] =	stream.linear.scatter [tilespmem:s21], [sflag:$0x5], $0x2800, $0x38;
	[tilespmem:$0x1D980] =	vst v63  }
0x55: {  	_ =	swait.ge [sflag:s22], $0x2800  }
0x56: {  	[sflag:s22] =	ssyncset.done $0x0  }
0x57: {  	[sflag:s22] =	ssyncadd.s32 $0xFFFFD800  }
0x58: {  	[spmem:s11] =	stream.linear.scatter [tilespmem:s21], [sflag:$0x5], $0x2800, $0x38;
	[tilespmem:$0x1D980] =	vst v63  }
0x59: {  	_ =	swait.ge [sflag:s22], $0x2800  }
0x5a: {  	[sflag:s22] =	ssyncset.done $0x0  }
0x5b: {  	[sflag:s22] =	ssyncadd.s32 $0xFFFFD800  }
0x5c: {  	[spmem:s12] =	stream.linear.scatter [tilespmem:s21], [sflag:$0x5], $0x2800, $0x38;
	[tilespmem:$0x1D980] =	vst v63  }
0x5d: {  	_ =	swait.ge [sflag:s22], $0x2800  }
0x5e: {  	[sflag:s22] =	ssyncset.done $0x0  }
0x5f: {  	[sflag:s22] =	ssyncadd.s32 $0xFFFFD800  }
0x60: {  	[spmem:s13] =	stream.linear.scatter [tilespmem:s21], [sflag:$0x5], $0x2000, $0x38;
	[tilespmem:$0x1D980] =	vst v63  }
0x61: {  	_ =	swait.ge [sflag:s22], $0x2000  }
0x62: {  	[sflag:s22] =	ssyncset.done $0x0  }
0x63: {  	s0 =	simm.s32 @!p0 $0x5100;
	[sflag:s22] =	ssyncadd.s32 $0xFFFFE000  }
0x64: {  	[spmem:s14] =	stream.linear.scatter @!p0 [tilespmem:s0], [sflag:$0x5], $0x800, $0x38;
	[tilespmem:$0x1D980] =	vst v63  }
0x65: {  	s0 =	simm.s32 @!p0 $0x5  }
0x66: {  	_ =	swait.ge @!p0 [sflag:s0], $0x800  }
0x67: {  	[sflag:s0] =	ssyncset.done @!p0 $0x0  }
0x68: {  	[sflag:s0] =	ssyncadd.s32 @!p0 $0xFFFFF800  }
0x69: {  	s4 =	simm.s32 $0x10;
	s0 =	simm.s32 $0x240;
	[bflag:$0x0] =	sbarrier.arrive $0xFFFF  }
.LBB2_4:
0x6a: {  	p1 =	sne.s32 s0, $0x9E40;
	[tilespmem:s4+$0x5100] =	vst v1;
	s7 =	smov.u32 s0;
	s0 =	sadd.s32 $0x200, s0  }
.Ltmp3:
0x6b: {  	[tilespmem:s4+$0x7900] =	vst v1;
	(pc) =	sbr.rel @p1 .LBB2_4-.Ltmp3, $2  }
0x6c: {  	_ =	sdelay $0x2  }
0x6d: {  	s4 =	sshra.s32 s7, $0x2  }
0x6e: {  	[tilespmem:s4+$0x5100] =	vst v1  }
0x6f: {  	[tilespmem:s4+$0x7900] =	vst v1;
	s0 =	simm.s32 $0x0  }
0x70: {  	[tilespmem:s0], [sflag:$0x5] =	stream.linear.gather [hbm4b:s15+s0], $0x50, $0x38;
	[tilespmem:$0x1D980] =	vst v63  }
0x71: {  	_ =	swait.ge [sflag:s22], $0x50  }
0x72: {  	[sflag:s22] =	ssyncset.done $0x0  }
.Ltmp4:
0x73: {  	[sflag:s22] =	ssyncadd.s32 $0xFFFFFFB0;
	(pc) =	sbr.rel .LBB2_6-.Ltmp4, $4  }
0x74: {  	[tilespmem:s23], [sflag:$0x5] =	stream.linear.gather [hbm4b:s16+s0], $0x2800, $0x38;
	[tilespmem:$0x1D980] =	vst v63  }
0x75: {  	_ =	swait.ge [sflag:s22], $0x2800  }
0x76: {  	[sflag:s22] =	ssyncset.done $0x0  }
0x77: {  	[sflag:s22] =	ssyncadd.s32 $0xFFFFD800  }
.LBB2_15:
0x78: {  	s0 =	sadd.s32 $0x1, s0  }
0x79: {  	p1 =	sne.s32 s0, $0x7D  }
.Ltmp5:
0x7a: {  	_ = 	snop;
	(pc) =	sbr.rel @!p1 .LBB2_16-.Ltmp5, $1  }
0x7b: {  	_ =	sdelay $0x3  }
.LBB2_6:
0x7c: {  	s4 =	sand.u32 $0x1, s0  }
0x7d: {  	p1 =	seq.s32 s4, $0x1  }
.Ltmp6:
0x7e: {  	_ = 	snop;
	(pc) =	sbr.rel @p1 .LBB2_11-.Ltmp6, $1  }
0x7f: {  	_ =	sdelay $0x3  }
0x80: {  	p1 =	seq.s32 s0, $0x0  }
0x81: {  	s7 =	simm.s32 @!p1 $0x1  }
0x82: {  	_ =	swait.ge @!p1 [sflag:s7], $0x50  }
0x83: {  	[sflag:s7] =	ssyncset.done @!p1 $0x0  }
0x84: {  	[sflag:s7] =	ssyncadd.s32 @!p1 $0xFFFFFFB0  }
0x85: {  	_ =	swait.ge @!p1 [sflag:s7], $0x2800  }
0x86: {  	[sflag:s7] =	ssyncset.done @!p1 $0x0  }
0x87: {  	[sflag:s7] =	ssyncadd.s32 @!p1 $0xFFFFD800;
	s7 =	simm.s32 $0x0  }
0x88: {  	s8 =	simm.s32 $0x200;
	v2 =	vld [tilespmem:s7+$0x100]  }
.LBB2_8:
0x89: {  	p2 =	sne.s32 s8, $0x9E00  }
.Ltmp7:
0x8a: {  	_ = 	snop;
	(pc) =	sbr.rel @p2 .LBB2_8-.Ltmp7, $3  }
0x8b: {  	_ =	sdelay $0x1  }
0x8c: {  	[tilespmem:s7+$0x5100] =	vst v2;
	s7 =	sshra.s32 s8, $0x2;
	s8 =	sadd.s32 $0x200, s8  }
0x8d: {  	v2 =	vld [tilespmem:s7+$0x100]  }
0x8e: {  	_ =	sdelay $0x1  }
0x8f: {  	p2 =	seq.s32 @!p1 s0, $0x7C  }
0x90: {  	p2 =	por p1, !p2  }
.Ltmp8:
0x91: {  	[tilespmem:s7+$0x5100] =	vst v2;
	s7 =	simm.s32 @!p1 $0x4;
	(pc) =	sbr.rel @!p2 .LBB2_16-.Ltmp8, $4  }
0x92: {  	[spmem:s2] =	stream.indirect.scatter.add.f32 [tilespmem:s21], [sflag:$0x3], $0x80, s3, s25, $0xb8;
	[tilespmem:$0x1D980] =	vst v63  }
0x93: {  	_ =	swait.ge @!p1 [sflag:s7], $0x2800  }
0x94: {  	[sflag:s7] =	ssyncset.done @!p1 $0x0  }
0x95: {  	[sflag:s7] =	ssyncadd.s32 @!p1 $0xFFFFD800  }
0x96: {  	s7 =	sshll.u32 s0, $0x5  }
0x97: {  	s7 =	sor.u32 s17, s7  }
0x98: {  	p1 =	seq.s32 s4, $0x0;
	s8 =	smul.u32 $0xA, s7  }
.Ltmp9:
0x99: {  	_ = 	snop;
	(pc) =	sbr.rel @p1 .LBB2_15-.Ltmp9, $4  }
0x9a: {  	s7 =	smul.u32 $0x500, s7;
	s8 =	sadd.s32 s1, s8  }
0x9b: {  	[tilespmem:s26], [sflag:$0x2] =	stream.linear.gather [hbm4b:s8+s3], $0x50, $0x38;
	[tilespmem:$0x1D980] =	vst v63  }
0x9c: {  	s7 =	sadd.s32 s5, s7  }
0x9d: {  	[tilespmem:s30], [sflag:$0x2] =	stream.linear.gather [hbm4b:s7+s3], $0x2800, $0x38;
	[tilespmem:$0x1D980] =	vst v63  }
.LBB2_11:
0x9e: {  	_ =	swait.ge [sflag:s24], $0x50  }
0x9f: {  	[sflag:s24] =	ssyncset.done $0x0  }
0xa0: {  	[sflag:s24] =	ssyncadd.s32 $0xFFFFFFB0  }
0xa1: {  	_ =	swait.ge [sflag:s24], $0x2800  }
0xa2: {  	[sflag:s24] =	ssyncset.done $0x0  }
0xa3: {  	s4 =	simm.s32 $0x0;
	[sflag:s24] =	ssyncadd.s32 $0xFFFFD800  }
0xa4: {  	s7 =	simm.s32 $0x200;
	v2 =	vld [tilespmem:s4+$0x2900]  }
.LBB2_12:
0xa5: {  	p1 =	sne.s32 s7, $0x9E00  }
.Ltmp10:
0xa6: {  	_ = 	snop;
	(pc) =	sbr.rel @p1 .LBB2_12-.Ltmp10, $3  }
0xa7: {  	_ =	sdelay $0x1  }
0xa8: {  	[tilespmem:s4+$0x7900] =	vst v2;
	s4 =	sshra.s32 s7, $0x2;
	s7 =	sadd.s32 $0x200, s7  }
0xa9: {  	v2 =	vld [tilespmem:s4+$0x2900]  }
0xaa: {  	_ =	sdelay $0x2  }
0xab: {  	p1 =	seq.s32 s0, $0x7C  }
.Ltmp11:
0xac: {  	[tilespmem:s4+$0x7900] =	vst v2;
	(pc) =	sbr.rel @p1 .LBB2_16-.Ltmp11, $4  }
0xad: {  	[spmem:s2] =	stream.indirect.scatter.add.f32 [tilespmem:s28], [sflag:$0x4], $0x80, s26, s25, $0xb8;
	[tilespmem:$0x1D980] =	vst v63  }
0xae: {  	_ =	swait.ge [sflag:s29], $0x2800  }
0xaf: {  	[sflag:s29] =	ssyncset.done $0x0  }
0xb0: {  	[sflag:s29] =	ssyncadd.s32 $0xFFFFD800  }
0xb1: {  	s4 =	sshll.u32 s0, $0x5  }
0xb2: {  	s4 =	sadd.s32 s17, s4  }
0xb3: {  	s7 =	smul.u32 $0xA, s4  }
.Ltmp12:
0xb4: {  	_ = 	snop;
	(pc) =	sbr.rel .LBB2_15-.Ltmp12, $4  }
0xb5: {  	s4 =	smul.u32 $0x500, s4;
	s7 =	sadd.s32 s1, s7  }
0xb6: {  	[tilespmem:s3], [sflag:$0x1] =	stream.linear.gather [hbm4b:s7+s3], $0x50, $0x38;
	[tilespmem:$0x1D980] =	vst v63  }
0xb7: {  	s4 =	sadd.s32 s5, s4  }
0xb8: {  	[tilespmem:s23], [sflag:$0x1] =	stream.linear.gather [hbm4b:s4+s3], $0x2800, $0x38;
	[tilespmem:$0x1D980] =	vst v63  }
.LBB2_17:
0xb9: {  	_ =	sfence.sel $0x180000  }
0xba: {  	[bflag:$0x0] =	sbarrier.arrive $0xFFFF  }
0xbb: {  	_ =	strace $0x9000004A  }
0xbc: {  	[bflag:$0x2] =	sbarrier.arrive $0xFFFF  }
0xbd: {  	s0 =	rddreg [dreg:$0x3]  }
0xbe: {  	s0 =	sadd.s32 @!p0 $0x100000, s0  }
0xbf: {  	[sflag:s0] =	ssyncadd.tile.s32 @!p0 $0x1;
	_ =	shalt  }
.Lfunc_end2:
_tile_overlayer_lowered:
.L_overlay_start_2:
0xc0: {  	(tag) =	ssettag $0x2  }
0xc1: {  	s0 =	rddreg [dreg:$0x0];
	s2 =	stileid.u32  }
0xc2: {  	s1 =	rddreg [dreg:$0x1];
	p0 =	sne.s32 s2, $0x0  }
0xc3: {  	s3 =	rddreg [dreg:$0x2];
	[bflag:$0x3] =	sbarrier.arrive $0xFFFF;
	s2 =	simm.s32 @!p0 $0x1C05  }
0xc4: {  	[timem:s3], [sflag:s2] =	dma.local @!p0 [hbm:s0], s1  }
0xc5: {  	s0 =	simm.s32 @!p0 $0x5  }
0xc6: {  	_ =	swait.ge @!p0 [sflag:s0], s1  }
0xc7: {  	s1 =	ssub.s32 @!p0 $0x0, s1;
	[sflag:s0] =	ssyncset.done @!p0 $0x0  }
0xc8: {  	[sflag:s0] =	ssyncadd.s32 @!p0 s1  }
0xc9: {  	[bflag:$0x3] =	sbarrier.arrive $0xFFFF  }
0xca: {  	_ =	shalt  }

</sc_bundles>
